<compile_context>
chip_gen: v7x
topology: tpu7x:2x2x1
jax: 0.10.2.dev20260603
libtpu: 0.0.44.dev20260713+nightly
codegen_flags: <defaults>
</compile_context>

<pallas_src>
import functools

import jax
import jax.numpy as jnp
from jax import lax
from jax.experimental import pallas as pl
from jax.experimental.pallas import tpu as pltpu
from jax.experimental.pallas import tpu_sc as plsc

NCORES = 2
NSUB = 16
LANES = 16
W = 128
CH = 8
BN = 2000


def _mesh():
    return plsc.VectorSubcoreMesh(core_axis_name="c", subcore_axis_name="s")


def _make_deg_kernel(NP, NRP):
    NW = NRP // (NCORES * NSUB)
    SR = NP // NSUB
    ZCH = SR // 2
    D = 8
    L = 4

    @functools.partial(
        pl.kernel,
        mesh=_mesh(),
        compiler_params=pltpu.CompilerParams(use_tc_tiling_on_sc=False),
        out_type=jax.ShapeDtypeStruct((NCORES, NP, LANES), jnp.float32),
        scratch_types=[
            pltpu.VMEM_SHARED((NP, LANES), jnp.float32),
            pltpu.VMEM((W, LANES), jnp.float32),
            pltpu.VMEM((D, W), jnp.int32),
            pltpu.SemaphoreType.DMA((D,)),
            pltpu.SemaphoreType.DMA((D,)),
        ],
    )
    def deg_kernel(edges_hbm, z_hbm, out_hbm, acc, ones, dbuf, semI, semS):
        c = lax.axis_index("c")
        s = lax.axis_index("s")

        @pl.loop(0, W)
        def _(i):
            ones[i, :] = jnp.ones((LANES,), jnp.float32)

        @pl.loop(0, SR // ZCH)
        def _(j):
            pltpu.sync_copy(z_hbm, acc.at[pl.ds(s * SR + j * ZCH, ZCH)])

        plsc.subcore_barrier()

        base = (c * NSUB + s) * NW

        @pl.loop(0, NW + D)
        def _(k):
            m = lax.rem(k, D)

            @pl.when(k >= D)
            def _():
                pltpu.make_async_copy(z_hbm.at[pl.ds(0, W)], ones,
                                      semS.at[m]).wait()

            @pl.when(k < NW)
            def _():
                pltpu.async_copy(edges_hbm.at[1].at[base + k], dbuf.at[m],
                                 semI.at[m])

            @pl.when((k >= L) & (k - L < NW))
            def _():
                ml = lax.rem(k - L, D)
                pltpu.make_async_copy(edges_hbm.at[1].at[base], dbuf.at[ml],
                                      semI.at[ml]).wait()
                pltpu.async_copy(ones, acc.at[dbuf.at[ml]], semS.at[ml],
                                 add=True)

        plsc.subcore_barrier()
        pltpu.sync_copy(acc.at[pl.ds(s * SR, SR)],
                        out_hbm.at[c].at[pl.ds(s * SR, SR)])

    return deg_kernel


def _make_agg_kernel(NP, NRP):
    NW = NRP // NSUB
    SR = NP // NSUB
    ZCH = SR // 2
    D = 10
    L1 = 3
    L2 = 3

    @functools.partial(
        pl.kernel,
        mesh=_mesh(),
        compiler_params=pltpu.CompilerParams(use_tc_tiling_on_sc=False),
        out_type=jax.ShapeDtypeStruct((NCORES, NP, LANES), jnp.float32),
        scratch_types=[
            pltpu.VMEM_SHARED((NP, LANES), jnp.float32),
            pltpu.VMEM((D, W, LANES), jnp.float32),
            pltpu.VMEM((D, W), jnp.int32),
            pltpu.VMEM((D, W), jnp.int32),
            pltpu.SemaphoreType.DMA((D,)),
            pltpu.SemaphoreType.DMA((D,)),
            pltpu.SemaphoreType.DMA((D,)),
        ],
    )
    def agg_kernel(x_hbm, edges_hbm, z_hbm, out_hbm,
                   acc, msg, sbuf, dbuf, semI, semG, semS):
        c = lax.axis_index("c")
        s = lax.axis_index("s")

        @pl.loop(0, SR // ZCH)
        def _(j):
            pltpu.sync_copy(z_hbm, acc.at[pl.ds(s * SR + j * ZCH, ZCH)])

        plsc.subcore_barrier()

        base = s * NW

        @pl.loop(0, NW + D)
        def _(k):
            m = lax.rem(k, D)

            @pl.when(k >= D)
            def _():
                pltpu.make_async_copy(x_hbm.at[c].at[pl.ds(0, W)],
                                      msg.at[m], semS.at[m]).wait()

            @pl.when(k < NW)
            def _():
                pltpu.async_copy(edges_hbm.at[0].at[base + k], sbuf.at[m],
                                 semI.at[m])
                pltpu.async_copy(edges_hbm.at[1].at[base + k], dbuf.at[m],
                                 semI.at[m])

            @pl.when((k >= L1) & (k - L1 < NW))
            def _():
                m1 = lax.rem(k - L1, D)
                pltpu.make_async_copy(edges_hbm.at[0].at[base], sbuf.at[m1],
                                      semI.at[m1]).wait()
                pltpu.make_async_copy(edges_hbm.at[1].at[base], dbuf.at[m1],
                                      semI.at[m1]).wait()
                pltpu.async_copy(x_hbm.at[c].at[sbuf.at[m1]], msg.at[m1],
                                 semG.at[m1])

            @pl.when((k >= L1 + L2) & (k - L1 - L2 < NW))
            def _():
                m2 = lax.rem(k - L1 - L2, D)
                pltpu.make_async_copy(x_hbm.at[c].at[pl.ds(0, W)],
                                      msg.at[m2], semG.at[m2]).wait()
                pltpu.async_copy(msg.at[m2], acc.at[dbuf.at[m2]],
                                 semS.at[m2], add=True)

        plsc.subcore_barrier()
        pltpu.sync_copy(acc.at[pl.ds(s * SR, SR)],
                        out_hbm.at[c].at[pl.ds(s * SR, SR)])

    return agg_kernel


BNP = 736


def _dot(a, b):
    return jnp.dot(a, b, preferred_element_type=jnp.float32)


def _encode_body(xc_ref, xs_ref, pw_ref, pb_ref, sw_ref, sb_ref, o_ref):
    o_ref[0] = _dot(xc_ref[...], pw_ref[...]) + pb_ref[...]
    o_ref[1] = _dot(xs_ref[...], sw_ref[...]) + sb_ref[...]


def _combine_body(x_ref, a_ref, d_ref, wb_ref, bb_ref, o_ref):
    d = d_ref[0] + d_ref[1]
    invd = 1.0 / jnp.maximum(d, 1.0)
    m0 = a_ref[0] * invd
    m1 = a_ref[1] * invd
    x0 = x_ref[0]
    x1 = x_ref[1]
    for t in range(2):
        h = (_dot(m0, wb_ref[t, 0]) + _dot(m1, wb_ref[t, 1])
             + _dot(x0, wb_ref[t, 2]) + _dot(x1, wb_ref[t, 3])
             + bb_ref[t])
        o_ref[t] = jnp.maximum(h, 0.0)


def _final_body(x_ref, a_ref, d_ref, wb_ref, bb_ref, wh_ref, bh_ref, o_ref):
    d = d_ref[0] + d_ref[1]
    invd = 1.0 / jnp.maximum(d, 1.0)
    m0 = a_ref[0] * invd
    m1 = a_ref[1] * invd
    hs = []
    for t in range(2):
        h = (_dot(m0, wb_ref[t, 0]) + _dot(m1, wb_ref[t, 1])
             + _dot(x_ref[0], wb_ref[t, 2]) + _dot(x_ref[1], wb_ref[t, 3])
             + bb_ref[t])
        hs.append(jnp.maximum(h, 0.0))
    o_ref[...] = _dot(hs[0], wh_ref[0]) + _dot(hs[1], wh_ref[1]) + bh_ref[...]


def _packed_spec():
    return pl.BlockSpec((NCORES, BNP, 128), lambda i: (0, i, 0))


def _full_spec(shape):
    return pl.BlockSpec(shape, lambda i: tuple(0 for _ in shape))


def _blockdiag(M):
    return jnp.kron(jnp.eye(8, dtype=M.dtype), M)


def _combine_weights(Wl, Wr, bl):
    wb = jnp.stack([
        jnp.stack([_blockdiag(Wl[:LANES, t:t + LANES]),
                   _blockdiag(Wl[LANES:, t:t + LANES]),
                   _blockdiag(Wr[:LANES, t:t + LANES]),
                   _blockdiag(Wr[LANES:, t:t + LANES])])
        for t in (0, LANES)])
    bb = jnp.stack([jnp.tile(bl[:LANES], 8), jnp.tile(bl[LANES:], 8)])
    return wb, bb


def kernel(x_content, x_style, edge_index, edge_type, post_W, post_b,
           style_W, style_b, Wl1, bl1, Wr1, Wl2, bl2, Wr2, Wl3, bl3, Wr3,
           out_W, out_b):
    N = x_content.shape[0]
    E = edge_index.shape[1]
    NC = out_W.shape[1]
    NP = -(-N // (8 * NSUB)) * (8 * NSUB)
    NPr = NP // 8

    NRP = -(-E // (W * 2 * NSUB * CH)) * (2 * NSUB * CH)
    EP = NRP * W
    pad_cols = jnp.stack([jnp.zeros((EP - E,), jnp.int32),
                          jnp.full((EP - E,), N, jnp.int32)])
    edges = jnp.concatenate([edge_index, pad_cols], axis=1).reshape(2, NRP, W)

    deg_kernel = _make_deg_kernel(NP, NRP)
    agg_kernel = _make_agg_kernel(NP, NRP)
    zrows = jnp.zeros((NP // NSUB // 2, LANES), jnp.float32)

    D = deg_kernel(edges, zrows)
    Dp = D.reshape(NCORES, NPr, 128)

    grid = (N // BN,)
    X1 = pl.pallas_call(
        _encode_body,
        grid=grid,
        in_specs=[
            pl.BlockSpec((BN, x_content.shape[1]), lambda i: (i, 0)),
            pl.BlockSpec((BN, x_style.shape[1]), lambda i: (i, 0)),
            _full_spec(post_W.shape),
            _full_spec((1, LANES)),
            _full_spec(style_W.shape),
            _full_spec((1, LANES)),
        ],
        out_specs=pl.BlockSpec((NCORES, BN, LANES), lambda i: (0, i, 0)),
        out_shape=jax.ShapeDtypeStruct((NCORES, NP, LANES), jnp.float32),
    )(x_content, x_style, post_W, post_b.reshape(1, -1),
      style_W, style_b.reshape(1, -1))
    X1p = jax.lax.optimization_barrier(X1.reshape(NCORES, NPr, 128))

    pgrid = (NPr // BNP,)

    def combine(Xp, Ap, Wl, bl, Wr):
        wb, bb = _combine_weights(Wl, Wr, bl)
        return pl.pallas_call(
            _combine_body,
            grid=pgrid,
            in_specs=[
                _packed_spec(),
                _packed_spec(),
                _packed_spec(),
                _full_spec((2, 4, 128, 128)),
                _full_spec((2, 128)),
            ],
            out_specs=_packed_spec(),
            out_shape=jax.ShapeDtypeStruct((NCORES, NPr, 128), jnp.float32),
        )(Xp, Ap, Dp, wb, bb)

    def agg(Xp):
        return agg_kernel(Xp.reshape(NCORES, NP, LANES), edges, zrows)

    A1 = agg(X1p)
    X2p = combine(X1p, A1.reshape(NCORES, NPr, 128), Wl1, bl1, Wr1)
    A2 = agg(X2p)
    X3p = combine(X2p, A2.reshape(NCORES, NPr, 128), Wl2, bl2, Wr2)
    A3 = agg(X3p)

    wb3, bb3 = _combine_weights(Wl3, Wr3, bl3)
    owp = jnp.pad(out_W, ((0, 0), (0, LANES - NC)))
    wh = jnp.stack([_blockdiag(owp[:LANES]), _blockdiag(owp[LANES:])])
    bh = jnp.tile(jnp.pad(out_b, (0, LANES - NC)), 8)

    Y = pl.pallas_call(
        _final_body,
        grid=pgrid,
        in_specs=[
            _packed_spec(),
            _packed_spec(),
            _packed_spec(),
            _full_spec((2, 4, 128, 128)),
            _full_spec((2, 128)),
            _full_spec((2, 128, 128)),
            _full_spec((128,)),
        ],
        out_specs=pl.BlockSpec((BNP, 128), lambda i: (i, 0)),
        out_shape=jax.ShapeDtypeStruct((NPr, 128), jnp.float32),
    )(X3p, A3.reshape(NCORES, NPr, 128), Dp, wb3, bb3, wh, bh)

    return Y.reshape(NP, LANES)[:N, :NC]

# --- scband reference (transcript-rebuilt; emitter-appended) ---
"""Pipeline reference for scband-fake-news-model-29910152249873 (READ-ONLY COPY).

The authoritative reference and input builder live on the scoring server;
editing this copy changes nothing except your own understanding.
"""

import jax, jax.numpy as jnp
import numpy as np

N = 100000
E = 1600000
DC = 128
DS = 128
FC = 16
H1 = 32
H2 = 32
NC = 2


def setup_inputs(seed: int = 0) -> dict:
    key = jax.random.key(seed)
    ks = jax.random.split(key, 24)
    inp = {}
    inp["x_content"] = jax.random.normal(ks[0], (N, DC), dtype=jnp.float32)
    inp["x_style"] = jax.random.normal(ks[1], (N, DS), dtype=jnp.float32)
    inp["edge_index"] = jax.random.randint(ks[2], (2, E), 0, N, dtype=jnp.int32)
    inp["edge_type"] = jax.random.randint(ks[3], (E,), 0, 4, dtype=jnp.int32)
    s = 0.05
    inp["post_W"] = jax.random.normal(ks[4], (DC, FC), dtype=jnp.float32) * s
    inp["post_b"] = jnp.zeros((FC,), dtype=jnp.float32)
    inp["style_W"] = jax.random.normal(ks[5], (DS, FC), dtype=jnp.float32) * s
    inp["style_b"] = jnp.zeros((FC,), dtype=jnp.float32)
    inp["Wl1"] = jax.random.normal(ks[6], (2 * FC, H1), dtype=jnp.float32) * s
    inp["bl1"] = jnp.zeros((H1,), dtype=jnp.float32)
    inp["Wr1"] = jax.random.normal(ks[7], (2 * FC, H1), dtype=jnp.float32) * s
    inp["Wl2"] = jax.random.normal(ks[8], (H1, H2), dtype=jnp.float32) * s
    inp["bl2"] = jnp.zeros((H2,), dtype=jnp.float32)
    inp["Wr2"] = jax.random.normal(ks[9], (H1, H2), dtype=jnp.float32) * s
    inp["Wl3"] = jax.random.normal(ks[10], (H2, H2), dtype=jnp.float32) * s
    inp["bl3"] = jnp.zeros((H2,), dtype=jnp.float32)
    inp["Wr3"] = jax.random.normal(ks[11], (H2, H2), dtype=jnp.float32) * s
    inp["out_W"] = jax.random.normal(ks[12], (H2, NC), dtype=jnp.float32) * s
    inp["out_b"] = jnp.zeros((NC,), dtype=jnp.float32)
    return inp


def _sage_conv(x, edge_index, Wl, bl, Wr):
    # PyG SAGEConv with mean aggregation:
    # out = lin_l(mean_{j in N(i)} x_j) + lin_r(x_i)
    src = edge_index[0]
    dst = edge_index[1]
    msgs = jnp.take(x, src, axis=0)
    agg = jax.ops.segment_sum(msgs, dst, num_segments=N)
    deg = jax.ops.segment_sum(jnp.ones((edge_index.shape[1],), dtype=x.dtype), dst, num_segments=N)
    mean = agg / jnp.maximum(deg, 1.0)[:, None]
    return mean @ Wl + bl + x @ Wr


def reference(x_content, x_style, edge_index, edge_type, post_W, post_b, style_W, style_b, Wl1, bl1, Wr1, Wl2, bl2, Wr2, Wl3, bl3, Wr3, out_W, out_b):
    # edge_type is accepted but unused by the original forward
    xc = x_content @ post_W + post_b
    xs = x_style @ style_W + style_b
    x = jnp.concatenate([xc, xs], axis=1)
    x = _sage_conv(x, edge_index, Wl1, bl1, Wr1)
    x = jax.nn.relu(x)
    # dropout is identity in eval mode
    x = _sage_conv(x, edge_index, Wl2, bl2, Wr2)
    x = jax.nn.relu(x)
    x = _sage_conv(x, edge_index, Wl3, bl3, Wr3)
    x = jax.nn.relu(x)
    x = x @ out_W + out_b
    return x

if __name__ == "__main__":
    import jax
    _d = setup_inputs()
    print(jax.jit(kernel)(*tuple(_d.values())))

</pallas_src>

<mosaic_0001>
#map = affine_map<(d0, d1) -> (0, 0, 0)>
#map1 = affine_map<(d0, d1) -> (0, 0)>
module attributes {stable_mosaic.version = 14 : i64} {
  func.func @agg_kernel(%arg0: i32, %arg1: i32, %arg2: memref<2x100096x16xf32, #tpu.memory_space<hbm>>, %arg3: memref<2x12544x128xi32, #tpu.memory_space<hbm>>, %arg4: memref<3128x16xf32, #tpu.memory_space<hbm>>, %arg5: memref<2x100096x16xf32, #tpu.memory_space<hbm>>, %arg6: memref<100096x16xf32, #tpu.memory_space<vmem_shared>>, %arg7: memref<10x128x16xf32, #tpu.memory_space<vmem>>, %arg8: memref<10x128xi32, #tpu.memory_space<vmem>>, %arg9: memref<10x128xi32, #tpu.memory_space<vmem>>, %arg10: memref<10x!tpu.dma_semaphore, #tpu.memory_space<semaphore_mem>>, %arg11: memref<10x!tpu.dma_semaphore, #tpu.memory_space<semaphore_mem>>, %arg12: memref<10x!tpu.dma_semaphore, #tpu.memory_space<semaphore_mem>>) attributes {dimension_semantics = [#tpu.dimension_semantics<core_parallel>, #tpu.dimension_semantics<subcore_parallel>], iteration_bounds = array<i64: 2, 16>, scalar_prefetch = 0 : i64, scratch_operands = 7 : i64, tpu.core_type = #tpu.core_type<sc_vector_subcore>, window_params = [{transform_indices = #map}, {transform_indices = #map}, {transform_indices = #map1}, {transform_indices = #map}]} {
    %scan3A = arith.constant 0 : i32
    %scan3A_0 = arith.constant 2 : i32
    %scan3A_1 = arith.addi %scan3A, %scan3A_0 : i32
    %scan3A_2 = arith.constant 1 : i32
    scf.for %scan3A_15 = %scan3A to %scan3A_1 step %scan3A_2  : i32 {
      %mul3A_16 = arith.constant 1 : i32
      %mul3A_17 = arith.muli %scan3A_15, %mul3A_16 : i32
      %add3A = arith.constant 0 : i32
      %add3A_18 = arith.addi %add3A, %mul3A_17 : i32
      %mul3A_19 = arith.constant 6256 : i32
      %mul3A_20 = arith.muli %arg1, %mul3A_19 : i32
      %mul3A_21 = arith.constant 3128 : i32
      %mul3A_22 = arith.muli %add3A_18, %mul3A_21 : i32
      %add3A_23 = arith.addi %mul3A_20, %mul3A_22 : i32
      "tpu.region"() ({
        %run_scoped3A = tpu.sem_alloc : memref<!tpu.dma_semaphore, #tpu.memory_space<semaphore_mem>>
        %dma_start3A = arith.constant 0 : i32
        %dma_start3A_24 = tpu.memref_slice %arg6[%add3A_23, %dma_start3A] : memref<100096x16xf32, #tpu.memory_space<vmem_shared>> -> memref<3128x16xf32, #tpu.memory_space<vmem_shared>>
        tpu.enqueue_dma source(%arg4 : memref<3128x16xf32, #tpu.memory_space<hbm>>) target(%dma_start3A_24 : memref<3128x16xf32, #tpu.memory_space<vmem_shared>>) target_semaphore(%run_scoped3A : memref<!tpu.dma_semaphore, #tpu.memory_space<semaphore_mem>>)
        %dma_wait3A = arith.constant 0 : i32
        %dma_wait3A_25 = tpu.memref_slice %arg6[%add3A_23, %dma_wait3A] : memref<100096x16xf32, #tpu.memory_space<vmem_shared>> -> memref<3128x16xf32, #tpu.memory_space<vmem_shared>>
        tpu.wait_dma2 semaphore(%run_scoped3A : memref<!tpu.dma_semaphore, #tpu.memory_space<semaphore_mem>>) src(%arg4 : memref<3128x16xf32, #tpu.memory_space<hbm>>) dst(%dma_wait3A_25 : memref<3128x16xf32, #tpu.memory_space<vmem_shared>>)
        tpu.yield
      }) : () -> ()
    }
    %scan3A_3 = arith.constant 2 : i32
    %barrier3A = arith.constant 0 : index
    tpu.barrier barrier_id(%barrier3A)
    %mul3A = arith.constant 784 : i32
    %mul3A_4 = arith.muli %arg1, %mul3A : i32
    %scan3A_5 = arith.constant 0 : i32
    %scan3A_6 = arith.constant 794 : i32
    %scan3A_7 = arith.addi %scan3A_5, %scan3A_6 : i32
    %scan3A_8 = arith.constant 1 : i32
    scf.for %scan3A_15 = %scan3A_5 to %scan3A_7 step %scan3A_8  : i32 {
      %mul3A_16 = arith.constant 1 : i32
      %mul3A_17 = arith.muli %scan3A_15, %mul3A_16 : i32
      %add3A = arith.constant 0 : i32
      %add3A_18 = arith.addi %add3A, %mul3A_17 : i32
      %rem3A = arith.constant 10 : i32
      %rem3A_19 = arith.remsi %add3A_18, %rem3A : i32
      %ge3A = arith.constant 10 : i32
      %ge3A_20 = arith.cmpi sge, %add3A_18, %ge3A : i32
      %convert_element_type3A = arith.extui %ge3A_20 : i1 to i32
      %cond3A = arith.constant 0 : i32
      %cond3A_21 = arith.cmpi ne, %convert_element_type3A, %cond3A : i32
      scf.if %cond3A_21 {
        %dma_wait3A = arith.constant 0 : i32
        %dma_wait3A_46 = arith.constant 0 : i32
        %dma_wait3A_47 = tpu.memref_slice %arg7[%rem3A_19, %dma_wait3A, %dma_wait3A_46] : memref<10x128x16xf32, #tpu.memory_space<vmem>> -> memref<1x128x16xf32, #tpu.memory_space<vmem>>
        %dma_wait3A_48 = tpu.memref_squeeze %dma_wait3A_47 : memref<1x128x16xf32, #tpu.memory_space<vmem>> -> memref<128x16xf32, #tpu.memory_space<vmem>>
        %dma_wait3A_49 = arith.constant 0 : i32
        %dma_wait3A_50 = arith.constant 0 : i32
        %dma_wait3A_51 = tpu.memref_slice %arg2[%arg0, %dma_wait3A_49, %dma_wait3A_50] : memref<2x100096x16xf32, #tpu.memory_space<hbm>> -> memref<1x100096x16xf32, #tpu.memory_space<hbm>>
        %dma_wait3A_52 = tpu.memref_squeeze %dma_wait3A_51 : memref<1x100096x16xf32, #tpu.memory_space<hbm>> -> memref<100096x16xf32, #tpu.memory_space<hbm>>
        %dma_wait3A_53 = arith.constant 0 : i32
        %dma_wait3A_54 = arith.constant 0 : i32
        %dma_wait3A_55 = tpu.memref_slice %dma_wait3A_52[%dma_wait3A_53, %dma_wait3A_54] : memref<100096x16xf32, #tpu.memory_space<hbm>> -> memref<128x16xf32, #tpu.memory_space<hbm>>
        %dma_wait3A_56 = tpu.memref_slice %arg12[%rem3A_19] : memref<10x!tpu.dma_semaphore, #tpu.memory_space<semaphore_mem>> -> memref<1x!tpu.dma_semaphore, #tpu.memory_space<semaphore_mem>>
        %dma_wait3A_57 = tpu.memref_squeeze %dma_wait3A_56 : memref<1x!tpu.dma_semaphore, #tpu.memory_space<semaphore_mem>> -> memref<!tpu.dma_semaphore, #tpu.memory_space<semaphore_mem>>
        %dma_wait3A_58 = arith.constant 0 : i32
        %dma_wait3A_59 = arith.constant 0 : i32
        %dma_wait3A_60 = tpu.memref_slice %arg7[%rem3A_19, %dma_wait3A_58, %dma_wait3A_59] : memref<10x128x16xf32, #tpu.memory_space<vmem>> -> memref<1x128x16xf32, #tpu.memory_space<vmem>>
        %dma_wait3A_61 = tpu.memref_squeeze %dma_wait3A_60 : memref<1x128x16xf32, #tpu.memory_space<vmem>> -> memref<128x16xf32, #tpu.memory_space<vmem>>
        %dma_wait3A_62 = arith.constant 0 : i32
        %dma_wait3A_63 = arith.constant 0 : i32
        %dma_wait3A_64 = tpu.memref_slice %arg2[%arg0, %dma_wait3A_62, %dma_wait3A_63] : memref<2x100096x16xf32, #tpu.memory_space<hbm>> -> memref<1x100096x16xf32, #tpu.memory_space<hbm>>
        %dma_wait3A_65 = tpu.memref_squeeze %dma_wait3A_64 : memref<1x100096x16xf32, #tpu.memory_space<hbm>> -> memref<100096x16xf32, #tpu.memory_space<hbm>>
        %dma_wait3A_66 = arith.constant 0 : i32
        %dma_wait3A_67 = arith.constant 0 : i32
        %dma_wait3A_68 = tpu.memref_slice %dma_wait3A_65[%dma_wait3A_66, %dma_wait3A_67] : memref<100096x16xf32, #tpu.memory_space<hbm>> -> memref<128x16xf32, #tpu.memory_space<hbm>>
        tpu.wait_dma2 semaphore(%dma_wait3A_57 : memref<!tpu.dma_semaphore, #tpu.memory_space<semaphore_mem>>) src(%dma_wait3A_68 : memref<128x16xf32, #tpu.memory_space<hbm>>) dst(%dma_wait3A_61 : memref<128x16xf32, #tpu.memory_space<vmem>>)
      } else {
      }
      %lt3A = arith.constant 784 : i32
      %lt3A_22 = arith.cmpi slt, %add3A_18, %lt3A : i32
      %convert_element_type3A_23 = arith.extui %lt3A_22 : i1 to i32
      %cond3A_24 = arith.constant 0 : i32
      %cond3A_25 = arith.cmpi ne, %convert_element_type3A_23, %cond3A_24 : i32
      scf.if %cond3A_25 {
        %add3A_46 = arith.addi %mul3A_4, %add3A_18 : i32
        %dma_start3A = arith.constant 0 : i32
        %dma_start3A_47 = arith.constant 0 : i32
        %dma_start3A_48 = tpu.memref_slice %arg8[%rem3A_19, %dma_start3A_47] : memref<10x128xi32, #tpu.memory_space<vmem>> -> memref<1x128xi32, #tpu.memory_space<vmem>>
        %dma_start3A_49 = tpu.memref_squeeze %dma_start3A_48 : memref<1x128xi32, #tpu.memory_space<vmem>> -> memref<128xi32, #tpu.memory_space<vmem>>
        %dma_start3A_50 = arith.constant 0 : i32
        %dma_start3A_51 = arith.constant 0 : i32
        %dma_start3A_52 = tpu.memref_slice %arg3[%dma_start3A, %dma_start3A_50, %dma_start3A_51] : memref<2x12544x128xi32, #tpu.memory_space<hbm>> -> memref<1x12544x128xi32, #tpu.memory_space<hbm>>
        %dma_start3A_53 = tpu.memref_squeeze %dma_start3A_52 : memref<1x12544x128xi32, #tpu.memory_space<hbm>> -> memref<12544x128xi32, #tpu.memory_space<hbm>>
        %dma_start3A_54 = arith.constant 0 : i32
        %dma_start3A_55 = tpu.memref_slice %dma_start3A_53[%add3A_46, %dma_start3A_54] : memref<12544x128xi32, #tpu.memory_space<hbm>> -> memref<1x128xi32, #tpu.memory_space<hbm>>
        %dma_start3A_56 = tpu.memref_squeeze %dma_start3A_55 : memref<1x128xi32, #tpu.memory_space<hbm>> -> memref<128xi32, #tpu.memory_space<hbm>>
        %dma_start3A_57 = tpu.memref_slice %arg10[%rem3A_19] : memref<10x!tpu.dma_semaphore, #tpu.memory_space<semaphore_mem>> -> memref<1x!tpu.dma_semaphore, #tpu.memory_space<semaphore_mem>>
        %dma_start3A_58 = tpu.memref_squeeze %dma_start3A_57 : memref<1x!tpu.dma_semaphore, #tpu.memory_space<semaphore_mem>> -> memref<!tpu.dma_semaphore, #tpu.memory_space<semaphore_mem>>
        %dma_start3A_59 = arith.constant 0 : i32
        %dma_start3A_60 = tpu.memref_slice %arg8[%rem3A_19, %dma_start3A_59] : memref<10x128xi32, #tpu.memory_space<vmem>> -> memref<1x128xi32, #tpu.memory_space<vmem>>
        %dma_start3A_61 = tpu.memref_squeeze %dma_start3A_60 : memref<1x128xi32, #tpu.memory_space<vmem>> -> memref<128xi32, #tpu.memory_space<vmem>>
        %dma_start3A_62 = arith.constant 0 : i32
        %dma_start3A_63 = arith.constant 0 : i32
        %dma_start3A_64 = tpu.memref_slice %arg3[%dma_start3A, %dma_start3A_62, %dma_start3A_63] : memref<2x12544x128xi32, #tpu.memory_space<hbm>> -> memref<1x12544x128xi32, #tpu.memory_space<hbm>>
        %dma_start3A_65 = tpu.memref_squeeze %dma_start3A_64 : memref<1x12544x128xi32, #tpu.memory_space<hbm>> -> memref<12544x128xi32, #tpu.memory_space<hbm>>
        %dma_start3A_66 = arith.constant 0 : i32
        %dma_start3A_67 = tpu.memref_slice %dma_start3A_65[%add3A_46, %dma_start3A_66] : memref<12544x128xi32, #tpu.memory_space<hbm>> -> memref<1x128xi32, #tpu.memory_space<hbm>>
        %dma_start3A_68 = tpu.memref_squeeze %dma_start3A_67 : memref<1x128xi32, #tpu.memory_space<hbm>> -> memref<128xi32, #tpu.memory_space<hbm>>
        tpu.enqueue_dma source(%dma_start3A_68 : memref<128xi32, #tpu.memory_space<hbm>>) target(%dma_start3A_61 : memref<128xi32, #tpu.memory_space<vmem>>) target_semaphore(%dma_start3A_58 : memref<!tpu.dma_semaphore, #tpu.memory_space<semaphore_mem>>)
        %add3A_69 = arith.addi %mul3A_4, %add3A_18 : i32
        %dma_start3A_70 = arith.constant 1 : i32
        %dma_start3A_71 = arith.constant 0 : i32
        %dma_start3A_72 = tpu.memref_slice %arg9[%rem3A_19, %dma_start3A_71] : memref<10x128xi32, #tpu.memory_space<vmem>> -> memref<1x128xi32, #tpu.memory_space<vmem>>
        %dma_start3A_73 = tpu.memref_squeeze %dma_start3A_72 : memref<1x128xi32, #tpu.memory_space<vmem>> -> memref<128xi32, #tpu.memory_space<vmem>>
        %dma_start3A_74 = arith.constant 0 : i32
        %dma_start3A_75 = arith.constant 0 : i32
        %dma_start3A_76 = tpu.memref_slice %arg3[%dma_start3A_70, %dma_start3A_74, %dma_start3A_75] : memref<2x12544x128xi32, #tpu.memory_space<hbm>> -> memref<1x12544x128xi32, #tpu.memory_space<hbm>>
        %dma_start3A_77 = tpu.memref_squeeze %dma_start3A_76 : memref<1x12544x128xi32, #tpu.memory_space<hbm>> -> memref<12544x128xi32, #tpu.memory_space<hbm>>
        %dma_start3A_78 = arith.constant 0 : i32
        %dma_start3A_79 = tpu.memref_slice %dma_start3A_77[%add3A_69, %dma_start3A_78] : memref<12544x128xi32, #tpu.memory_space<hbm>> -> memref<1x128xi32, #tpu.memory_space<hbm>>
        %dma_start3A_80 = tpu.memref_squeeze %dma_start3A_79 : memref<1x128xi32, #tpu.memory_space<hbm>> -> memref<128xi32, #tpu.memory_space<hbm>>
        %dma_start3A_81 = tpu.memref_slice %arg10[%rem3A_19] : memref<10x!tpu.dma_semaphore, #tpu.memory_space<semaphore_mem>> -> memref<1x!tpu.dma_semaphore, #tpu.memory_space<semaphore_mem>>
        %dma_start3A_82 = tpu.memref_squeeze %dma_start3A_81 : memref<1x!tpu.dma_semaphore, #tpu.memory_space<semaphore_mem>> -> memref<!tpu.dma_semaphore, #tpu.memory_space<semaphore_mem>>
        %dma_start3A_83 = arith.constant 0 : i32
        %dma_start3A_84 = tpu.memref_slice %arg9[%rem3A_19, %dma_start3A_83] : memref<10x128xi32, #tpu.memory_space<vmem>> -> memref<1x128xi32, #tpu.memory_space<vmem>>
        %dma_start3A_85 = tpu.memref_squeeze %dma_start3A_84 : memref<1x128xi32, #tpu.memory_space<vmem>> -> memref<128xi32, #tpu.memory_space<vmem>>
        %dma_start3A_86 = arith.constant 0 : i32
        %dma_start3A_87 = arith.constant 0 : i32
        %dma_start3A_88 = tpu.memref_slice %arg3[%dma_start3A_70, %dma_start3A_86, %dma_start3A_87] : memref<2x12544x128xi32, #tpu.memory_space<hbm>> -> memref<1x12544x128xi32, #tpu.memory_space<hbm>>
        %dma_start3A_89 = tpu.memref_squeeze %dma_start3A_88 : memref<1x12544x128xi32, #tpu.memory_space<hbm>> -> memref<12544x128xi32, #tpu.memory_space<hbm>>
        %dma_start3A_90 = arith.constant 0 : i32
        %dma_start3A_91 = tpu.memref_slice %dma_start3A_89[%add3A_69, %dma_start3A_90] : memref<12544x128xi32, #tpu.memory_space<hbm>> -> memref<1x128xi32, #tpu.memory_space<hbm>>
        %dma_start3A_92 = tpu.memref_squeeze %dma_start3A_91 : memref<1x128xi32, #tpu.memory_space<hbm>> -> memref<128xi32, #tpu.memory_space<hbm>>
        tpu.enqueue_dma source(%dma_start3A_92 : memref<128xi32, #tpu.memory_space<hbm>>) target(%dma_start3A_85 : memref<128xi32, #tpu.memory_space<vmem>>) target_semaphore(%dma_start3A_82 : memref<!tpu.dma_semaphore, #tpu.memory_space<semaphore_mem>>)
      } else {
      }
      %ge3A_26 = arith.constant 3 : i32
      %ge3A_27 = arith.cmpi sge, %add3A_18, %ge3A_26 : i32
      %sub3A = arith.constant 3 : i32
      %sub3A_28 = arith.subi %add3A_18, %sub3A : i32
      %lt3A_29 = arith.constant 784 : i32
      %lt3A_30 = arith.cmpi slt, %sub3A_28, %lt3A_29 : i32
      %and3A = arith.andi %ge3A_27, %lt3A_30 : i1
      %convert_element_type3A_31 = arith.extui %and3A : i1 to i32
      %cond3A_32 = arith.constant 0 : i32
      %cond3A_33 = arith.cmpi ne, %convert_element_type3A_31, %cond3A_32 : i32
      scf.if %cond3A_33 {
        %sub3A_46 = arith.constant 3 : i32
        %sub3A_47 = arith.subi %add3A_18, %sub3A_46 : i32
        %rem3A_48 = arith.constant 10 : i32
        %rem3A_49 = arith.remsi %sub3A_47, %rem3A_48 : i32
        %dma_wait3A = arith.constant 0 : i32
        %dma_wait3A_50 = arith.constant 0 : i32
        %dma_wait3A_51 = tpu.memref_slice %arg8[%rem3A_49, %dma_wait3A_50] : memref<10x128xi32, #tpu.memory_space<vmem>> -> memref<1x128xi32, #tpu.memory_space<vmem>>
        %dma_wait3A_52 = tpu.memref_squeeze %dma_wait3A_51 : memref<1x128xi32, #tpu.memory_space<vmem>> -> memref<128xi32, #tpu.memory_space<vmem>>
        %dma_wait3A_53 = arith.constant 0 : i32
        %dma_wait3A_54 = arith.constant 0 : i32
        %dma_wait3A_55 = tpu.memref_slice %arg3[%dma_wait3A, %dma_wait3A_53, %dma_wait3A_54] : memref<2x12544x128xi32, #tpu.memory_space<hbm>> -> memref<1x12544x128xi32, #tpu.memory_space<hbm>>
        %dma_wait3A_56 = tpu.memref_squeeze %dma_wait3A_55 : memref<1x12544x128xi32, #tpu.memory_space<hbm>> -> memref<12544x128xi32, #tpu.memory_space<hbm>>
        %dma_wait3A_57 = arith.constant 0 : i32
        %dma_wait3A_58 = tpu.memref_slice %dma_wait3A_56[%mul3A_4, %dma_wait3A_57] : memref<12544x128xi32, #tpu.memory_space<hbm>> -> memref<1x128xi32, #tpu.memory_space<hbm>>
        %dma_wait3A_59 = tpu.memref_squeeze %dma_wait3A_58 : memref<1x128xi32, #tpu.memory_space<hbm>> -> memref<128xi32, #tpu.memory_space<hbm>>
        %dma_wait3A_60 = tpu.memref_slice %arg10[%rem3A_49] : memref<10x!tpu.dma_semaphore, #tpu.memory_space<semaphore_mem>> -> memref<1x!tpu.dma_semaphore, #tpu.memory_space<semaphore_mem>>
        %dma_wait3A_61 = tpu.memref_squeeze %dma_wait3A_60 : memref<1x!tpu.dma_semaphore, #tpu.memory_space<semaphore_mem>> -> memref<!tpu.dma_semaphore, #tpu.memory_space<semaphore_mem>>
        %dma_wait3A_62 = arith.constant 0 : i32
        %dma_wait3A_63 = tpu.memref_slice %arg8[%rem3A_49, %dma_wait3A_62] : memref<10x128xi32, #tpu.memory_space<vmem>> -> memref<1x128xi32, #tpu.memory_space<vmem>>
        %dma_wait3A_64 = tpu.memref_squeeze %dma_wait3A_63 : memref<1x128xi32, #tpu.memory_space<vmem>> -> memref<128xi32, #tpu.memory_space<vmem>>
        %dma_wait3A_65 = arith.constant 0 : i32
        %dma_wait3A_66 = arith.constant 0 : i32
        %dma_wait3A_67 = tpu.memref_slice %arg3[%dma_wait3A, %dma_wait3A_65, %dma_wait3A_66] : memref<2x12544x128xi32, #tpu.memory_space<hbm>> -> memref<1x12544x128xi32, #tpu.memory_space<hbm>>
        %dma_wait3A_68 = tpu.memref_squeeze %dma_wait3A_67 : memref<1x12544x128xi32, #tpu.memory_space<hbm>> -> memref<12544x128xi32, #tpu.memory_space<hbm>>
        %dma_wait3A_69 = arith.constant 0 : i32
        %dma_wait3A_70 = tpu.memref_slice %dma_wait3A_68[%mul3A_4, %dma_wait3A_69] : memref<12544x128xi32, #tpu.memory_space<hbm>> -> memref<1x128xi32, #tpu.memory_space<hbm>>
        %dma_wait3A_71 = tpu.memref_squeeze %dma_wait3A_70 : memref<1x128xi32, #tpu.memory_space<hbm>> -> memref<128xi32, #tpu.memory_space<hbm>>
        tpu.wait_dma2 semaphore(%dma_wait3A_61 : memref<!tpu.dma_semaphore, #tpu.memory_space<semaphore_mem>>) src(%dma_wait3A_71 : memref<128xi32, #tpu.memory_space<hbm>>) dst(%dma_wait3A_64 : memref<128xi32, #tpu.memory_space<vmem>>)
        %dma_wait3A_72 = arith.constant 1 : i32
        %dma_wait3A_73 = arith.constant 0 : i32
        %dma_wait3A_74 = tpu.memref_slice %arg9[%rem3A_49, %dma_wait3A_73] : memref<10x128xi32, #tpu.memory_space<vmem>> -> memref<1x128xi32, #tpu.memory_space<vmem>>
        %dma_wait3A_75 = tpu.memref_squeeze %dma_wait3A_74 : memref<1x128xi32, #tpu.memory_space<vmem>> -> memref<128xi32, #tpu.memory_space<vmem>>
        %dma_wait3A_76 = arith.constant 0 : i32
        %dma_wait3A_77 = arith.constant 0 : i32
        %dma_wait3A_78 = tpu.memref_slice %arg3[%dma_wait3A_72, %dma_wait3A_76, %dma_wait3A_77] : memref<2x12544x128xi32, #tpu.memory_space<hbm>> -> memref<1x12544x128xi32, #tpu.memory_space<hbm>>
        %dma_wait3A_79 = tpu.memref_squeeze %dma_wait3A_78 : memref<1x12544x128xi32, #tpu.memory_space<hbm>> -> memref<12544x128xi32, #tpu.memory_space<hbm>>
        %dma_wait3A_80 = arith.constant 0 : i32
        %dma_wait3A_81 = tpu.memref_slice %dma_wait3A_79[%mul3A_4, %dma_wait3A_80] : memref<12544x128xi32, #tpu.memory_space<hbm>> -> memref<1x128xi32, #tpu.memory_space<hbm>>
        %dma_wait3A_82 = tpu.memref_squeeze %dma_wait3A_81 : memref<1x128xi32, #tpu.memory_space<hbm>> -> memref<128xi32, #tpu.memory_space<hbm>>
        %dma_wait3A_83 = tpu.memref_slice %arg10[%rem3A_49] : memref<10x!tpu.dma_semaphore, #tpu.memory_space<semaphore_mem>> -> memref<1x!tpu.dma_semaphore, #tpu.memory_space<semaphore_mem>>
        %dma_wait3A_84 = tpu.memref_squeeze %dma_wait3A_83 : memref<1x!tpu.dma_semaphore, #tpu.memory_space<semaphore_mem>> -> memref<!tpu.dma_semaphore, #tpu.memory_space<semaphore_mem>>
        %dma_wait3A_85 = arith.constant 0 : i32
        %dma_wait3A_86 = tpu.memref_slice %arg9[%rem3A_49, %dma_wait3A_85] : memref<10x128xi32, #tpu.memory_space<vmem>> -> memref<1x128xi32, #tpu.memory_space<vmem>>
        %dma_wait3A_87 = tpu.memref_squeeze %dma_wait3A_86 : memref<1x128xi32, #tpu.memory_space<vmem>> -> memref<128xi32, #tpu.memory_space<vmem>>
        %dma_wait3A_88 = arith.constant 0 : i32
        %dma_wait3A_89 = arith.constant 0 : i32
        %dma_wait3A_90 = tpu.memref_slice %arg3[%dma_wait3A_72, %dma_wait3A_88, %dma_wait3A_89] : memref<2x12544x128xi32, #tpu.memory_space<hbm>> -> memref<1x12544x128xi32, #tpu.memory_space<hbm>>
        %dma_wait3A_91 = tpu.memref_squeeze %dma_wait3A_90 : memref<1x12544x128xi32, #tpu.memory_space<hbm>> -> memref<12544x128xi32, #tpu.memory_space<hbm>>
        %dma_wait3A_92 = arith.constant 0 : i32
        %dma_wait3A_93 = tpu.memref_slice %dma_wait3A_91[%mul3A_4, %dma_wait3A_92] : memref<12544x128xi32, #tpu.memory_space<hbm>> -> memref<1x128xi32, #tpu.memory_space<hbm>>
        %dma_wait3A_94 = tpu.memref_squeeze %dma_wait3A_93 : memref<1x128xi32, #tpu.memory_space<hbm>> -> memref<128xi32, #tpu.memory_space<hbm>>
        tpu.wait_dma2 semaphore(%dma_wait3A_84 : memref<!tpu.dma_semaphore, #tpu.memory_space<semaphore_mem>>) src(%dma_wait3A_94 : memref<128xi32, #tpu.memory_space<hbm>>) dst(%dma_wait3A_87 : memref<128xi32, #tpu.memory_space<vmem>>)
        %dma_start3A = arith.constant 0 : i32
        %dma_start3A_95 = arith.constant 0 : i32
        %dma_start3A_96 = tpu.memref_slice %arg7[%rem3A_49, %dma_start3A, %dma_start3A_95] : memref<10x128x16xf32, #tpu.memory_space<vmem>> -> memref<1x128x16xf32, #tpu.memory_space<vmem>>
        %dma_start3A_97 = tpu.memref_squeeze %dma_start3A_96 : memref<1x128x16xf32, #tpu.memory_space<vmem>> -> memref<128x16xf32, #tpu.memory_space<vmem>>
        %dma_start3A_98 = arith.constant 0 : i32
        %dma_start3A_99 = tpu.memref_slice %arg8[%rem3A_49, %dma_start3A_98] : memref<10x128xi32, #tpu.memory_space<vmem>> -> memref<1x128xi32, #tpu.memory_space<vmem>>
        %dma_start3A_100 = tpu.memref_squeeze %dma_start3A_99 : memref<1x128xi32, #tpu.memory_space<vmem>> -> memref<128xi32, #tpu.memory_space<vmem>>
        %dma_start3A_101 = arith.constant 0 : i32
        %dma_start3A_102 = arith.constant 0 : i32
        %dma_start3A_103 = tpu.memref_slice %arg2[%arg0, %dma_start3A_101, %dma_start3A_102] : memref<2x100096x16xf32, #tpu.memory_space<hbm>> -> memref<1x100096x16xf32, #tpu.memory_space<hbm>>
        %dma_start3A_104 = tpu.memref_squeeze %dma_start3A_103 : memref<1x100096x16xf32, #tpu.memory_space<hbm>> -> memref<100096x16xf32, #tpu.memory_space<hbm>>
        %dma_start3A_105 = arith.constant 0 : i32
        %dma_start3A_106 = arith.constant 0 : i32
        %dma_start3A_107 = tpu.memref_slice %dma_start3A_104[%dma_start3A_105, %dma_start3A_106] : memref<100096x16xf32, #tpu.memory_space<hbm>> -> memref<100096x16xf32, #tpu.memory_space<hbm>>
        %dma_start3A_108 = tpu.memref_slice %arg11[%rem3A_49] : memref<10x!tpu.dma_semaphore, #tpu.memory_space<semaphore_mem>> -> memref<1x!tpu.dma_semaphore, #tpu.memory_space<semaphore_mem>>
        %dma_start3A_109 = tpu.memref_squeeze %dma_start3A_108 : memref<1x!tpu.dma_semaphore, #tpu.memory_space<semaphore_mem>> -> memref<!tpu.dma_semaphore, #tpu.memory_space<semaphore_mem>>
        tpu.enqueue_indirect_dma source(%dma_start3A_107 : memref<100096x16xf32, #tpu.memory_space<hbm>>) target(%dma_start3A_97 : memref<128x16xf32, #tpu.memory_space<vmem>>) offsets(%dma_start3A_100 : memref<128xi32, #tpu.memory_space<vmem>>) semaphore(%dma_start3A_109 : memref<!tpu.dma_semaphore, #tpu.memory_space<semaphore_mem>>)
      } else {
      }
      %ge3A_34 = arith.constant 6 : i32
      %ge3A_35 = arith.cmpi sge, %add3A_18, %ge3A_34 : i32
      %sub3A_36 = arith.constant 3 : i32
      %sub3A_37 = arith.subi %add3A_18, %sub3A_36 : i32
      %sub3A_38 = arith.constant 3 : i32
      %sub3A_39 = arith.subi %sub3A_37, %sub3A_38 : i32
      %lt3A_40 = arith.constant 784 : i32
      %lt3A_41 = arith.cmpi slt, %sub3A_39, %lt3A_40 : i32
      %and3A_42 = arith.andi %ge3A_35, %lt3A_41 : i1
      %convert_element_type3A_43 = arith.extui %and3A_42 : i1 to i32
      %cond3A_44 = arith.constant 0 : i32
      %cond3A_45 = arith.cmpi ne, %convert_element_type3A_43, %cond3A_44 : i32
      scf.if %cond3A_45 {
        %sub3A_46 = arith.constant 3 : i32
        %sub3A_47 = arith.subi %add3A_18, %sub3A_46 : i32
        %sub3A_48 = arith.constant 3 : i32
        %sub3A_49 = arith.subi %sub3A_47, %sub3A_48 : i32
        %rem3A_50 = arith.constant 10 : i32
        %rem3A_51 = arith.remsi %sub3A_49, %rem3A_50 : i32
        %dma_wait3A = arith.constant 0 : i32
        %dma_wait3A_52 = arith.constant 0 : i32
        %dma_wait3A_53 = tpu.memref_slice %arg7[%rem3A_51, %dma_wait3A, %dma_wait3A_52] : memref<10x128x16xf32, #tpu.memory_space<vmem>> -> memref<1x128x16xf32, #tpu.memory_space<vmem>>
        %dma_wait3A_54 = tpu.memref_squeeze %dma_wait3A_53 : memref<1x128x16xf32, #tpu.memory_space<vmem>> -> memref<128x16xf32, #tpu.memory_space<vmem>>
        %dma_wait3A_55 = arith.constant 0 : i32
        %dma_wait3A_56 = arith.constant 0 : i32
        %dma_wait3A_57 = tpu.memref_slice %arg2[%arg0, %dma_wait3A_55, %dma_wait3A_56] : memref<2x100096x16xf32, #tpu.memory_space<hbm>> -> memref<1x100096x16xf32, #tpu.memory_space<hbm>>
        %dma_wait3A_58 = tpu.memref_squeeze %dma_wait3A_57 : memref<1x100096x16xf32, #tpu.memory_space<hbm>> -> memref<100096x16xf32, #tpu.memory_space<hbm>>
        %dma_wait3A_59 = arith.constant 0 : i32
        %dma_wait3A_60 = arith.constant 0 : i32
        %dma_wait3A_61 = tpu.memref_slice %dma_wait3A_58[%dma_wait3A_59, %dma_wait3A_60] : memref<100096x16xf32, #tpu.memory_space<hbm>> -> memref<128x16xf32, #tpu.memory_space<hbm>>
        %dma_wait3A_62 = tpu.memref_slice %arg11[%rem3A_51] : memref<10x!tpu.dma_semaphore, #tpu.memory_space<semaphore_mem>> -> memref<1x!tpu.dma_semaphore, #tpu.memory_space<semaphore_mem>>
        %dma_wait3A_63 = tpu.memref_squeeze %dma_wait3A_62 : memref<1x!tpu.dma_semaphore, #tpu.memory_space<semaphore_mem>> -> memref<!tpu.dma_semaphore, #tpu.memory_space<semaphore_mem>>
        %dma_wait3A_64 = arith.constant 0 : i32
        %dma_wait3A_65 = arith.constant 0 : i32
        %dma_wait3A_66 = tpu.memref_slice %arg7[%rem3A_51, %dma_wait3A_64, %dma_wait3A_65] : memref<10x128x16xf32, #tpu.memory_space<vmem>> -> memref<1x128x16xf32, #tpu.memory_space<vmem>>
        %dma_wait3A_67 = tpu.memref_squeeze %dma_wait3A_66 : memref<1x128x16xf32, #tpu.memory_space<vmem>> -> memref<128x16xf32, #tpu.memory_space<vmem>>
        %dma_wait3A_68 = arith.constant 0 : i32
        %dma_wait3A_69 = arith.constant 0 : i32
        %dma_wait3A_70 = tpu.memref_slice %arg2[%arg0, %dma_wait3A_68, %dma_wait3A_69] : memref<2x100096x16xf32, #tpu.memory_space<hbm>> -> memref<1x100096x16xf32, #tpu.memory_space<hbm>>
        %dma_wait3A_71 = tpu.memref_squeeze %dma_wait3A_70 : memref<1x100096x16xf32, #tpu.memory_space<hbm>> -> memref<100096x16xf32, #tpu.memory_space<hbm>>
        %dma_wait3A_72 = arith.constant 0 : i32
        %dma_wait3A_73 = arith.constant 0 : i32
        %dma_wait3A_74 = tpu.memref_slice %dma_wait3A_71[%dma_wait3A_72, %dma_wait3A_73] : memref<100096x16xf32, #tpu.memory_space<hbm>> -> memref<128x16xf32, #tpu.memory_space<hbm>>
        tpu.wait_dma2 semaphore(%dma_wait3A_63 : memref<!tpu.dma_semaphore, #tpu.memory_space<semaphore_mem>>) src(%dma_wait3A_74 : memref<128x16xf32, #tpu.memory_space<hbm>>) dst(%dma_wait3A_67 : memref<128x16xf32, #tpu.memory_space<vmem>>)
        %dma_start3A = arith.constant 0 : i32
        %dma_start3A_75 = arith.constant 0 : i32
        %dma_start3A_76 = tpu.memref_slice %arg7[%rem3A_51, %dma_start3A, %dma_start3A_75] : memref<10x128x16xf32, #tpu.memory_space<vmem>> -> memref<1x128x16xf32, #tpu.memory_space<vmem>>
        %dma_start3A_77 = tpu.memref_squeeze %dma_start3A_76 : memref<1x128x16xf32, #tpu.memory_space<vmem>> -> memref<128x16xf32, #tpu.memory_space<vmem>>
        %dma_start3A_78 = arith.constant 0 : i32
        %dma_start3A_79 = tpu.memref_slice %arg9[%rem3A_51, %dma_start3A_78] : memref<10x128xi32, #tpu.memory_space<vmem>> -> memref<1x128xi32, #tpu.memory_space<vmem>>
        %dma_start3A_80 = tpu.memref_squeeze %dma_start3A_79 : memref<1x128xi32, #tpu.memory_space<vmem>> -> memref<128xi32, #tpu.memory_space<vmem>>
        %dma_start3A_81 = arith.constant 0 : i32
        %dma_start3A_82 = arith.constant 0 : i32
        %dma_start3A_83 = tpu.memref_slice %arg6[%dma_start3A_81, %dma_start3A_82] : memref<100096x16xf32, #tpu.memory_space<vmem_shared>> -> memref<100096x16xf32, #tpu.memory_space<vmem_shared>>
        %dma_start3A_84 = tpu.memref_slice %arg12[%rem3A_51] : memref<10x!tpu.dma_semaphore, #tpu.memory_space<semaphore_mem>> -> memref<1x!tpu.dma_semaphore, #tpu.memory_space<semaphore_mem>>
        %dma_start3A_85 = tpu.memref_squeeze %dma_start3A_84 : memref<1x!tpu.dma_semaphore, #tpu.memory_space<semaphore_mem>> -> memref<!tpu.dma_semaphore, #tpu.memory_space<semaphore_mem>>
        tpu.enqueue_indirect_dma source(%dma_start3A_77 : memref<128x16xf32, #tpu.memory_space<vmem>>) target(%dma_start3A_83 : memref<100096x16xf32, #tpu.memory_space<vmem_shared>>) offsets(%dma_start3A_80 : memref<128xi32, #tpu.memory_space<vmem>>) semaphore(%dma_start3A_85 : memref<!tpu.dma_semaphore, #tpu.memory_space<semaphore_mem>>) {add = true}
      } else {
      }
    }
    %scan3A_9 = arith.constant 794 : i32
    %barrier3A_10 = arith.constant 0 : index
    tpu.barrier barrier_id(%barrier3A_10)
    %mul3A_11 = arith.constant 6256 : i32
    %mul3A_12 = arith.muli %arg1, %mul3A_11 : i32
    %mul3A_13 = arith.constant 6256 : i32
    %mul3A_14 = arith.muli %arg1, %mul3A_13 : i32
    "tpu.region"() ({
      %run_scoped3A = tpu.sem_alloc : memref<!tpu.dma_semaphore, #tpu.memory_space<semaphore_mem>>
      %dma_start3A = arith.constant 0 : i32
      %dma_start3A_15 = arith.constant 0 : i32
      %dma_start3A_16 = tpu.memref_slice %arg5[%arg0, %dma_start3A, %dma_start3A_15] : memref<2x100096x16xf32, #tpu.memory_space<hbm>> -> memref<1x100096x16xf32, #tpu.memory_space<hbm>>
      %dma_start3A_17 = tpu.memref_squeeze %dma_start3A_16 : memref<1x100096x16xf32, #tpu.memory_space<hbm>> -> memref<100096x16xf32, #tpu.memory_space<hbm>>
      %dma_start3A_18 = arith.constant 0 : i32
      %dma_start3A_19 = tpu.memref_slice %dma_start3A_17[%mul3A_14, %dma_start3A_18] : memref<100096x16xf32, #tpu.memory_space<hbm>> -> memref<6256x16xf32, #tpu.memory_space<hbm>>
      %dma_start3A_20 = arith.constant 0 : i32
      %dma_start3A_21 = tpu.memref_slice %arg6[%mul3A_12, %dma_start3A_20] : memref<100096x16xf32, #tpu.memory_space<vmem_shared>> -> memref<6256x16xf32, #tpu.memory_space<vmem_shared>>
      tpu.enqueue_dma source(%dma_start3A_21 : memref<6256x16xf32, #tpu.memory_space<vmem_shared>>) target(%dma_start3A_19 : memref<6256x16xf32, #tpu.memory_space<hbm>>) target_semaphore(%run_scoped3A : memref<!tpu.dma_semaphore, #tpu.memory_space<semaphore_mem>>)
      %dma_wait3A = arith.constant 0 : i32
      %dma_wait3A_22 = arith.constant 0 : i32
      %dma_wait3A_23 = tpu.memref_slice %arg5[%arg0, %dma_wait3A, %dma_wait3A_22] : memref<2x100096x16xf32, #tpu.memory_space<hbm>> -> memref<1x100096x16xf32, #tpu.memory_space<hbm>>
      %dma_wait3A_24 = tpu.memref_squeeze %dma_wait3A_23 : memref<1x100096x16xf32, #tpu.memory_space<hbm>> -> memref<100096x16xf32, #tpu.memory_space<hbm>>
      %dma_wait3A_25 = arith.constant 0 : i32
      %dma_wait3A_26 = tpu.memref_slice %dma_wait3A_24[%mul3A_14, %dma_wait3A_25] : memref<100096x16xf32, #tpu.memory_space<hbm>> -> memref<6256x16xf32, #tpu.memory_space<hbm>>
      %dma_wait3A_27 = arith.constant 0 : i32
      %dma_wait3A_28 = tpu.memref_slice %arg6[%mul3A_12, %dma_wait3A_27] : memref<100096x16xf32, #tpu.memory_space<vmem_shared>> -> memref<6256x16xf32, #tpu.memory_space<vmem_shared>>
      tpu.wait_dma2 semaphore(%run_scoped3A : memref<!tpu.dma_semaphore, #tpu.memory_space<semaphore_mem>>) src(%dma_wait3A_28 : memref<6256x16xf32, #tpu.memory_space<vmem_shared>>) dst(%dma_wait3A_26 : memref<6256x16xf32, #tpu.memory_space<hbm>>)
      tpu.yield
    }) : () -> ()
    return
  }
}

#map = affine_map<(d0, d1) -> (0, 0, 0)>
#map1 = affine_map<(d0, d1) -> (0, 0)>
module attributes {stable_mosaic.version = 14 : i64} {
  func.func @agg_kernel(%arg0: i32, %arg1: i32, %arg2: memref<2x100096x16xf32, #tpu.memory_space<hbm>>, %arg3: memref<2x12544x128xi32, #tpu.memory_space<hbm>>, %arg4: memref<3128x16xf32, #tpu.memory_space<hbm>>, %arg5: memref<2x100096x16xf32, #tpu.memory_space<hbm>>, %arg6: memref<100096x16xf32, #tpu.memory_space<vmem_shared>>, %arg7: memref<10x128x16xf32, #tpu.memory_space<vmem>>, %arg8: memref<10x128xi32, #tpu.memory_space<vmem>>, %arg9: memref<10x128xi32, #tpu.memory_space<vmem>>, %arg10: memref<10x!tpu.dma_semaphore, #tpu.memory_space<semaphore_mem>>, %arg11: memref<10x!tpu.dma_semaphore, #tpu.memory_space<semaphore_mem>>, %arg12: memref<10x!tpu.dma_semaphore, #tpu.memory_space<semaphore_mem>>) attributes {dimension_semantics = [#tpu.dimension_semantics<core_parallel>, #tpu.dimension_semantics<subcore_parallel>], iteration_bounds = array<i64: 2, 16>, scalar_prefetch = 0 : i64, scratch_operands = 7 : i64, tpu.core_type = #tpu.core_type<sc_vector_subcore>, window_params = [{transform_indices = #map}, {transform_indices = #map}, {transform_indices = #map1}, {transform_indices = #map}]} {
    %scan3A = arith.constant 0 : i32
    %scan3A_0 = arith.constant 2 : i32
    %scan3A_1 = arith.addi %scan3A, %scan3A_0 : i32
    %scan3A_2 = arith.constant 1 : i32
    scf.for %scan3A_15 = %scan3A to %scan3A_1 step %scan3A_2  : i32 {
      %mul3A_16 = arith.constant 1 : i32
      %mul3A_17 = arith.muli %scan3A_15, %mul3A_16 : i32
      %add3A = arith.constant 0 : i32
      %add3A_18 = arith.addi %add3A, %mul3A_17 : i32
      %mul3A_19 = arith.constant 6256 : i32
      %mul3A_20 = arith.muli %arg1, %mul3A_19 : i32
      %mul3A_21 = arith.constant 3128 : i32
      %mul3A_22 = arith.muli %add3A_18, %mul3A_21 : i32
      %add3A_23 = arith.addi %mul3A_20, %mul3A_22 : i32
      "tpu.region"() ({
        %run_scoped3A = tpu.sem_alloc : memref<!tpu.dma_semaphore, #tpu.memory_space<semaphore_mem>>
        %dma_start3A = arith.constant 0 : i32
        %dma_start3A_24 = tpu.memref_slice %arg6[%add3A_23, %dma_start3A] : memref<100096x16xf32, #tpu.memory_space<vmem_shared>> -> memref<3128x16xf32, #tpu.memory_space<vmem_shared>>
        tpu.enqueue_dma source(%arg4 : memref<3128x16xf32, #tpu.memory_space<hbm>>) target(%dma_start3A_24 : memref<3128x16xf32, #tpu.memory_space<vmem_shared>>) target_semaphore(%run_scoped3A : memref<!tpu.dma_semaphore, #tpu.memory_space<semaphore_mem>>)
        %dma_wait3A = arith.constant 0 : i32
        %dma_wait3A_25 = tpu.memref_slice %arg6[%add3A_23, %dma_wait3A] : memref<100096x16xf32, #tpu.memory_space<vmem_shared>> -> memref<3128x16xf32, #tpu.memory_space<vmem_shared>>
        tpu.wait_dma2 semaphore(%run_scoped3A : memref<!tpu.dma_semaphore, #tpu.memory_space<semaphore_mem>>) src(%arg4 : memref<3128x16xf32, #tpu.memory_space<hbm>>) dst(%dma_wait3A_25 : memref<3128x16xf32, #tpu.memory_space<vmem_shared>>)
        tpu.yield
      }) : () -> ()
    }
    %scan3A_3 = arith.constant 2 : i32
    %barrier3A = arith.constant 0 : index
    tpu.barrier barrier_id(%barrier3A)
    %mul3A = arith.constant 784 : i32
    %mul3A_4 = arith.muli %arg1, %mul3A : i32
    %scan3A_5 = arith.constant 0 : i32
    %scan3A_6 = arith.constant 794 : i32
    %scan3A_7 = arith.addi %scan3A_5, %scan3A_6 : i32
    %scan3A_8 = arith.constant 1 : i32
    scf.for %scan3A_15 = %scan3A_5 to %scan3A_7 step %scan3A_8  : i32 {
      %mul3A_16 = arith.constant 1 : i32
      %mul3A_17 = arith.muli %scan3A_15, %mul3A_16 : i32
      %add3A = arith.constant 0 : i32
      %add3A_18 = arith.addi %add3A, %mul3A_17 : i32
      %rem3A = arith.constant 10 : i32
      %rem3A_19 = arith.remsi %add3A_18, %rem3A : i32
      %ge3A = arith.constant 10 : i32
      %ge3A_20 = arith.cmpi sge, %add3A_18, %ge3A : i32
      %convert_element_type3A = arith.extui %ge3A_20 : i1 to i32
      %cond3A = arith.constant 0 : i32
      %cond3A_21 = arith.cmpi ne, %convert_element_type3A, %cond3A : i32
      scf.if %cond3A_21 {
        %dma_wait3A = arith.constant 0 : i32
        %dma_wait3A_46 = arith.constant 0 : i32
        %dma_wait3A_47 = tpu.memref_slice %arg7[%rem3A_19, %dma_wait3A, %dma_wait3A_46] : memref<10x128x16xf32, #tpu.memory_space<vmem>> -> memref<1x128x16xf32, #tpu.memory_space<vmem>>
        %dma_wait3A_48 = tpu.memref_squeeze %dma_wait3A_47 : memref<1x128x16xf32, #tpu.memory_space<vmem>> -> memref<128x16xf32, #tpu.memory_space<vmem>>
        %dma_wait3A_49 = arith.constant 0 : i32
        %dma_wait3A_50 = arith.constant 0 : i32
        %dma_wait3A_51 = tpu.memref_slice %arg2[%arg0, %dma_wait3A_49, %dma_wait3A_50] : memref<2x100096x16xf32, #tpu.memory_space<hbm>> -> memref<1x100096x16xf32, #tpu.memory_space<hbm>>
        %dma_wait3A_52 = tpu.memref_squeeze %dma_wait3A_51 : memref<1x100096x16xf32, #tpu.memory_space<hbm>> -> memref<100096x16xf32, #tpu.memory_space<hbm>>
        %dma_wait3A_53 = arith.constant 0 : i32
        %dma_wait3A_54 = arith.constant 0 : i32
        %dma_wait3A_55 = tpu.memref_slice %dma_wait3A_52[%dma_wait3A_53, %dma_wait3A_54] : memref<100096x16xf32, #tpu.memory_space<hbm>> -> memref<128x16xf32, #tpu.memory_space<hbm>>
        %dma_wait3A_56 = tpu.memref_slice %arg12[%rem3A_19] : memref<10x!tpu.dma_semaphore, #tpu.memory_space<semaphore_mem>> -> memref<1x!tpu.dma_semaphore, #tpu.memory_space<semaphore_mem>>
        %dma_wait3A_57 = tpu.memref_squeeze %dma_wait3A_56 : memref<1x!tpu.dma_semaphore, #tpu.memory_space<semaphore_mem>> -> memref<!tpu.dma_semaphore, #tpu.memory_space<semaphore_mem>>
        %dma_wait3A_58 = arith.constant 0 : i32
        %dma_wait3A_59 = arith.constant 0 : i32
        %dma_wait3A_60 = tpu.memref_slice %arg7[%rem3A_19, %dma_wait3A_58, %dma_wait3A_59] : memref<10x128x16xf32, #tpu.memory_space<vmem>> -> memref<1x128x16xf32, #tpu.memory_space<vmem>>
        %dma_wait3A_61 = tpu.memref_squeeze %dma_wait3A_60 : memref<1x128x16xf32, #tpu.memory_space<vmem>> -> memref<128x16xf32, #tpu.memory_space<vmem>>
        %dma_wait3A_62 = arith.constant 0 : i32
        %dma_wait3A_63 = arith.constant 0 : i32
        %dma_wait3A_64 = tpu.memref_slice %arg2[%arg0, %dma_wait3A_62, %dma_wait3A_63] : memref<2x100096x16xf32, #tpu.memory_space<hbm>> -> memref<1x100096x16xf32, #tpu.memory_space<hbm>>
        %dma_wait3A_65 = tpu.memref_squeeze %dma_wait3A_64 : memref<1x100096x16xf32, #tpu.memory_space<hbm>> -> memref<100096x16xf32, #tpu.memory_space<hbm>>
        %dma_wait3A_66 = arith.constant 0 : i32
        %dma_wait3A_67 = arith.constant 0 : i32
        %dma_wait3A_68 = tpu.memref_slice %dma_wait3A_65[%dma_wait3A_66, %dma_wait3A_67] : memref<100096x16xf32, #tpu.memory_space<hbm>> -> memref<128x16xf32, #tpu.memory_space<hbm>>
        tpu.wait_dma2 semaphore(%dma_wait3A_57 : memref<!tpu.dma_semaphore, #tpu.memory_space<semaphore_mem>>) src(%dma_wait3A_68 : memref<128x16xf32, #tpu.memory_space<hbm>>) dst(%dma_wait3A_61 : memref<128x16xf32, #tpu.memory_space<vmem>>)
      } else {
      }
      %lt3A = arith.constant 784 : i32
      %lt3A_22 = arith.cmpi slt, %add3A_18, %lt3A : i32
      %convert_element_type3A_23 = arith.extui %lt3A_22 : i1 to i32
      %cond3A_24 = arith.constant 0 : i32
      %cond3A_25 = arith.cmpi ne, %convert_element_type3A_23, %cond3A_24 : i32
      scf.if %cond3A_25 {
        %add3A_46 = arith.addi %mul3A_4, %add3A_18 : i32
        %dma_start3A = arith.constant 0 : i32
        %dma_start3A_47 = arith.constant 0 : i32
        %dma_start3A_48 = tpu.memref_slice %arg8[%rem3A_19, %dma_start3A_47] : memref<10x128xi32, #tpu.memory_space<vmem>> -> memref<1x128xi32, #tpu.memory_space<vmem>>
        %dma_start3A_49 = tpu.memref_squeeze %dma_start3A_48 : memref<1x128xi32, #tpu.memory_space<vmem>> -> memref<128xi32, #tpu.memory_space<vmem>>
        %dma_start3A_50 = arith.constant 0 : i32
        %dma_start3A_51 = arith.constant 0 : i32
        %dma_start3A_52 = tpu.memref_slice %arg3[%dma_start3A, %dma_start3A_50, %dma_start3A_51] : memref<2x12544x128xi32, #tpu.memory_space<hbm>> -> memref<1x12544x128xi32, #tpu.memory_space<hbm>>
        %dma_start3A_53 = tpu.memref_squeeze %dma_start3A_52 : memref<1x12544x128xi32, #tpu.memory_space<hbm>> -> memref<12544x128xi32, #tpu.memory_space<hbm>>
        %dma_start3A_54 = arith.constant 0 : i32
        %dma_start3A_55 = tpu.memref_slice %dma_start3A_53[%add3A_46, %dma_start3A_54] : memref<12544x128xi32, #tpu.memory_space<hbm>> -> memref<1x128xi32, #tpu.memory_space<hbm>>
        %dma_start3A_56 = tpu.memref_squeeze %dma_start3A_55 : memref<1x128xi32, #tpu.memory_space<hbm>> -> memref<128xi32, #tpu.memory_space<hbm>>
        %dma_start3A_57 = tpu.memref_slice %arg10[%rem3A_19] : memref<10x!tpu.dma_semaphore, #tpu.memory_space<semaphore_mem>> -> memref<1x!tpu.dma_semaphore, #tpu.memory_space<semaphore_mem>>
        %dma_start3A_58 = tpu.memref_squeeze %dma_start3A_57 : memref<1x!tpu.dma_semaphore, #tpu.memory_space<semaphore_mem>> -> memref<!tpu.dma_semaphore, #tpu.memory_space<semaphore_mem>>
        %dma_start3A_59 = arith.constant 0 : i32
        %dma_start3A_60 = tpu.memref_slice %arg8[%rem3A_19, %dma_start3A_59] : memref<10x128xi32, #tpu.memory_space<vmem>> -> memref<1x128xi32, #tpu.memory_space<vmem>>
        %dma_start3A_61 = tpu.memref_squeeze %dma_start3A_60 : memref<1x128xi32, #tpu.memory_space<vmem>> -> memref<128xi32, #tpu.memory_space<vmem>>
        %dma_start3A_62 = arith.constant 0 : i32
        %dma_start3A_63 = arith.constant 0 : i32
        %dma_start3A_64 = tpu.memref_slice %arg3[%dma_start3A, %dma_start3A_62, %dma_start3A_63] : memref<2x12544x128xi32, #tpu.memory_space<hbm>> -> memref<1x12544x128xi32, #tpu.memory_space<hbm>>
        %dma_start3A_65 = tpu.memref_squeeze %dma_start3A_64 : memref<1x12544x128xi32, #tpu.memory_space<hbm>> -> memref<12544x128xi32, #tpu.memory_space<hbm>>
        %dma_start3A_66 = arith.constant 0 : i32
        %dma_start3A_67 = tpu.memref_slice %dma_start3A_65[%add3A_46, %dma_start3A_66] : memref<12544x128xi32, #tpu.memory_space<hbm>> -> memref<1x128xi32, #tpu.memory_space<hbm>>
        %dma_start3A_68 = tpu.memref_squeeze %dma_start3A_67 : memref<1x128xi32, #tpu.memory_space<hbm>> -> memref<128xi32, #tpu.memory_space<hbm>>
        tpu.enqueue_dma source(%dma_start3A_68 : memref<128xi32, #tpu.memory_space<hbm>>) target(%dma_start3A_61 : memref<128xi32, #tpu.memory_space<vmem>>) target_semaphore(%dma_start3A_58 : memref<!tpu.dma_semaphore, #tpu.memory_space<semaphore_mem>>)
        %add3A_69 = arith.addi %mul3A_4, %add3A_18 : i32
        %dma_start3A_70 = arith.constant 1 : i32
        %dma_start3A_71 = arith.constant 0 : i32
        %dma_start3A_72 = tpu.memref_slice %arg9[%rem3A_19, %dma_start3A_71] : memref<10x128xi32, #tpu.memory_space<vmem>> -> memref<1x128xi32, #tpu.memory_space<vmem>>
        %dma_start3A_73 = tpu.memref_squeeze %dma_start3A_72 : memref<1x128xi32, #tpu.memory_space<vmem>> -> memref<128xi32, #tpu.memory_space<vmem>>
        %dma_start3A_74 = arith.constant 0 : i32
        %dma_start3A_75 = arith.constant 0 : i32
        %dma_start3A_76 = tpu.memref_slice %arg3[%dma_start3A_70, %dma_start3A_74, %dma_start3A_75] : memref<2x12544x128xi32, #tpu.memory_space<hbm>> -> memref<1x12544x128xi32, #tpu.memory_space<hbm>>
        %dma_start3A_77 = tpu.memref_squeeze %dma_start3A_76 : memref<1x12544x128xi32, #tpu.memory_space<hbm>> -> memref<12544x128xi32, #tpu.memory_space<hbm>>
        %dma_start3A_78 = arith.constant 0 : i32
        %dma_start3A_79 = tpu.memref_slice %dma_start3A_77[%add3A_69, %dma_start3A_78] : memref<12544x128xi32, #tpu.memory_space<hbm>> -> memref<1x128xi32, #tpu.memory_space<hbm>>
        %dma_start3A_80 = tpu.memref_squeeze %dma_start3A_79 : memref<1x128xi32, #tpu.memory_space<hbm>> -> memref<128xi32, #tpu.memory_space<hbm>>
        %dma_start3A_81 = tpu.memref_slice %arg10[%rem3A_19] : memref<10x!tpu.dma_semaphore, #tpu.memory_space<semaphore_mem>> -> memref<1x!tpu.dma_semaphore, #tpu.memory_space<semaphore_mem>>
        %dma_start3A_82 = tpu.memref_squeeze %dma_start3A_81 : memref<1x!tpu.dma_semaphore, #tpu.memory_space<semaphore_mem>> -> memref<!tpu.dma_semaphore, #tpu.memory_space<semaphore_mem>>
        %dma_start3A_83 = arith.constant 0 : i32
        %dma_start3A_84 = tpu.memref_slice %arg9[%rem3A_19, %dma_start3A_83] : memref<10x128xi32, #tpu.memory_space<vmem>> -> memref<1x128xi32, #tpu.memory_space<vmem>>
        %dma_start3A_85 = tpu.memref_squeeze %dma_start3A_84 : memref<1x128xi32, #tpu.memory_space<vmem>> -> memref<128xi32, #tpu.memory_space<vmem>>
        %dma_start3A_86 = arith.constant 0 : i32
        %dma_start3A_87 = arith.constant 0 : i32
        %dma_start3A_88 = tpu.memref_slice %arg3[%dma_start3A_70, %dma_start3A_86, %dma_start3A_87] : memref<2x12544x128xi32, #tpu.memory_space<hbm>> -> memref<1x12544x128xi32, #tpu.memory_space<hbm>>
        %dma_start3A_89 = tpu.memref_squeeze %dma_start3A_88 : memref<1x12544x128xi32, #tpu.memory_space<hbm>> -> memref<12544x128xi32, #tpu.memory_space<hbm>>
        %dma_start3A_90 = arith.constant 0 : i32
        %dma_start3A_91 = tpu.memref_slice %dma_start3A_89[%add3A_69, %dma_start3A_90] : memref<12544x128xi32, #tpu.memory_space<hbm>> -> memref<1x128xi32, #tpu.memory_space<hbm>>
        %dma_start3A_92 = tpu.memref_squeeze %dma_start3A_91 : memref<1x128xi32, #tpu.memory_space<hbm>> -> memref<128xi32, #tpu.memory_space<hbm>>
        tpu.enqueue_dma source(%dma_start3A_92 : memref<128xi32, #tpu.memory_space<hbm>>) target(%dma_start3A_85 : memref<128xi32, #tpu.memory_space<vmem>>) target_semaphore(%dma_start3A_82 : memref<!tpu.dma_semaphore, #tpu.memory_space<semaphore_mem>>)
      } else {
      }
      %ge3A_26 = arith.constant 3 : i32
      %ge3A_27 = arith.cmpi sge, %add3A_18, %ge3A_26 : i32
      %sub3A = arith.constant 3 : i32
      %sub3A_28 = arith.subi %add3A_18, %sub3A : i32
      %lt3A_29 = arith.constant 784 : i32
      %lt3A_30 = arith.cmpi slt, %sub3A_28, %lt3A_29 : i32
      %and3A = arith.andi %ge3A_27, %lt3A_30 : i1
      %convert_element_type3A_31 = arith.extui %and3A : i1 to i32
      %cond3A_32 = arith.constant 0 : i32
      %cond3A_33 = arith.cmpi ne, %convert_element_type3A_31, %cond3A_32 : i32
      scf.if %cond3A_33 {
        %sub3A_46 = arith.constant 3 : i32
        %sub3A_47 = arith.subi %add3A_18, %sub3A_46 : i32
        %rem3A_48 = arith.constant 10 : i32
        %rem3A_49 = arith.remsi %sub3A_47, %rem3A_48 : i32
        %dma_wait3A = arith.constant 0 : i32
        %dma_wait3A_50 = arith.constant 0 : i32
        %dma_wait3A_51 = tpu.memref_slice %arg8[%rem3A_49, %dma_wait3A_50] : memref<10x128xi32, #tpu.memory_space<vmem>> -> memref<1x128xi32, #tpu.memory_space<vmem>>
        %dma_wait3A_52 = tpu.memref_squeeze %dma_wait3A_51 : memref<1x128xi32, #tpu.memory_space<vmem>> -> memref<128xi32, #tpu.memory_space<vmem>>
        %dma_wait3A_53 = arith.constant 0 : i32
        %dma_wait3A_54 = arith.constant 0 : i32
        %dma_wait3A_55 = tpu.memref_slice %arg3[%dma_wait3A, %dma_wait3A_53, %dma_wait3A_54] : memref<2x12544x128xi32, #tpu.memory_space<hbm>> -> memref<1x12544x128xi32, #tpu.memory_space<hbm>>
        %dma_wait3A_56 = tpu.memref_squeeze %dma_wait3A_55 : memref<1x12544x128xi32, #tpu.memory_space<hbm>> -> memref<12544x128xi32, #tpu.memory_space<hbm>>
        %dma_wait3A_57 = arith.constant 0 : i32
        %dma_wait3A_58 = tpu.memref_slice %dma_wait3A_56[%mul3A_4, %dma_wait3A_57] : memref<12544x128xi32, #tpu.memory_space<hbm>> -> memref<1x128xi32, #tpu.memory_space<hbm>>
        %dma_wait3A_59 = tpu.memref_squeeze %dma_wait3A_58 : memref<1x128xi32, #tpu.memory_space<hbm>> -> memref<128xi32, #tpu.memory_space<hbm>>
        %dma_wait3A_60 = tpu.memref_slice %arg10[%rem3A_49] : memref<10x!tpu.dma_semaphore, #tpu.memory_space<semaphore_mem>> -> memref<1x!tpu.dma_semaphore, #tpu.memory_space<semaphore_mem>>
        %dma_wait3A_61 = tpu.memref_squeeze %dma_wait3A_60 : memref<1x!tpu.dma_semaphore, #tpu.memory_space<semaphore_mem>> -> memref<!tpu.dma_semaphore, #tpu.memory_space<semaphore_mem>>
        %dma_wait3A_62 = arith.constant 0 : i32
        %dma_wait3A_63 = tpu.memref_slice %arg8[%rem3A_49, %dma_wait3A_62] : memref<10x128xi32, #tpu.memory_space<vmem>> -> memref<1x128xi32, #tpu.memory_space<vmem>>
        %dma_wait3A_64 = tpu.memref_squeeze %dma_wait3A_63 : memref<1x128xi32, #tpu.memory_space<vmem>> -> memref<128xi32, #tpu.memory_space<vmem>>
        %dma_wait3A_65 = arith.constant 0 : i32
        %dma_wait3A_66 = arith.constant 0 : i32
        %dma_wait3A_67 = tpu.memref_slice %arg3[%dma_wait3A, %dma_wait3A_65, %dma_wait3A_66] : memref<2x12544x128xi32, #tpu.memory_space<hbm>> -> memref<1x12544x128xi32, #tpu.memory_space<hbm>>
        %dma_wait3A_68 = tpu.memref_squeeze %dma_wait3A_67 : memref<1x12544x128xi32, #tpu.memory_space<hbm>> -> memref<12544x128xi32, #tpu.memory_space<hbm>>
        %dma_wait3A_69 = arith.constant 0 : i32
        %dma_wait3A_70 = tpu.memref_slice %dma_wait3A_68[%mul3A_4, %dma_wait3A_69] : memref<12544x128xi32, #tpu.memory_space<hbm>> -> memref<1x128xi32, #tpu.memory_space<hbm>>
        %dma_wait3A_71 = tpu.memref_squeeze %dma_wait3A_70 : memref<1x128xi32, #tpu.memory_space<hbm>> -> memref<128xi32, #tpu.memory_space<hbm>>
        tpu.wait_dma2 semaphore(%dma_wait3A_61 : memref<!tpu.dma_semaphore, #tpu.memory_space<semaphore_mem>>) src(%dma_wait3A_71 : memref<128xi32, #tpu.memory_space<hbm>>) dst(%dma_wait3A_64 : memref<128xi32, #tpu.memory_space<vmem>>)
        %dma_wait3A_72 = arith.constant 1 : i32
        %dma_wait3A_73 = arith.constant 0 : i32
        %dma_wait3A_74 = tpu.memref_slice %arg9[%rem3A_49, %dma_wait3A_73] : memref<10x128xi32, #tpu.memory_space<vmem>> -> memref<1x128xi32, #tpu.memory_space<vmem>>
        %dma_wait3A_75 = tpu.memref_squeeze %dma_wait3A_74 : memref<1x128xi32, #tpu.memory_space<vmem>> -> memref<128xi32, #tpu.memory_space<vmem>>
        %dma_wait3A_76 = arith.constant 0 : i32
        %dma_wait3A_77 = arith.constant 0 : i32
        %dma_wait3A_78 = tpu.memref_slice %arg3[%dma_wait3A_72, %dma_wait3A_76, %dma_wait3A_77] : memref<2x12544x128xi32, #tpu.memory_space<hbm>> -> memref<1x12544x128xi32, #tpu.memory_space<hbm>>
        %dma_wait3A_79 = tpu.memref_squeeze %dma_wait3A_78 : memref<1x12544x128xi32, #tpu.memory_space<hbm>> -> memref<12544x128xi32, #tpu.memory_space<hbm>>
        %dma_wait3A_80 = arith.constant 0 : i32
        %dma_wait3A_81 = tpu.memref_slice %dma_wait3A_79[%mul3A_4, %dma_wait3A_80] : memref<12544x128xi32, #tpu.memory_space<hbm>> -> memref<1x128xi32, #tpu.memory_space<hbm>>
        %dma_wait3A_82 = tpu.memref_squeeze %dma_wait3A_81 : memref<1x128xi32, #tpu.memory_space<hbm>> -> memref<128xi32, #tpu.memory_space<hbm>>
        %dma_wait3A_83 = tpu.memref_slice %arg10[%rem3A_49] : memref<10x!tpu.dma_semaphore, #tpu.memory_space<semaphore_mem>> -> memref<1x!tpu.dma_semaphore, #tpu.memory_space<semaphore_mem>>
        %dma_wait3A_84 = tpu.memref_squeeze %dma_wait3A_83 : memref<1x!tpu.dma_semaphore, #tpu.memory_space<semaphore_mem>> -> memref<!tpu.dma_semaphore, #tpu.memory_space<semaphore_mem>>
        %dma_wait3A_85 = arith.constant 0 : i32
        %dma_wait3A_86 = tpu.memref_slice %arg9[%rem3A_49, %dma_wait3A_85] : memref<10x128xi32, #tpu.memory_space<vmem>> -> memref<1x128xi32, #tpu.memory_space<vmem>>
        %dma_wait3A_87 = tpu.memref_squeeze %dma_wait3A_86 : memref<1x128xi32, #tpu.memory_space<vmem>> -> memref<128xi32, #tpu.memory_space<vmem>>
        %dma_wait3A_88 = arith.constant 0 : i32
        %dma_wait3A_89 = arith.constant 0 : i32
        %dma_wait3A_90 = tpu.memref_slice %arg3[%dma_wait3A_72, %dma_wait3A_88, %dma_wait3A_89] : memref<2x12544x128xi32, #tpu.memory_space<hbm>> -> memref<1x12544x128xi32, #tpu.memory_space<hbm>>
        %dma_wait3A_91 = tpu.memref_squeeze %dma_wait3A_90 : memref<1x12544x128xi32, #tpu.memory_space<hbm>> -> memref<12544x128xi32, #tpu.memory_space<hbm>>
        %dma_wait3A_92 = arith.constant 0 : i32
        %dma_wait3A_93 = tpu.memref_slice %dma_wait3A_91[%mul3A_4, %dma_wait3A_92] : memref<12544x128xi32, #tpu.memory_space<hbm>> -> memref<1x128xi32, #tpu.memory_space<hbm>>
        %dma_wait3A_94 = tpu.memref_squeeze %dma_wait3A_93 : memref<1x128xi32, #tpu.memory_space<hbm>> -> memref<128xi32, #tpu.memory_space<hbm>>
        tpu.wait_dma2 semaphore(%dma_wait3A_84 : memref<!tpu.dma_semaphore, #tpu.memory_space<semaphore_mem>>) src(%dma_wait3A_94 : memref<128xi32, #tpu.memory_space<hbm>>) dst(%dma_wait3A_87 : memref<128xi32, #tpu.memory_space<vmem>>)
        %dma_start3A = arith.constant 0 : i32
        %dma_start3A_95 = arith.constant 0 : i32
        %dma_start3A_96 = tpu.memref_slice %arg7[%rem3A_49, %dma_start3A, %dma_start3A_95] : memref<10x128x16xf32, #tpu.memory_space<vmem>> -> memref<1x128x16xf32, #tpu.memory_space<vmem>>
        %dma_start3A_97 = tpu.memref_squeeze %dma_start3A_96 : memref<1x128x16xf32, #tpu.memory_space<vmem>> -> memref<128x16xf32, #tpu.memory_space<vmem>>
        %dma_start3A_98 = arith.constant 0 : i32
        %dma_start3A_99 = tpu.memref_slice %arg8[%rem3A_49, %dma_start3A_98] : memref<10x128xi32, #tpu.memory_space<vmem>> -> memref<1x128xi32, #tpu.memory_space<vmem>>
        %dma_start3A_100 = tpu.memref_squeeze %dma_start3A_99 : memref<1x128xi32, #tpu.memory_space<vmem>> -> memref<128xi32, #tpu.memory_space<vmem>>
        %dma_start3A_101 = arith.constant 0 : i32
        %dma_start3A_102 = arith.constant 0 : i32
        %dma_start3A_103 = tpu.memref_slice %arg2[%arg0, %dma_start3A_101, %dma_start3A_102] : memref<2x100096x16xf32, #tpu.memory_space<hbm>> -> memref<1x100096x16xf32, #tpu.memory_space<hbm>>
        %dma_start3A_104 = tpu.memref_squeeze %dma_start3A_103 : memref<1x100096x16xf32, #tpu.memory_space<hbm>> -> memref<100096x16xf32, #tpu.memory_space<hbm>>
        %dma_start3A_105 = arith.constant 0 : i32
        %dma_start3A_106 = arith.constant 0 : i32
        %dma_start3A_107 = tpu.memref_slice %dma_start3A_104[%dma_start3A_105, %dma_start3A_106] : memref<100096x16xf32, #tpu.memory_space<hbm>> -> memref<100096x16xf32, #tpu.memory_space<hbm>>
        %dma_start3A_108 = tpu.memref_slice %arg11[%rem3A_49] : memref<10x!tpu.dma_semaphore, #tpu.memory_space<semaphore_mem>> -> memref<1x!tpu.dma_semaphore, #tpu.memory_space<semaphore_mem>>
        %dma_start3A_109 = tpu.memref_squeeze %dma_start3A_108 : memref<1x!tpu.dma_semaphore, #tpu.memory_space<semaphore_mem>> -> memref<!tpu.dma_semaphore, #tpu.memory_space<semaphore_mem>>
        tpu.enqueue_indirect_dma source(%dma_start3A_107 : memref<100096x16xf32, #tpu.memory_space<hbm>>) target(%dma_start3A_97 : memref<128x16xf32, #tpu.memory_space<vmem>>) offsets(%dma_start3A_100 : memref<128xi32, #tpu.memory_space<vmem>>) semaphore(%dma_start3A_109 : memref<!tpu.dma_semaphore, #tpu.memory_space<semaphore_mem>>)
      } else {
      }
      %ge3A_34 = arith.constant 6 : i32
      %ge3A_35 = arith.cmpi sge, %add3A_18, %ge3A_34 : i32
      %sub3A_36 = arith.constant 3 : i32
      %sub3A_37 = arith.subi %add3A_18, %sub3A_36 : i32
      %sub3A_38 = arith.constant 3 : i32
      %sub3A_39 = arith.subi %sub3A_37, %sub3A_38 : i32
      %lt3A_40 = arith.constant 784 : i32
      %lt3A_41 = arith.cmpi slt, %sub3A_39, %lt3A_40 : i32
      %and3A_42 = arith.andi %ge3A_35, %lt3A_41 : i1
      %convert_element_type3A_43 = arith.extui %and3A_42 : i1 to i32
      %cond3A_44 = arith.constant 0 : i32
      %cond3A_45 = arith.cmpi ne, %convert_element_type3A_43, %cond3A_44 : i32
      scf.if %cond3A_45 {
        %sub3A_46 = arith.constant 3 : i32
        %sub3A_47 = arith.subi %add3A_18, %sub3A_46 : i32
        %sub3A_48 = arith.constant 3 : i32
        %sub3A_49 = arith.subi %sub3A_47, %sub3A_48 : i32
        %rem3A_50 = arith.constant 10 : i32
        %rem3A_51 = arith.remsi %sub3A_49, %rem3A_50 : i32
        %dma_wait3A = arith.constant 0 : i32
        %dma_wait3A_52 = arith.constant 0 : i32
        %dma_wait3A_53 = tpu.memref_slice %arg7[%rem3A_51, %dma_wait3A, %dma_wait3A_52] : memref<10x128x16xf32, #tpu.memory_space<vmem>> -> memref<1x128x16xf32, #tpu.memory_space<vmem>>
        %dma_wait3A_54 = tpu.memref_squeeze %dma_wait3A_53 : memref<1x128x16xf32, #tpu.memory_space<vmem>> -> memref<128x16xf32, #tpu.memory_space<vmem>>
        %dma_wait3A_55 = arith.constant 0 : i32
        %dma_wait3A_56 = arith.constant 0 : i32
        %dma_wait3A_57 = tpu.memref_slice %arg2[%arg0, %dma_wait3A_55, %dma_wait3A_56] : memref<2x100096x16xf32, #tpu.memory_space<hbm>> -> memref<1x100096x16xf32, #tpu.memory_space<hbm>>
        %dma_wait3A_58 = tpu.memref_squeeze %dma_wait3A_57 : memref<1x100096x16xf32, #tpu.memory_space<hbm>> -> memref<100096x16xf32, #tpu.memory_space<hbm>>
        %dma_wait3A_59 = arith.constant 0 : i32
        %dma_wait3A_60 = arith.constant 0 : i32
        %dma_wait3A_61 = tpu.memref_slice %dma_wait3A_58[%dma_wait3A_59, %dma_wait3A_60] : memref<100096x16xf32, #tpu.memory_space<hbm>> -> memref<128x16xf32, #tpu.memory_space<hbm>>
        %dma_wait3A_62 = tpu.memref_slice %arg11[%rem3A_51] : memref<10x!tpu.dma_semaphore, #tpu.memory_space<semaphore_mem>> -> memref<1x!tpu.dma_semaphore, #tpu.memory_space<semaphore_mem>>
        %dma_wait3A_63 = tpu.memref_squeeze %dma_wait3A_62 : memref<1x!tpu.dma_semaphore, #tpu.memory_space<semaphore_mem>> -> memref<!tpu.dma_semaphore, #tpu.memory_space<semaphore_mem>>
        %dma_wait3A_64 = arith.constant 0 : i32
        %dma_wait3A_65 = arith.constant 0 : i32
        %dma_wait3A_66 = tpu.memref_slice %arg7[%rem3A_51, %dma_wait3A_64, %dma_wait3A_65] : memref<10x128x16xf32, #tpu.memory_space<vmem>> -> memref<1x128x16xf32, #tpu.memory_space<vmem>>
        %dma_wait3A_67 = tpu.memref_squeeze %dma_wait3A_66 : memref<1x128x16xf32, #tpu.memory_space<vmem>> -> memref<128x16xf32, #tpu.memory_space<vmem>>
        %dma_wait3A_68 = arith.constant 0 : i32
        %dma_wait3A_69 = arith.constant 0 : i32
        %dma_wait3A_70 = tpu.memref_slice %arg2[%arg0, %dma_wait3A_68, %dma_wait3A_69] : memref<2x100096x16xf32, #tpu.memory_space<hbm>> -> memref<1x100096x16xf32, #tpu.memory_space<hbm>>
        %dma_wait3A_71 = tpu.memref_squeeze %dma_wait3A_70 : memref<1x100096x16xf32, #tpu.memory_space<hbm>> -> memref<100096x16xf32, #tpu.memory_space<hbm>>
        %dma_wait3A_72 = arith.constant 0 : i32
        %dma_wait3A_73 = arith.constant 0 : i32
        %dma_wait3A_74 = tpu.memref_slice %dma_wait3A_71[%dma_wait3A_72, %dma_wait3A_73] : memref<100096x16xf32, #tpu.memory_space<hbm>> -> memref<128x16xf32, #tpu.memory_space<hbm>>
        tpu.wait_dma2 semaphore(%dma_wait3A_63 : memref<!tpu.dma_semaphore, #tpu.memory_space<semaphore_mem>>) src(%dma_wait3A_74 : memref<128x16xf32, #tpu.memory_space<hbm>>) dst(%dma_wait3A_67 : memref<128x16xf32, #tpu.memory_space<vmem>>)
        %dma_start3A = arith.constant 0 : i32
        %dma_start3A_75 = arith.constant 0 : i32
        %dma_start3A_76 = tpu.memref_slice %arg7[%rem3A_51, %dma_start3A, %dma_start3A_75] : memref<10x128x16xf32, #tpu.memory_space<vmem>> -> memref<1x128x16xf32, #tpu.memory_space<vmem>>
        %dma_start3A_77 = tpu.memref_squeeze %dma_start3A_76 : memref<1x128x16xf32, #tpu.memory_space<vmem>> -> memref<128x16xf32, #tpu.memory_space<vmem>>
        %dma_start3A_78 = arith.constant 0 : i32
        %dma_start3A_79 = tpu.memref_slice %arg9[%rem3A_51, %dma_start3A_78] : memref<10x128xi32, #tpu.memory_space<vmem>> -> memref<1x128xi32, #tpu.memory_space<vmem>>
        %dma_start3A_80 = tpu.memref_squeeze %dma_start3A_79 : memref<1x128xi32, #tpu.memory_space<vmem>> -> memref<128xi32, #tpu.memory_space<vmem>>
        %dma_start3A_81 = arith.constant 0 : i32
        %dma_start3A_82 = arith.constant 0 : i32
        %dma_start3A_83 = tpu.memref_slice %arg6[%dma_start3A_81, %dma_start3A_82] : memref<100096x16xf32, #tpu.memory_space<vmem_shared>> -> memref<100096x16xf32, #tpu.memory_space<vmem_shared>>
        %dma_start3A_84 = tpu.memref_slice %arg12[%rem3A_51] : memref<10x!tpu.dma_semaphore, #tpu.memory_space<semaphore_mem>> -> memref<1x!tpu.dma_semaphore, #tpu.memory_space<semaphore_mem>>
        %dma_start3A_85 = tpu.memref_squeeze %dma_start3A_84 : memref<1x!tpu.dma_semaphore, #tpu.memory_space<semaphore_mem>> -> memref<!tpu.dma_semaphore, #tpu.memory_space<semaphore_mem>>
        tpu.enqueue_indirect_dma source(%dma_start3A_77 : memref<128x16xf32, #tpu.memory_space<vmem>>) target(%dma_start3A_83 : memref<100096x16xf32, #tpu.memory_space<vmem_shared>>) offsets(%dma_start3A_80 : memref<128xi32, #tpu.memory_space<vmem>>) semaphore(%dma_start3A_85 : memref<!tpu.dma_semaphore, #tpu.memory_space<semaphore_mem>>) {add = true}
      } else {
      }
    }
    %scan3A_9 = arith.constant 794 : i32
    %barrier3A_10 = arith.constant 0 : index
    tpu.barrier barrier_id(%barrier3A_10)
    %mul3A_11 = arith.constant 6256 : i32
    %mul3A_12 = arith.muli %arg1, %mul3A_11 : i32
    %mul3A_13 = arith.constant 6256 : i32
    %mul3A_14 = arith.muli %arg1, %mul3A_13 : i32
    "tpu.region"() ({
      %run_scoped3A = tpu.sem_alloc : memref<!tpu.dma_semaphore, #tpu.memory_space<semaphore_mem>>
      %dma_start3A = arith.constant 0 : i32
      %dma_start3A_15 = arith.constant 0 : i32
      %dma_start3A_16 = tpu.memref_slice %arg5[%arg0, %dma_start3A, %dma_start3A_15] : memref<2x100096x16xf32, #tpu.memory_space<hbm>> -> memref<1x100096x16xf32, #tpu.memory_space<hbm>>
      %dma_start3A_17 = tpu.memref_squeeze %dma_start3A_16 : memref<1x100096x16xf32, #tpu.memory_space<hbm>> -> memref<100096x16xf32, #tpu.memory_space<hbm>>
      %dma_start3A_18 = arith.constant 0 : i32
      %dma_start3A_19 = tpu.memref_slice %dma_start3A_17[%mul3A_14, %dma_start3A_18] : memref<100096x16xf32, #tpu.memory_space<hbm>> -> memref<6256x16xf32, #tpu.memory_space<hbm>>
      %dma_start3A_20 = arith.constant 0 : i32
      %dma_start3A_21 = tpu.memref_slice %arg6[%mul3A_12, %dma_start3A_20] : memref<100096x16xf32, #tpu.memory_space<vmem_shared>> -> memref<6256x16xf32, #tpu.memory_space<vmem_shared>>
      tpu.enqueue_dma source(%dma_start3A_21 : memref<6256x16xf32, #tpu.memory_space<vmem_shared>>) target(%dma_start3A_19 : memref<6256x16xf32, #tpu.memory_space<hbm>>) target_semaphore(%run_scoped3A : memref<!tpu.dma_semaphore, #tpu.memory_space<semaphore_mem>>)
      %dma_wait3A = arith.constant 0 : i32
      %dma_wait3A_22 = arith.constant 0 : i32
      %dma_wait3A_23 = tpu.memref_slice %arg5[%arg0, %dma_wait3A, %dma_wait3A_22] : memref<2x100096x16xf32, #tpu.memory_space<hbm>> -> memref<1x100096x16xf32, #tpu.memory_space<hbm>>
      %dma_wait3A_24 = tpu.memref_squeeze %dma_wait3A_23 : memref<1x100096x16xf32, #tpu.memory_space<hbm>> -> memref<100096x16xf32, #tpu.memory_space<hbm>>
      %dma_wait3A_25 = arith.constant 0 : i32
      %dma_wait3A_26 = tpu.memref_slice %dma_wait3A_24[%mul3A_14, %dma_wait3A_25] : memref<100096x16xf32, #tpu.memory_space<hbm>> -> memref<6256x16xf32, #tpu.memory_space<hbm>>
      %dma_wait3A_27 = arith.constant 0 : i32
      %dma_wait3A_28 = tpu.memref_slice %arg6[%mul3A_12, %dma_wait3A_27] : memref<100096x16xf32, #tpu.memory_space<vmem_shared>> -> memref<6256x16xf32, #tpu.memory_space<vmem_shared>>
      tpu.wait_dma2 semaphore(%run_scoped3A : memref<!tpu.dma_semaphore, #tpu.memory_space<semaphore_mem>>) src(%dma_wait3A_28 : memref<6256x16xf32, #tpu.memory_space<vmem_shared>>) dst(%dma_wait3A_26 : memref<6256x16xf32, #tpu.memory_space<hbm>>)
      tpu.yield
    }) : () -> ()
    return
  }
}

#map = affine_map<(d0, d1) -> (0, 0, 0)>
#map1 = affine_map<(d0, d1) -> (0, 0)>
module attributes {stable_mosaic.version = 14 : i64} {
  func.func @agg_kernel(%arg0: i32, %arg1: i32, %arg2: memref<2x100096x16xf32, #tpu.memory_space<hbm>>, %arg3: memref<2x12544x128xi32, #tpu.memory_space<hbm>>, %arg4: memref<3128x16xf32, #tpu.memory_space<hbm>>, %arg5: memref<2x100096x16xf32, #tpu.memory_space<hbm>>, %arg6: memref<100096x16xf32, #tpu.memory_space<vmem_shared>>, %arg7: memref<10x128x16xf32, #tpu.memory_space<vmem>>, %arg8: memref<10x128xi32, #tpu.memory_space<vmem>>, %arg9: memref<10x128xi32, #tpu.memory_space<vmem>>, %arg10: memref<10x!tpu.dma_semaphore, #tpu.memory_space<semaphore_mem>>, %arg11: memref<10x!tpu.dma_semaphore, #tpu.memory_space<semaphore_mem>>, %arg12: memref<10x!tpu.dma_semaphore, #tpu.memory_space<semaphore_mem>>) attributes {dimension_semantics = [#tpu.dimension_semantics<core_parallel>, #tpu.dimension_semantics<subcore_parallel>], iteration_bounds = array<i64: 2, 16>, scalar_prefetch = 0 : i64, scratch_operands = 7 : i64, tpu.core_type = #tpu.core_type<sc_vector_subcore>, window_params = [{transform_indices = #map}, {transform_indices = #map}, {transform_indices = #map1}, {transform_indices = #map}]} {
    %scan3A = arith.constant 0 : i32
    %scan3A_0 = arith.constant 2 : i32
    %scan3A_1 = arith.addi %scan3A, %scan3A_0 : i32
    %scan3A_2 = arith.constant 1 : i32
    scf.for %scan3A_15 = %scan3A to %scan3A_1 step %scan3A_2  : i32 {
      %mul3A_16 = arith.constant 1 : i32
      %mul3A_17 = arith.muli %scan3A_15, %mul3A_16 : i32
      %add3A = arith.constant 0 : i32
      %add3A_18 = arith.addi %add3A, %mul3A_17 : i32
      %mul3A_19 = arith.constant 6256 : i32
      %mul3A_20 = arith.muli %arg1, %mul3A_19 : i32
      %mul3A_21 = arith.constant 3128 : i32
      %mul3A_22 = arith.muli %add3A_18, %mul3A_21 : i32
      %add3A_23 = arith.addi %mul3A_20, %mul3A_22 : i32
      "tpu.region"() ({
        %run_scoped3A = tpu.sem_alloc : memref<!tpu.dma_semaphore, #tpu.memory_space<semaphore_mem>>
        %dma_start3A = arith.constant 0 : i32
        %dma_start3A_24 = tpu.memref_slice %arg6[%add3A_23, %dma_start3A] : memref<100096x16xf32, #tpu.memory_space<vmem_shared>> -> memref<3128x16xf32, #tpu.memory_space<vmem_shared>>
        tpu.enqueue_dma source(%arg4 : memref<3128x16xf32, #tpu.memory_space<hbm>>) target(%dma_start3A_24 : memref<3128x16xf32, #tpu.memory_space<vmem_shared>>) target_semaphore(%run_scoped3A : memref<!tpu.dma_semaphore, #tpu.memory_space<semaphore_mem>>)
        %dma_wait3A = arith.constant 0 : i32
        %dma_wait3A_25 = tpu.memref_slice %arg6[%add3A_23, %dma_wait3A] : memref<100096x16xf32, #tpu.memory_space<vmem_shared>> -> memref<3128x16xf32, #tpu.memory_space<vmem_shared>>
        tpu.wait_dma2 semaphore(%run_scoped3A : memref<!tpu.dma_semaphore, #tpu.memory_space<semaphore_mem>>) src(%arg4 : memref<3128x16xf32, #tpu.memory_space<hbm>>) dst(%dma_wait3A_25 : memref<3128x16xf32, #tpu.memory_space<vmem_shared>>)
        tpu.yield
      }) : () -> ()
    }
    %scan3A_3 = arith.constant 2 : i32
    %barrier3A = arith.constant 0 : index
    tpu.barrier barrier_id(%barrier3A)
    %mul3A = arith.constant 784 : i32
    %mul3A_4 = arith.muli %arg1, %mul3A : i32
    %scan3A_5 = arith.constant 0 : i32
    %scan3A_6 = arith.constant 794 : i32
    %scan3A_7 = arith.addi %scan3A_5, %scan3A_6 : i32
    %scan3A_8 = arith.constant 1 : i32
    scf.for %scan3A_15 = %scan3A_5 to %scan3A_7 step %scan3A_8  : i32 {
      %mul3A_16 = arith.constant 1 : i32
      %mul3A_17 = arith.muli %scan3A_15, %mul3A_16 : i32
      %add3A = arith.constant 0 : i32
      %add3A_18 = arith.addi %add3A, %mul3A_17 : i32
      %rem3A = arith.constant 10 : i32
      %rem3A_19 = arith.remsi %add3A_18, %rem3A : i32
      %ge3A = arith.constant 10 : i32
      %ge3A_20 = arith.cmpi sge, %add3A_18, %ge3A : i32
      %convert_element_type3A = arith.extui %ge3A_20 : i1 to i32
      %cond3A = arith.constant 0 : i32
      %cond3A_21 = arith.cmpi ne, %convert_element_type3A, %cond3A : i32
      scf.if %cond3A_21 {
        %dma_wait3A = arith.constant 0 : i32
        %dma_wait3A_46 = arith.constant 0 : i32
        %dma_wait3A_47 = tpu.memref_slice %arg7[%rem3A_19, %dma_wait3A, %dma_wait3A_46] : memref<10x128x16xf32, #tpu.memory_space<vmem>> -> memref<1x128x16xf32, #tpu.memory_space<vmem>>
        %dma_wait3A_48 = tpu.memref_squeeze %dma_wait3A_47 : memref<1x128x16xf32, #tpu.memory_space<vmem>> -> memref<128x16xf32, #tpu.memory_space<vmem>>
        %dma_wait3A_49 = arith.constant 0 : i32
        %dma_wait3A_50 = arith.constant 0 : i32
        %dma_wait3A_51 = tpu.memref_slice %arg2[%arg0, %dma_wait3A_49, %dma_wait3A_50] : memref<2x100096x16xf32, #tpu.memory_space<hbm>> -> memref<1x100096x16xf32, #tpu.memory_space<hbm>>
        %dma_wait3A_52 = tpu.memref_squeeze %dma_wait3A_51 : memref<1x100096x16xf32, #tpu.memory_space<hbm>> -> memref<100096x16xf32, #tpu.memory_space<hbm>>
        %dma_wait3A_53 = arith.constant 0 : i32
        %dma_wait3A_54 = arith.constant 0 : i32
        %dma_wait3A_55 = tpu.memref_slice %dma_wait3A_52[%dma_wait3A_53, %dma_wait3A_54] : memref<100096x16xf32, #tpu.memory_space<hbm>> -> memref<128x16xf32, #tpu.memory_space<hbm>>
        %dma_wait3A_56 = tpu.memref_slice %arg12[%rem3A_19] : memref<10x!tpu.dma_semaphore, #tpu.memory_space<semaphore_mem>> -> memref<1x!tpu.dma_semaphore, #tpu.memory_space<semaphore_mem>>
        %dma_wait3A_57 = tpu.memref_squeeze %dma_wait3A_56 : memref<1x!tpu.dma_semaphore, #tpu.memory_space<semaphore_mem>> -> memref<!tpu.dma_semaphore, #tpu.memory_space<semaphore_mem>>
        %dma_wait3A_58 = arith.constant 0 : i32
        %dma_wait3A_59 = arith.constant 0 : i32
        %dma_wait3A_60 = tpu.memref_slice %arg7[%rem3A_19, %dma_wait3A_58, %dma_wait3A_59] : memref<10x128x16xf32, #tpu.memory_space<vmem>> -> memref<1x128x16xf32, #tpu.memory_space<vmem>>
        %dma_wait3A_61 = tpu.memref_squeeze %dma_wait3A_60 : memref<1x128x16xf32, #tpu.memory_space<vmem>> -> memref<128x16xf32, #tpu.memory_space<vmem>>
        %dma_wait3A_62 = arith.constant 0 : i32
        %dma_wait3A_63 = arith.constant 0 : i32
        %dma_wait3A_64 = tpu.memref_slice %arg2[%arg0, %dma_wait3A_62, %dma_wait3A_63] : memref<2x100096x16xf32, #tpu.memory_space<hbm>> -> memref<1x100096x16xf32, #tpu.memory_space<hbm>>
        %dma_wait3A_65 = tpu.memref_squeeze %dma_wait3A_64 : memref<1x100096x16xf32, #tpu.memory_space<hbm>> -> memref<100096x16xf32, #tpu.memory_space<hbm>>
        %dma_wait3A_66 = arith.constant 0 : i32
        %dma_wait3A_67 = arith.constant 0 : i32
        %dma_wait3A_68 = tpu.memref_slice %dma_wait3A_65[%dma_wait3A_66, %dma_wait3A_67] : memref<100096x16xf32, #tpu.memory_space<hbm>> -> memref<128x16xf32, #tpu.memory_space<hbm>>
        tpu.wait_dma2 semaphore(%dma_wait3A_57 : memref<!tpu.dma_semaphore, #tpu.memory_space<semaphore_mem>>) src(%dma_wait3A_68 : memref<128x16xf32, #tpu.memory_space<hbm>>) dst(%dma_wait3A_61 : memref<128x16xf32, #tpu.memory_space<vmem>>)
      } else {
      }
      %lt3A = arith.constant 784 : i32
      %lt3A_22 = arith.cmpi slt, %add3A_18, %lt3A : i32
      %convert_element_type3A_23 = arith.extui %lt3A_22 : i1 to i32
      %cond3A_24 = arith.constant 0 : i32
      %cond3A_25 = arith.cmpi ne, %convert_element_type3A_23, %cond3A_24 : i32
      scf.if %cond3A_25 {
        %add3A_46 = arith.addi %mul3A_4, %add3A_18 : i32
        %dma_start3A = arith.constant 0 : i32
        %dma_start3A_47 = arith.constant 0 : i32
        %dma_start3A_48 = tpu.memref_slice %arg8[%rem3A_19, %dma_start3A_47] : memref<10x128xi32, #tpu.memory_space<vmem>> -> memref<1x128xi32, #tpu.memory_space<vmem>>
        %dma_start3A_49 = tpu.memref_squeeze %dma_start3A_48 : memref<1x128xi32, #tpu.memory_space<vmem>> -> memref<128xi32, #tpu.memory_space<vmem>>
        %dma_start3A_50 = arith.constant 0 : i32
        %dma_start3A_51 = arith.constant 0 : i32
        %dma_start3A_52 = tpu.memref_slice %arg3[%dma_start3A, %dma_start3A_50, %dma_start3A_51] : memref<2x12544x128xi32, #tpu.memory_space<hbm>> -> memref<1x12544x128xi32, #tpu.memory_space<hbm>>
        %dma_start3A_53 = tpu.memref_squeeze %dma_start3A_52 : memref<1x12544x128xi32, #tpu.memory_space<hbm>> -> memref<12544x128xi32, #tpu.memory_space<hbm>>
        %dma_start3A_54 = arith.constant 0 : i32
        %dma_start3A_55 = tpu.memref_slice %dma_start3A_53[%add3A_46, %dma_start3A_54] : memref<12544x128xi32, #tpu.memory_space<hbm>> -> memref<1x128xi32, #tpu.memory_space<hbm>>
        %dma_start3A_56 = tpu.memref_squeeze %dma_start3A_55 : memref<1x128xi32, #tpu.memory_space<hbm>> -> memref<128xi32, #tpu.memory_space<hbm>>
        %dma_start3A_57 = tpu.memref_slice %arg10[%rem3A_19] : memref<10x!tpu.dma_semaphore, #tpu.memory_space<semaphore_mem>> -> memref<1x!tpu.dma_semaphore, #tpu.memory_space<semaphore_mem>>
        %dma_start3A_58 = tpu.memref_squeeze %dma_start3A_57 : memref<1x!tpu.dma_semaphore, #tpu.memory_space<semaphore_mem>> -> memref<!tpu.dma_semaphore, #tpu.memory_space<semaphore_mem>>
        %dma_start3A_59 = arith.constant 0 : i32
        %dma_start3A_60 = tpu.memref_slice %arg8[%rem3A_19, %dma_start3A_59] : memref<10x128xi32, #tpu.memory_space<vmem>> -> memref<1x128xi32, #tpu.memory_space<vmem>>
        %dma_start3A_61 = tpu.memref_squeeze %dma_start3A_60 : memref<1x128xi32, #tpu.memory_space<vmem>> -> memref<128xi32, #tpu.memory_space<vmem>>
        %dma_start3A_62 = arith.constant 0 : i32
        %dma_start3A_63 = arith.constant 0 : i32
        %dma_start3A_64 = tpu.memref_slice %arg3[%dma_start3A, %dma_start3A_62, %dma_start3A_63] : memref<2x12544x128xi32, #tpu.memory_space<hbm>> -> memref<1x12544x128xi32, #tpu.memory_space<hbm>>
        %dma_start3A_65 = tpu.memref_squeeze %dma_start3A_64 : memref<1x12544x128xi32, #tpu.memory_space<hbm>> -> memref<12544x128xi32, #tpu.memory_space<hbm>>
        %dma_start3A_66 = arith.constant 0 : i32
        %dma_start3A_67 = tpu.memref_slice %dma_start3A_65[%add3A_46, %dma_start3A_66] : memref<12544x128xi32, #tpu.memory_space<hbm>> -> memref<1x128xi32, #tpu.memory_space<hbm>>
        %dma_start3A_68 = tpu.memref_squeeze %dma_start3A_67 : memref<1x128xi32, #tpu.memory_space<hbm>> -> memref<128xi32, #tpu.memory_space<hbm>>
        tpu.enqueue_dma source(%dma_start3A_68 : memref<128xi32, #tpu.memory_space<hbm>>) target(%dma_start3A_61 : memref<128xi32, #tpu.memory_space<vmem>>) target_semaphore(%dma_start3A_58 : memref<!tpu.dma_semaphore, #tpu.memory_space<semaphore_mem>>)
        %add3A_69 = arith.addi %mul3A_4, %add3A_18 : i32
        %dma_start3A_70 = arith.constant 1 : i32
        %dma_start3A_71 = arith.constant 0 : i32
        %dma_start3A_72 = tpu.memref_slice %arg9[%rem3A_19, %dma_start3A_71] : memref<10x128xi32, #tpu.memory_space<vmem>> -> memref<1x128xi32, #tpu.memory_space<vmem>>
        %dma_start3A_73 = tpu.memref_squeeze %dma_start3A_72 : memref<1x128xi32, #tpu.memory_space<vmem>> -> memref<128xi32, #tpu.memory_space<vmem>>
        %dma_start3A_74 = arith.constant 0 : i32
        %dma_start3A_75 = arith.constant 0 : i32
        %dma_start3A_76 = tpu.memref_slice %arg3[%dma_start3A_70, %dma_start3A_74, %dma_start3A_75] : memref<2x12544x128xi32, #tpu.memory_space<hbm>> -> memref<1x12544x128xi32, #tpu.memory_space<hbm>>
        %dma_start3A_77 = tpu.memref_squeeze %dma_start3A_76 : memref<1x12544x128xi32, #tpu.memory_space<hbm>> -> memref<12544x128xi32, #tpu.memory_space<hbm>>
        %dma_start3A_78 = arith.constant 0 : i32
        %dma_start3A_79 = tpu.memref_slice %dma_start3A_77[%add3A_69, %dma_start3A_78] : memref<12544x128xi32, #tpu.memory_space<hbm>> -> memref<1x128xi32, #tpu.memory_space<hbm>>
        %dma_start3A_80 = tpu.memref_squeeze %dma_start3A_79 : memref<1x128xi32, #tpu.memory_space<hbm>> -> memref<128xi32, #tpu.memory_space<hbm>>
        %dma_start3A_81 = tpu.memref_slice %arg10[%rem3A_19] : memref<10x!tpu.dma_semaphore, #tpu.memory_space<semaphore_mem>> -> memref<1x!tpu.dma_semaphore, #tpu.memory_space<semaphore_mem>>
        %dma_start3A_82 = tpu.memref_squeeze %dma_start3A_81 : memref<1x!tpu.dma_semaphore, #tpu.memory_space<semaphore_mem>> -> memref<!tpu.dma_semaphore, #tpu.memory_space<semaphore_mem>>
        %dma_start3A_83 = arith.constant 0 : i32
        %dma_start3A_84 = tpu.memref_slice %arg9[%rem3A_19, %dma_start3A_83] : memref<10x128xi32, #tpu.memory_space<vmem>> -> memref<1x128xi32, #tpu.memory_space<vmem>>
        %dma_start3A_85 = tpu.memref_squeeze %dma_start3A_84 : memref<1x128xi32, #tpu.memory_space<vmem>> -> memref<128xi32, #tpu.memory_space<vmem>>
        %dma_start3A_86 = arith.constant 0 : i32
        %dma_start3A_87 = arith.constant 0 : i32
        %dma_start3A_88 = tpu.memref_slice %arg3[%dma_start3A_70, %dma_start3A_86, %dma_start3A_87] : memref<2x12544x128xi32, #tpu.memory_space<hbm>> -> memref<1x12544x128xi32, #tpu.memory_space<hbm>>
        %dma_start3A_89 = tpu.memref_squeeze %dma_start3A_88 : memref<1x12544x128xi32, #tpu.memory_space<hbm>> -> memref<12544x128xi32, #tpu.memory_space<hbm>>
        %dma_start3A_90 = arith.constant 0 : i32
        %dma_start3A_91 = tpu.memref_slice %dma_start3A_89[%add3A_69, %dma_start3A_90] : memref<12544x128xi32, #tpu.memory_space<hbm>> -> memref<1x128xi32, #tpu.memory_space<hbm>>
        %dma_start3A_92 = tpu.memref_squeeze %dma_start3A_91 : memref<1x128xi32, #tpu.memory_space<hbm>> -> memref<128xi32, #tpu.memory_space<hbm>>
        tpu.enqueue_dma source(%dma_start3A_92 : memref<128xi32, #tpu.memory_space<hbm>>) target(%dma_start3A_85 : memref<128xi32, #tpu.memory_space<vmem>>) target_semaphore(%dma_start3A_82 : memref<!tpu.dma_semaphore, #tpu.memory_space<semaphore_mem>>)
      } else {
      }
      %ge3A_26 = arith.constant 3 : i32
      %ge3A_27 = arith.cmpi sge, %add3A_18, %ge3A_26 : i32
      %sub3A = arith.constant 3 : i32
      %sub3A_28 = arith.subi %add3A_18, %sub3A : i32
      %lt3A_29 = arith.constant 784 : i32
      %lt3A_30 = arith.cmpi slt, %sub3A_28, %lt3A_29 : i32
      %and3A = arith.andi %ge3A_27, %lt3A_30 : i1
      %convert_element_type3A_31 = arith.extui %and3A : i1 to i32
      %cond3A_32 = arith.constant 0 : i32
      %cond3A_33 = arith.cmpi ne, %convert_element_type3A_31, %cond3A_32 : i32
      scf.if %cond3A_33 {
        %sub3A_46 = arith.constant 3 : i32
        %sub3A_47 = arith.subi %add3A_18, %sub3A_46 : i32
        %rem3A_48 = arith.constant 10 : i32
        %rem3A_49 = arith.remsi %sub3A_47, %rem3A_48 : i32
        %dma_wait3A = arith.constant 0 : i32
        %dma_wait3A_50 = arith.constant 0 : i32
        %dma_wait3A_51 = tpu.memref_slice %arg8[%rem3A_49, %dma_wait3A_50] : memref<10x128xi32, #tpu.memory_space<vmem>> -> memref<1x128xi32, #tpu.memory_space<vmem>>
        %dma_wait3A_52 = tpu.memref_squeeze %dma_wait3A_51 : memref<1x128xi32, #tpu.memory_space<vmem>> -> memref<128xi32, #tpu.memory_space<vmem>>
        %dma_wait3A_53 = arith.constant 0 : i32
        %dma_wait3A_54 = arith.constant 0 : i32
        %dma_wait3A_55 = tpu.memref_slice %arg3[%dma_wait3A, %dma_wait3A_53, %dma_wait3A_54] : memref<2x12544x128xi32, #tpu.memory_space<hbm>> -> memref<1x12544x128xi32, #tpu.memory_space<hbm>>
        %dma_wait3A_56 = tpu.memref_squeeze %dma_wait3A_55 : memref<1x12544x128xi32, #tpu.memory_space<hbm>> -> memref<12544x128xi32, #tpu.memory_space<hbm>>
        %dma_wait3A_57 = arith.constant 0 : i32
        %dma_wait3A_58 = tpu.memref_slice %dma_wait3A_56[%mul3A_4, %dma_wait3A_57] : memref<12544x128xi32, #tpu.memory_space<hbm>> -> memref<1x128xi32, #tpu.memory_space<hbm>>
        %dma_wait3A_59 = tpu.memref_squeeze %dma_wait3A_58 : memref<1x128xi32, #tpu.memory_space<hbm>> -> memref<128xi32, #tpu.memory_space<hbm>>
        %dma_wait3A_60 = tpu.memref_slice %arg10[%rem3A_49] : memref<10x!tpu.dma_semaphore, #tpu.memory_space<semaphore_mem>> -> memref<1x!tpu.dma_semaphore, #tpu.memory_space<semaphore_mem>>
        %dma_wait3A_61 = tpu.memref_squeeze %dma_wait3A_60 : memref<1x!tpu.dma_semaphore, #tpu.memory_space<semaphore_mem>> -> memref<!tpu.dma_semaphore, #tpu.memory_space<semaphore_mem>>
        %dma_wait3A_62 = arith.constant 0 : i32
        %dma_wait3A_63 = tpu.memref_slice %arg8[%rem3A_49, %dma_wait3A_62] : memref<10x128xi32, #tpu.memory_space<vmem>> -> memref<1x128xi32, #tpu.memory_space<vmem>>
        %dma_wait3A_64 = tpu.memref_squeeze %dma_wait3A_63 : memref<1x128xi32, #tpu.memory_space<vmem>> -> memref<128xi32, #tpu.memory_space<vmem>>
        %dma_wait3A_65 = arith.constant 0 : i32
        %dma_wait3A_66 = arith.constant 0 : i32
        %dma_wait3A_67 = tpu.memref_slice %arg3[%dma_wait3A, %dma_wait3A_65, %dma_wait3A_66] : memref<2x12544x128xi32, #tpu.memory_space<hbm>> -> memref<1x12544x128xi32, #tpu.memory_space<hbm>>
        %dma_wait3A_68 = tpu.memref_squeeze %dma_wait3A_67 : memref<1x12544x128xi32, #tpu.memory_space<hbm>> -> memref<12544x128xi32, #tpu.memory_space<hbm>>
        %dma_wait3A_69 = arith.constant 0 : i32
        %dma_wait3A_70 = tpu.memref_slice %dma_wait3A_68[%mul3A_4, %dma_wait3A_69] : memref<12544x128xi32, #tpu.memory_space<hbm>> -> memref<1x128xi32, #tpu.memory_space<hbm>>
        %dma_wait3A_71 = tpu.memref_squeeze %dma_wait3A_70 : memref<1x128xi32, #tpu.memory_space<hbm>> -> memref<128xi32, #tpu.memory_space<hbm>>
        tpu.wait_dma2 semaphore(%dma_wait3A_61 : memref<!tpu.dma_semaphore, #tpu.memory_space<semaphore_mem>>) src(%dma_wait3A_71 : memref<128xi32, #tpu.memory_space<hbm>>) dst(%dma_wait3A_64 : memref<128xi32, #tpu.memory_space<vmem>>)
        %dma_wait3A_72 = arith.constant 1 : i32
        %dma_wait3A_73 = arith.constant 0 : i32
        %dma_wait3A_74 = tpu.memref_slice %arg9[%rem3A_49, %dma_wait3A_73] : memref<10x128xi32, #tpu.memory_space<vmem>> -> memref<1x128xi32, #tpu.memory_space<vmem>>
        %dma_wait3A_75 = tpu.memref_squeeze %dma_wait3A_74 : memref<1x128xi32, #tpu.memory_space<vmem>> -> memref<128xi32, #tpu.memory_space<vmem>>
        %dma_wait3A_76 = arith.constant 0 : i32
        %dma_wait3A_77 = arith.constant 0 : i32
        %dma_wait3A_78 = tpu.memref_slice %arg3[%dma_wait3A_72, %dma_wait3A_76, %dma_wait3A_77] : memref<2x12544x128xi32, #tpu.memory_space<hbm>> -> memref<1x12544x128xi32, #tpu.memory_space<hbm>>
        %dma_wait3A_79 = tpu.memref_squeeze %dma_wait3A_78 : memref<1x12544x128xi32, #tpu.memory_space<hbm>> -> memref<12544x128xi32, #tpu.memory_space<hbm>>
        %dma_wait3A_80 = arith.constant 0 : i32
        %dma_wait3A_81 = tpu.memref_slice %dma_wait3A_79[%mul3A_4, %dma_wait3A_80] : memref<12544x128xi32, #tpu.memory_space<hbm>> -> memref<1x128xi32, #tpu.memory_space<hbm>>
        %dma_wait3A_82 = tpu.memref_squeeze %dma_wait3A_81 : memref<1x128xi32, #tpu.memory_space<hbm>> -> memref<128xi32, #tpu.memory_space<hbm>>
        %dma_wait3A_83 = tpu.memref_slice %arg10[%rem3A_49] : memref<10x!tpu.dma_semaphore, #tpu.memory_space<semaphore_mem>> -> memref<1x!tpu.dma_semaphore, #tpu.memory_space<semaphore_mem>>
        %dma_wait3A_84 = tpu.memref_squeeze %dma_wait3A_83 : memref<1x!tpu.dma_semaphore, #tpu.memory_space<semaphore_mem>> -> memref<!tpu.dma_semaphore, #tpu.memory_space<semaphore_mem>>
        %dma_wait3A_85 = arith.constant 0 : i32
        %dma_wait3A_86 = tpu.memref_slice %arg9[%rem3A_49, %dma_wait3A_85] : memref<10x128xi32, #tpu.memory_space<vmem>> -> memref<1x128xi32, #tpu.memory_space<vmem>>
        %dma_wait3A_87 = tpu.memref_squeeze %dma_wait3A_86 : memref<1x128xi32, #tpu.memory_space<vmem>> -> memref<128xi32, #tpu.memory_space<vmem>>
        %dma_wait3A_88 = arith.constant 0 : i32
        %dma_wait3A_89 = arith.constant 0 : i32
        %dma_wait3A_90 = tpu.memref_slice %arg3[%dma_wait3A_72, %dma_wait3A_88, %dma_wait3A_89] : memref<2x12544x128xi32, #tpu.memory_space<hbm>> -> memref<1x12544x128xi32, #tpu.memory_space<hbm>>
        %dma_wait3A_91 = tpu.memref_squeeze %dma_wait3A_90 : memref<1x12544x128xi32, #tpu.memory_space<hbm>> -> memref<12544x128xi32, #tpu.memory_space<hbm>>
        %dma_wait3A_92 = arith.constant 0 : i32
        %dma_wait3A_93 = tpu.memref_slice %dma_wait3A_91[%mul3A_4, %dma_wait3A_92] : memref<12544x128xi32, #tpu.memory_space<hbm>> -> memref<1x128xi32, #tpu.memory_space<hbm>>
        %dma_wait3A_94 = tpu.memref_squeeze %dma_wait3A_93 : memref<1x128xi32, #tpu.memory_space<hbm>> -> memref<128xi32, #tpu.memory_space<hbm>>
        tpu.wait_dma2 semaphore(%dma_wait3A_84 : memref<!tpu.dma_semaphore, #tpu.memory_space<semaphore_mem>>) src(%dma_wait3A_94 : memref<128xi32, #tpu.memory_space<hbm>>) dst(%dma_wait3A_87 : memref<128xi32, #tpu.memory_space<vmem>>)
        %dma_start3A = arith.constant 0 : i32
        %dma_start3A_95 = arith.constant 0 : i32
        %dma_start3A_96 = tpu.memref_slice %arg7[%rem3A_49, %dma_start3A, %dma_start3A_95] : memref<10x128x16xf32, #tpu.memory_space<vmem>> -> memref<1x128x16xf32, #tpu.memory_space<vmem>>
        %dma_start3A_97 = tpu.memref_squeeze %dma_start3A_96 : memref<1x128x16xf32, #tpu.memory_space<vmem>> -> memref<128x16xf32, #tpu.memory_space<vmem>>
        %dma_start3A_98 = arith.constant 0 : i32
        %dma_start3A_99 = tpu.memref_slice %arg8[%rem3A_49, %dma_start3A_98] : memref<10x128xi32, #tpu.memory_space<vmem>> -> memref<1x128xi32, #tpu.memory_space<vmem>>
        %dma_start3A_100 = tpu.memref_squeeze %dma_start3A_99 : memref<1x128xi32, #tpu.memory_space<vmem>> -> memref<128xi32, #tpu.memory_space<vmem>>
        %dma_start3A_101 = arith.constant 0 : i32
        %dma_start3A_102 = arith.constant 0 : i32
        %dma_start3A_103 = tpu.memref_slice %arg2[%arg0, %dma_start3A_101, %dma_start3A_102] : memref<2x100096x16xf32, #tpu.memory_space<hbm>> -> memref<1x100096x16xf32, #tpu.memory_space<hbm>>
        %dma_start3A_104 = tpu.memref_squeeze %dma_start3A_103 : memref<1x100096x16xf32, #tpu.memory_space<hbm>> -> memref<100096x16xf32, #tpu.memory_space<hbm>>
        %dma_start3A_105 = arith.constant 0 : i32
        %dma_start3A_106 = arith.constant 0 : i32
        %dma_start3A_107 = tpu.memref_slice %dma_start3A_104[%dma_start3A_105, %dma_start3A_106] : memref<100096x16xf32, #tpu.memory_space<hbm>> -> memref<100096x16xf32, #tpu.memory_space<hbm>>
        %dma_start3A_108 = tpu.memref_slice %arg11[%rem3A_49] : memref<10x!tpu.dma_semaphore, #tpu.memory_space<semaphore_mem>> -> memref<1x!tpu.dma_semaphore, #tpu.memory_space<semaphore_mem>>
        %dma_start3A_109 = tpu.memref_squeeze %dma_start3A_108 : memref<1x!tpu.dma_semaphore, #tpu.memory_space<semaphore_mem>> -> memref<!tpu.dma_semaphore, #tpu.memory_space<semaphore_mem>>
        tpu.enqueue_indirect_dma source(%dma_start3A_107 : memref<100096x16xf32, #tpu.memory_space<hbm>>) target(%dma_start3A_97 : memref<128x16xf32, #tpu.memory_space<vmem>>) offsets(%dma_start3A_100 : memref<128xi32, #tpu.memory_space<vmem>>) semaphore(%dma_start3A_109 : memref<!tpu.dma_semaphore, #tpu.memory_space<semaphore_mem>>)
      } else {
      }
      %ge3A_34 = arith.constant 6 : i32
      %ge3A_35 = arith.cmpi sge, %add3A_18, %ge3A_34 : i32
      %sub3A_36 = arith.constant 3 : i32
      %sub3A_37 = arith.subi %add3A_18, %sub3A_36 : i32
      %sub3A_38 = arith.constant 3 : i32
      %sub3A_39 = arith.subi %sub3A_37, %sub3A_38 : i32
      %lt3A_40 = arith.constant 784 : i32
      %lt3A_41 = arith.cmpi slt, %sub3A_39, %lt3A_40 : i32
      %and3A_42 = arith.andi %ge3A_35, %lt3A_41 : i1
      %convert_element_type3A_43 = arith.extui %and3A_42 : i1 to i32
      %cond3A_44 = arith.constant 0 : i32
      %cond3A_45 = arith.cmpi ne, %convert_element_type3A_43, %cond3A_44 : i32
      scf.if %cond3A_45 {
        %sub3A_46 = arith.constant 3 : i32
        %sub3A_47 = arith.subi %add3A_18, %sub3A_46 : i32
        %sub3A_48 = arith.constant 3 : i32
        %sub3A_49 = arith.subi %sub3A_47, %sub3A_48 : i32
        %rem3A_50 = arith.constant 10 : i32
        %rem3A_51 = arith.remsi %sub3A_49, %rem3A_50 : i32
        %dma_wait3A = arith.constant 0 : i32
        %dma_wait3A_52 = arith.constant 0 : i32
        %dma_wait3A_53 = tpu.memref_slice %arg7[%rem3A_51, %dma_wait3A, %dma_wait3A_52] : memref<10x128x16xf32, #tpu.memory_space<vmem>> -> memref<1x128x16xf32, #tpu.memory_space<vmem>>
        %dma_wait3A_54 = tpu.memref_squeeze %dma_wait3A_53 : memref<1x128x16xf32, #tpu.memory_space<vmem>> -> memref<128x16xf32, #tpu.memory_space<vmem>>
        %dma_wait3A_55 = arith.constant 0 : i32
        %dma_wait3A_56 = arith.constant 0 : i32
        %dma_wait3A_57 = tpu.memref_slice %arg2[%arg0, %dma_wait3A_55, %dma_wait3A_56] : memref<2x100096x16xf32, #tpu.memory_space<hbm>> -> memref<1x100096x16xf32, #tpu.memory_space<hbm>>
        %dma_wait3A_58 = tpu.memref_squeeze %dma_wait3A_57 : memref<1x100096x16xf32, #tpu.memory_space<hbm>> -> memref<100096x16xf32, #tpu.memory_space<hbm>>
        %dma_wait3A_59 = arith.constant 0 : i32
        %dma_wait3A_60 = arith.constant 0 : i32
        %dma_wait3A_61 = tpu.memref_slice %dma_wait3A_58[%dma_wait3A_59, %dma_wait3A_60] : memref<100096x16xf32, #tpu.memory_space<hbm>> -> memref<128x16xf32, #tpu.memory_space<hbm>>
        %dma_wait3A_62 = tpu.memref_slice %arg11[%rem3A_51] : memref<10x!tpu.dma_semaphore, #tpu.memory_space<semaphore_mem>> -> memref<1x!tpu.dma_semaphore, #tpu.memory_space<semaphore_mem>>
        %dma_wait3A_63 = tpu.memref_squeeze %dma_wait3A_62 : memref<1x!tpu.dma_semaphore, #tpu.memory_space<semaphore_mem>> -> memref<!tpu.dma_semaphore, #tpu.memory_space<semaphore_mem>>
        %dma_wait3A_64 = arith.constant 0 : i32
        %dma_wait3A_65 = arith.constant 0 : i32
        %dma_wait3A_66 = tpu.memref_slice %arg7[%rem3A_51, %dma_wait3A_64, %dma_wait3A_65] : memref<10x128x16xf32, #tpu.memory_space<vmem>> -> memref<1x128x16xf32, #tpu.memory_space<vmem>>
        %dma_wait3A_67 = tpu.memref_squeeze %dma_wait3A_66 : memref<1x128x16xf32, #tpu.memory_space<vmem>> -> memref<128x16xf32, #tpu.memory_space<vmem>>
        %dma_wait3A_68 = arith.constant 0 : i32
        %dma_wait3A_69 = arith.constant 0 : i32
        %dma_wait3A_70 = tpu.memref_slice %arg2[%arg0, %dma_wait3A_68, %dma_wait3A_69] : memref<2x100096x16xf32, #tpu.memory_space<hbm>> -> memref<1x100096x16xf32, #tpu.memory_space<hbm>>
        %dma_wait3A_71 = tpu.memref_squeeze %dma_wait3A_70 : memref<1x100096x16xf32, #tpu.memory_space<hbm>> -> memref<100096x16xf32, #tpu.memory_space<hbm>>
        %dma_wait3A_72 = arith.constant 0 : i32
        %dma_wait3A_73 = arith.constant 0 : i32
        %dma_wait3A_74 = tpu.memref_slice %dma_wait3A_71[%dma_wait3A_72, %dma_wait3A_73] : memref<100096x16xf32, #tpu.memory_space<hbm>> -> memref<128x16xf32, #tpu.memory_space<hbm>>
        tpu.wait_dma2 semaphore(%dma_wait3A_63 : memref<!tpu.dma_semaphore, #tpu.memory_space<semaphore_mem>>) src(%dma_wait3A_74 : memref<128x16xf32, #tpu.memory_space<hbm>>) dst(%dma_wait3A_67 : memref<128x16xf32, #tpu.memory_space<vmem>>)
        %dma_start3A = arith.constant 0 : i32
        %dma_start3A_75 = arith.constant 0 : i32
        %dma_start3A_76 = tpu.memref_slice %arg7[%rem3A_51, %dma_start3A, %dma_start3A_75] : memref<10x128x16xf32, #tpu.memory_space<vmem>> -> memref<1x128x16xf32, #tpu.memory_space<vmem>>
        %dma_start3A_77 = tpu.memref_squeeze %dma_start3A_76 : memref<1x128x16xf32, #tpu.memory_space<vmem>> -> memref<128x16xf32, #tpu.memory_space<vmem>>
        %dma_start3A_78 = arith.constant 0 : i32
        %dma_start3A_79 = tpu.memref_slice %arg9[%rem3A_51, %dma_start3A_78] : memref<10x128xi32, #tpu.memory_space<vmem>> -> memref<1x128xi32, #tpu.memory_space<vmem>>
        %dma_start3A_80 = tpu.memref_squeeze %dma_start3A_79 : memref<1x128xi32, #tpu.memory_space<vmem>> -> memref<128xi32, #tpu.memory_space<vmem>>
        %dma_start3A_81 = arith.constant 0 : i32
        %dma_start3A_82 = arith.constant 0 : i32
        %dma_start3A_83 = tpu.memref_slice %arg6[%dma_start3A_81, %dma_start3A_82] : memref<100096x16xf32, #tpu.memory_space<vmem_shared>> -> memref<100096x16xf32, #tpu.memory_space<vmem_shared>>
        %dma_start3A_84 = tpu.memref_slice %arg12[%rem3A_51] : memref<10x!tpu.dma_semaphore, #tpu.memory_space<semaphore_mem>> -> memref<1x!tpu.dma_semaphore, #tpu.memory_space<semaphore_mem>>
        %dma_start3A_85 = tpu.memref_squeeze %dma_start3A_84 : memref<1x!tpu.dma_semaphore, #tpu.memory_space<semaphore_mem>> -> memref<!tpu.dma_semaphore, #tpu.memory_space<semaphore_mem>>
        tpu.enqueue_indirect_dma source(%dma_start3A_77 : memref<128x16xf32, #tpu.memory_space<vmem>>) target(%dma_start3A_83 : memref<100096x16xf32, #tpu.memory_space<vmem_shared>>) offsets(%dma_start3A_80 : memref<128xi32, #tpu.memory_space<vmem>>) semaphore(%dma_start3A_85 : memref<!tpu.dma_semaphore, #tpu.memory_space<semaphore_mem>>) {add = true}
      } else {
      }
    }
    %scan3A_9 = arith.constant 794 : i32
    %barrier3A_10 = arith.constant 0 : index
    tpu.barrier barrier_id(%barrier3A_10)
    %mul3A_11 = arith.constant 6256 : i32
    %mul3A_12 = arith.muli %arg1, %mul3A_11 : i32
    %mul3A_13 = arith.constant 6256 : i32
    %mul3A_14 = arith.muli %arg1, %mul3A_13 : i32
    "tpu.region"() ({
      %run_scoped3A = tpu.sem_alloc : memref<!tpu.dma_semaphore, #tpu.memory_space<semaphore_mem>>
      %dma_start3A = arith.constant 0 : i32
      %dma_start3A_15 = arith.constant 0 : i32
      %dma_start3A_16 = tpu.memref_slice %arg5[%arg0, %dma_start3A, %dma_start3A_15] : memref<2x100096x16xf32, #tpu.memory_space<hbm>> -> memref<1x100096x16xf32, #tpu.memory_space<hbm>>
      %dma_start3A_17 = tpu.memref_squeeze %dma_start3A_16 : memref<1x100096x16xf32, #tpu.memory_space<hbm>> -> memref<100096x16xf32, #tpu.memory_space<hbm>>
      %dma_start3A_18 = arith.constant 0 : i32
      %dma_start3A_19 = tpu.memref_slice %dma_start3A_17[%mul3A_14, %dma_start3A_18] : memref<100096x16xf32, #tpu.memory_space<hbm>> -> memref<6256x16xf32, #tpu.memory_space<hbm>>
      %dma_start3A_20 = arith.constant 0 : i32
      %dma_start3A_21 = tpu.memref_slice %arg6[%mul3A_12, %dma_start3A_20] : memref<100096x16xf32, #tpu.memory_space<vmem_shared>> -> memref<6256x16xf32, #tpu.memory_space<vmem_shared>>
      tpu.enqueue_dma source(%dma_start3A_21 : memref<6256x16xf32, #tpu.memory_space<vmem_shared>>) target(%dma_start3A_19 : memref<6256x16xf32, #tpu.memory_space<hbm>>) target_semaphore(%run_scoped3A : memref<!tpu.dma_semaphore, #tpu.memory_space<semaphore_mem>>)
      %dma_wait3A = arith.constant 0 : i32
      %dma_wait3A_22 = arith.constant 0 : i32
      %dma_wait3A_23 = tpu.memref_slice %arg5[%arg0, %dma_wait3A, %dma_wait3A_22] : memref<2x100096x16xf32, #tpu.memory_space<hbm>> -> memref<1x100096x16xf32, #tpu.memory_space<hbm>>
      %dma_wait3A_24 = tpu.memref_squeeze %dma_wait3A_23 : memref<1x100096x16xf32, #tpu.memory_space<hbm>> -> memref<100096x16xf32, #tpu.memory_space<hbm>>
      %dma_wait3A_25 = arith.constant 0 : i32
      %dma_wait3A_26 = tpu.memref_slice %dma_wait3A_24[%mul3A_14, %dma_wait3A_25] : memref<100096x16xf32, #tpu.memory_space<hbm>> -> memref<6256x16xf32, #tpu.memory_space<hbm>>
      %dma_wait3A_27 = arith.constant 0 : i32
      %dma_wait3A_28 = tpu.memref_slice %arg6[%mul3A_12, %dma_wait3A_27] : memref<100096x16xf32, #tpu.memory_space<vmem_shared>> -> memref<6256x16xf32, #tpu.memory_space<vmem_shared>>
      tpu.wait_dma2 semaphore(%run_scoped3A : memref<!tpu.dma_semaphore, #tpu.memory_space<semaphore_mem>>) src(%dma_wait3A_28 : memref<6256x16xf32, #tpu.memory_space<vmem_shared>>) dst(%dma_wait3A_26 : memref<6256x16xf32, #tpu.memory_space<hbm>>)
      tpu.yield
    }) : () -> ()
    return
  }
}

#map = affine_map<(d0, d1) -> (0, 0, 0)>
#map1 = affine_map<(d0, d1) -> (0, 0)>
module attributes {stable_mosaic.version = 14 : i64} {
  func.func @deg_kernel(%arg0: i32, %arg1: i32, %arg2: memref<2x12544x128xi32, #tpu.memory_space<hbm>>, %arg3: memref<3128x16xf32, #tpu.memory_space<hbm>>, %arg4: memref<2x100096x16xf32, #tpu.memory_space<hbm>>, %arg5: memref<100096x16xf32, #tpu.memory_space<vmem_shared>>, %arg6: memref<128x16xf32, #tpu.memory_space<vmem>>, %arg7: memref<8x128xi32, #tpu.memory_space<vmem>>, %arg8: memref<8x!tpu.dma_semaphore, #tpu.memory_space<semaphore_mem>>, %arg9: memref<8x!tpu.dma_semaphore, #tpu.memory_space<semaphore_mem>>) attributes {dimension_semantics = [#tpu.dimension_semantics<core_parallel>, #tpu.dimension_semantics<subcore_parallel>], iteration_bounds = array<i64: 2, 16>, scalar_prefetch = 0 : i64, scratch_operands = 5 : i64, tpu.core_type = #tpu.core_type<sc_vector_subcore>, window_params = [{transform_indices = #map}, {transform_indices = #map1}, {transform_indices = #map}]} {
    %scan3A = arith.constant 0 : i32
    %scan3A_0 = arith.constant 128 : i32
    %scan3A_1 = arith.addi %scan3A, %scan3A_0 : i32
    %scan3A_2 = arith.constant 1 : i32
    scf.for %scan3A_22 = %scan3A to %scan3A_1 step %scan3A_2  : i32 {
      %mul3A_23 = arith.constant 1 : i32
      %mul3A_24 = arith.muli %scan3A_22, %mul3A_23 : i32
      %add3A_25 = arith.constant 0 : i32
      %add3A_26 = arith.addi %add3A_25, %mul3A_24 : i32
      %broadcast_in_dim3A = arith.constant 1.000000e+00 : f32
      %broadcast_in_dim3A_27 = vector.broadcast %broadcast_in_dim3A : f32 to vector<16xf32>
      %swap3A = arith.index_cast %add3A_26 : i32 to index
      %swap3A_28 = arith.constant 0 : index
      %swap3A_29 = tpu.vector_load %arg6[%swap3A, %swap3A_28] {strides = array<i32>} : memref<128x16xf32, #tpu.memory_space<vmem>>, vector<1x16xf32>,
      %swap3A_30 = vector.shape_cast %swap3A_29 : vector<1x16xf32> to vector<16xf32>
      %swap3A_31 = vector.shape_cast %broadcast_in_dim3A_27 : vector<16xf32> to vector<1x16xf32>
      tpu.vector_store %arg6[%swap3A, %swap3A_28], %swap3A_31 {strides = array<i32>} : memref<128x16xf32, #tpu.memory_space<vmem>>, vector<1x16xf32>,
    }
    %scan3A_3 = arith.constant 128 : i32
    %scan3A_4 = arith.constant 0 : i32
    %scan3A_5 = arith.constant 2 : i32
    %scan3A_6 = arith.addi %scan3A_4, %scan3A_5 : i32
    %scan3A_7 = arith.constant 1 : i32
    scf.for %scan3A_22 = %scan3A_4 to %scan3A_6 step %scan3A_7  : i32 {
      %mul3A_23 = arith.constant 1 : i32
      %mul3A_24 = arith.muli %scan3A_22, %mul3A_23 : i32
      %add3A_25 = arith.constant 0 : i32
      %add3A_26 = arith.addi %add3A_25, %mul3A_24 : i32
      %mul3A_27 = arith.constant 6256 : i32
      %mul3A_28 = arith.muli %arg1, %mul3A_27 : i32
      %mul3A_29 = arith.constant 3128 : i32
      %mul3A_30 = arith.muli %add3A_26, %mul3A_29 : i32
      %add3A_31 = arith.addi %mul3A_28, %mul3A_30 : i32
      "tpu.region"() ({
        %run_scoped3A = tpu.sem_alloc : memref<!tpu.dma_semaphore, #tpu.memory_space<semaphore_mem>>
        %dma_start3A = arith.constant 0 : i32
        %dma_start3A_32 = tpu.memref_slice %arg5[%add3A_31, %dma_start3A] : memref<100096x16xf32, #tpu.memory_space<vmem_shared>> -> memref<3128x16xf32, #tpu.memory_space<vmem_shared>>
        tpu.enqueue_dma source(%arg3 : memref<3128x16xf32, #tpu.memory_space<hbm>>) target(%dma_start3A_32 : memref<3128x16xf32, #tpu.memory_space<vmem_shared>>) target_semaphore(%run_scoped3A : memref<!tpu.dma_semaphore, #tpu.memory_space<semaphore_mem>>)
        %dma_wait3A = arith.constant 0 : i32
        %dma_wait3A_33 = tpu.memref_slice %arg5[%add3A_31, %dma_wait3A] : memref<100096x16xf32, #tpu.memory_space<vmem_shared>> -> memref<3128x16xf32, #tpu.memory_space<vmem_shared>>
        tpu.wait_dma2 semaphore(%run_scoped3A : memref<!tpu.dma_semaphore, #tpu.memory_space<semaphore_mem>>) src(%arg3 : memref<3128x16xf32, #tpu.memory_space<hbm>>) dst(%dma_wait3A_33 : memref<3128x16xf32, #tpu.memory_space<vmem_shared>>)
        tpu.yield
      }) : () -> ()
    }
    %scan3A_8 = arith.constant 2 : i32
    %barrier3A = arith.constant 0 : index
    tpu.barrier barrier_id(%barrier3A)
    %mul3A = arith.constant 16 : i32
    %mul3A_9 = arith.muli %arg0, %mul3A : i32
    %add3A = arith.addi %mul3A_9, %arg1 : i32
    %mul3A_10 = arith.constant 392 : i32
    %mul3A_11 = arith.muli %add3A, %mul3A_10 : i32
    %scan3A_12 = arith.constant 0 : i32
    %scan3A_13 = arith.constant 400 : i32
    %scan3A_14 = arith.addi %scan3A_12, %scan3A_13 : i32
    %scan3A_15 = arith.constant 1 : i32
    scf.for %scan3A_22 = %scan3A_12 to %scan3A_14 step %scan3A_15  : i32 {
      %mul3A_23 = arith.constant 1 : i32
      %mul3A_24 = arith.muli %scan3A_22, %mul3A_23 : i32
      %add3A_25 = arith.constant 0 : i32
      %add3A_26 = arith.addi %add3A_25, %mul3A_24 : i32
      %rem3A = arith.constant 8 : i32
      %rem3A_27 = arith.remsi %add3A_26, %rem3A : i32
      %ge3A = arith.constant 8 : i32
      %ge3A_28 = arith.cmpi sge, %add3A_26, %ge3A : i32
      %convert_element_type3A = arith.extui %ge3A_28 : i1 to i32
      %cond3A = arith.constant 0 : i32
      %cond3A_29 = arith.cmpi ne, %convert_element_type3A, %cond3A : i32
      scf.if %cond3A_29 {
        %dma_wait3A = arith.constant 0 : i32
        %dma_wait3A_42 = arith.constant 0 : i32
        %dma_wait3A_43 = tpu.memref_slice %arg3[%dma_wait3A, %dma_wait3A_42] : memref<3128x16xf32, #tpu.memory_space<hbm>> -> memref<128x16xf32, #tpu.memory_space<hbm>>
        %dma_wait3A_44 = tpu.memref_slice %arg9[%rem3A_27] : memref<8x!tpu.dma_semaphore, #tpu.memory_space<semaphore_mem>> -> memref<1x!tpu.dma_semaphore, #tpu.memory_space<semaphore_mem>>
        %dma_wait3A_45 = tpu.memref_squeeze %dma_wait3A_44 : memref<1x!tpu.dma_semaphore, #tpu.memory_space<semaphore_mem>> -> memref<!tpu.dma_semaphore, #tpu.memory_space<semaphore_mem>>
        %dma_wait3A_46 = arith.constant 0 : i32
        %dma_wait3A_47 = arith.constant 0 : i32
        %dma_wait3A_48 = tpu.memref_slice %arg3[%dma_wait3A_46, %dma_wait3A_47] : memref<3128x16xf32, #tpu.memory_space<hbm>> -> memref<128x16xf32, #tpu.memory_space<hbm>>
        tpu.wait_dma2 semaphore(%dma_wait3A_45 : memref<!tpu.dma_semaphore, #tpu.memory_space<semaphore_mem>>) src(%dma_wait3A_48 : memref<128x16xf32, #tpu.memory_space<hbm>>) dst(%arg6 : memref<128x16xf32, #tpu.memory_space<vmem>>)
      } else {
      }
      %lt3A = arith.constant 392 : i32
      %lt3A_30 = arith.cmpi slt, %add3A_26, %lt3A : i32
      %convert_element_type3A_31 = arith.extui %lt3A_30 : i1 to i32
      %cond3A_32 = arith.constant 0 : i32
      %cond3A_33 = arith.cmpi ne, %convert_element_type3A_31, %cond3A_32 : i32
      scf.if %cond3A_33 {
        %add3A_42 = arith.addi %mul3A_11, %add3A_26 : i32
        %dma_start3A = arith.constant 1 : i32
        %dma_start3A_43 = arith.constant 0 : i32
        %dma_start3A_44 = tpu.memref_slice %arg7[%rem3A_27, %dma_start3A_43] : memref<8x128xi32, #tpu.memory_space<vmem>> -> memref<1x128xi32, #tpu.memory_space<vmem>>
        %dma_start3A_45 = tpu.memref_squeeze %dma_start3A_44 : memref<1x128xi32, #tpu.memory_space<vmem>> -> memref<128xi32, #tpu.memory_space<vmem>>
        %dma_start3A_46 = arith.constant 0 : i32
        %dma_start3A_47 = arith.constant 0 : i32
        %dma_start3A_48 = tpu.memref_slice %arg2[%dma_start3A, %dma_start3A_46, %dma_start3A_47] : memref<2x12544x128xi32, #tpu.memory_space<hbm>> -> memref<1x12544x128xi32, #tpu.memory_space<hbm>>
        %dma_start3A_49 = tpu.memref_squeeze %dma_start3A_48 : memref<1x12544x128xi32, #tpu.memory_space<hbm>> -> memref<12544x128xi32, #tpu.memory_space<hbm>>
        %dma_start3A_50 = arith.constant 0 : i32
        %dma_start3A_51 = tpu.memref_slice %dma_start3A_49[%add3A_42, %dma_start3A_50] : memref<12544x128xi32, #tpu.memory_space<hbm>> -> memref<1x128xi32, #tpu.memory_space<hbm>>
        %dma_start3A_52 = tpu.memref_squeeze %dma_start3A_51 : memref<1x128xi32, #tpu.memory_space<hbm>> -> memref<128xi32, #tpu.memory_space<hbm>>
        %dma_start3A_53 = tpu.memref_slice %arg8[%rem3A_27] : memref<8x!tpu.dma_semaphore, #tpu.memory_space<semaphore_mem>> -> memref<1x!tpu.dma_semaphore, #tpu.memory_space<semaphore_mem>>
        %dma_start3A_54 = tpu.memref_squeeze %dma_start3A_53 : memref<1x!tpu.dma_semaphore, #tpu.memory_space<semaphore_mem>> -> memref<!tpu.dma_semaphore, #tpu.memory_space<semaphore_mem>>
        %dma_start3A_55 = arith.constant 0 : i32
        %dma_start3A_56 = tpu.memref_slice %arg7[%rem3A_27, %dma_start3A_55] : memref<8x128xi32, #tpu.memory_space<vmem>> -> memref<1x128xi32, #tpu.memory_space<vmem>>
        %dma_start3A_57 = tpu.memref_squeeze %dma_start3A_56 : memref<1x128xi32, #tpu.memory_space<vmem>> -> memref<128xi32, #tpu.memory_space<vmem>>
        %dma_start3A_58 = arith.constant 0 : i32
        %dma_start3A_59 = arith.constant 0 : i32
        %dma_start3A_60 = tpu.memref_slice %arg2[%dma_start3A, %dma_start3A_58, %dma_start3A_59] : memref<2x12544x128xi32, #tpu.memory_space<hbm>> -> memref<1x12544x128xi32, #tpu.memory_space<hbm>>
        %dma_start3A_61 = tpu.memref_squeeze %dma_start3A_60 : memref<1x12544x128xi32, #tpu.memory_space<hbm>> -> memref<12544x128xi32, #tpu.memory_space<hbm>>
        %dma_start3A_62 = arith.constant 0 : i32
        %dma_start3A_63 = tpu.memref_slice %dma_start3A_61[%add3A_42, %dma_start3A_62] : memref<12544x128xi32, #tpu.memory_space<hbm>> -> memref<1x128xi32, #tpu.memory_space<hbm>>
        %dma_start3A_64 = tpu.memref_squeeze %dma_start3A_63 : memref<1x128xi32, #tpu.memory_space<hbm>> -> memref<128xi32, #tpu.memory_space<hbm>>
        tpu.enqueue_dma source(%dma_start3A_64 : memref<128xi32, #tpu.memory_space<hbm>>) target(%dma_start3A_57 : memref<128xi32, #tpu.memory_space<vmem>>) target_semaphore(%dma_start3A_54 : memref<!tpu.dma_semaphore, #tpu.memory_space<semaphore_mem>>)
      } else {
      }
      %ge3A_34 = arith.constant 4 : i32
      %ge3A_35 = arith.cmpi sge, %add3A_26, %ge3A_34 : i32
      %sub3A = arith.constant 4 : i32
      %sub3A_36 = arith.subi %add3A_26, %sub3A : i32
      %lt3A_37 = arith.constant 392 : i32
      %lt3A_38 = arith.cmpi slt, %sub3A_36, %lt3A_37 : i32
      %and3A = arith.andi %ge3A_35, %lt3A_38 : i1
      %convert_element_type3A_39 = arith.extui %and3A : i1 to i32
      %cond3A_40 = arith.constant 0 : i32
      %cond3A_41 = arith.cmpi ne, %convert_element_type3A_39, %cond3A_40 : i32
      scf.if %cond3A_41 {
        %sub3A_42 = arith.constant 4 : i32
        %sub3A_43 = arith.subi %add3A_26, %sub3A_42 : i32
        %rem3A_44 = arith.constant 8 : i32
        %rem3A_45 = arith.remsi %sub3A_43, %rem3A_44 : i32
        %dma_wait3A = arith.constant 1 : i32
        %dma_wait3A_46 = arith.constant 0 : i32
        %dma_wait3A_47 = tpu.memref_slice %arg7[%rem3A_45, %dma_wait3A_46] : memref<8x128xi32, #tpu.memory_space<vmem>> -> memref<1x128xi32, #tpu.memory_space<vmem>>
        %dma_wait3A_48 = tpu.memref_squeeze %dma_wait3A_47 : memref<1x128xi32, #tpu.memory_space<vmem>> -> memref<128xi32, #tpu.memory_space<vmem>>
        %dma_wait3A_49 = arith.constant 0 : i32
        %dma_wait3A_50 = arith.constant 0 : i32
        %dma_wait3A_51 = tpu.memref_slice %arg2[%dma_wait3A, %dma_wait3A_49, %dma_wait3A_50] : memref<2x12544x128xi32, #tpu.memory_space<hbm>> -> memref<1x12544x128xi32, #tpu.memory_space<hbm>>
        %dma_wait3A_52 = tpu.memref_squeeze %dma_wait3A_51 : memref<1x12544x128xi32, #tpu.memory_space<hbm>> -> memref<12544x128xi32, #tpu.memory_space<hbm>>
        %dma_wait3A_53 = arith.constant 0 : i32
        %dma_wait3A_54 = tpu.memref_slice %dma_wait3A_52[%mul3A_11, %dma_wait3A_53] : memref<12544x128xi32, #tpu.memory_space<hbm>> -> memref<1x128xi32, #tpu.memory_space<hbm>>
        %dma_wait3A_55 = tpu.memref_squeeze %dma_wait3A_54 : memref<1x128xi32, #tpu.memory_space<hbm>> -> memref<128xi32, #tpu.memory_space<hbm>>
        %dma_wait3A_56 = tpu.memref_slice %arg8[%rem3A_45] : memref<8x!tpu.dma_semaphore, #tpu.memory_space<semaphore_mem>> -> memref<1x!tpu.dma_semaphore, #tpu.memory_space<semaphore_mem>>
        %dma_wait3A_57 = tpu.memref_squeeze %dma_wait3A_56 : memref<1x!tpu.dma_semaphore, #tpu.memory_space<semaphore_mem>> -> memref<!tpu.dma_semaphore, #tpu.memory_space<semaphore_mem>>
        %dma_wait3A_58 = arith.constant 0 : i32
        %dma_wait3A_59 = tpu.memref_slice %arg7[%rem3A_45, %dma_wait3A_58] : memref<8x128xi32, #tpu.memory_space<vmem>> -> memref<1x128xi32, #tpu.memory_space<vmem>>
        %dma_wait3A_60 = tpu.memref_squeeze %dma_wait3A_59 : memref<1x128xi32, #tpu.memory_space<vmem>> -> memref<128xi32, #tpu.memory_space<vmem>>
        %dma_wait3A_61 = arith.constant 0 : i32
        %dma_wait3A_62 = arith.constant 0 : i32
        %dma_wait3A_63 = tpu.memref_slice %arg2[%dma_wait3A, %dma_wait3A_61, %dma_wait3A_62] : memref<2x12544x128xi32, #tpu.memory_space<hbm>> -> memref<1x12544x128xi32, #tpu.memory_space<hbm>>
        %dma_wait3A_64 = tpu.memref_squeeze %dma_wait3A_63 : memref<1x12544x128xi32, #tpu.memory_space<hbm>> -> memref<12544x128xi32, #tpu.memory_space<hbm>>
        %dma_wait3A_65 = arith.constant 0 : i32
        %dma_wait3A_66 = tpu.memref_slice %dma_wait3A_64[%mul3A_11, %dma_wait3A_65] : memref<12544x128xi32, #tpu.memory_space<hbm>> -> memref<1x128xi32, #tpu.memory_space<hbm>>
        %dma_wait3A_67 = tpu.memref_squeeze %dma_wait3A_66 : memref<1x128xi32, #tpu.memory_space<hbm>> -> memref<128xi32, #tpu.memory_space<hbm>>
        tpu.wait_dma2 semaphore(%dma_wait3A_57 : memref<!tpu.dma_semaphore, #tpu.memory_space<semaphore_mem>>) src(%dma_wait3A_67 : memref<128xi32, #tpu.memory_space<hbm>>) dst(%dma_wait3A_60 : memref<128xi32, #tpu.memory_space<vmem>>)
        %dma_start3A = arith.constant 0 : i32
        %dma_start3A_68 = tpu.memref_slice %arg7[%rem3A_45, %dma_start3A] : memref<8x128xi32, #tpu.memory_space<vmem>> -> memref<1x128xi32, #tpu.memory_space<vmem>>
        %dma_start3A_69 = tpu.memref_squeeze %dma_start3A_68 : memref<1x128xi32, #tpu.memory_space<vmem>> -> memref<128xi32, #tpu.memory_space<vmem>>
        %dma_start3A_70 = arith.constant 0 : i32
        %dma_start3A_71 = arith.constant 0 : i32
        %dma_start3A_72 = tpu.memref_slice %arg5[%dma_start3A_70, %dma_start3A_71] : memref<100096x16xf32, #tpu.memory_space<vmem_shared>> -> memref<100096x16xf32, #tpu.memory_space<vmem_shared>>
        %dma_start3A_73 = tpu.memref_slice %arg9[%rem3A_45] : memref<8x!tpu.dma_semaphore, #tpu.memory_space<semaphore_mem>> -> memref<1x!tpu.dma_semaphore, #tpu.memory_space<semaphore_mem>>
        %dma_start3A_74 = tpu.memref_squeeze %dma_start3A_73 : memref<1x!tpu.dma_semaphore, #tpu.memory_space<semaphore_mem>> -> memref<!tpu.dma_semaphore, #tpu.memory_space<semaphore_mem>>
        tpu.enqueue_indirect_dma source(%arg6 : memref<128x16xf32, #tpu.memory_space<vmem>>) target(%dma_start3A_72 : memref<100096x16xf32, #tpu.memory_space<vmem_shared>>) offsets(%dma_start3A_69 : memref<128xi32, #tpu.memory_space<vmem>>) semaphore(%dma_start3A_74 : memref<!tpu.dma_semaphore, #tpu.memory_space<semaphore_mem>>) {add = true}
      } else {
      }
    }
    %scan3A_16 = arith.constant 400 : i32
    %barrier3A_17 = arith.constant 0 : index
    tpu.barrier barrier_id(%barrier3A_17)
    %mul3A_18 = arith.constant 6256 : i32
    %mul3A_19 = arith.muli %arg1, %mul3A_18 : i32
    %mul3A_20 = arith.constant 6256 : i32
    %mul3A_21 = arith.muli %arg1, %mul3A_20 : i32
    "tpu.region"() ({
      %run_scoped3A = tpu.sem_alloc : memref<!tpu.dma_semaphore, #tpu.memory_space<semaphore_mem>>
      %dma_start3A = arith.constant 0 : i32
      %dma_start3A_22 = arith.constant 0 : i32
      %dma_start3A_23 = tpu.memref_slice %arg4[%arg0, %dma_start3A, %dma_start3A_22] : memref<2x100096x16xf32, #tpu.memory_space<hbm>> -> memref<1x100096x16xf32, #tpu.memory_space<hbm>>
      %dma_start3A_24 = tpu.memref_squeeze %dma_start3A_23 : memref<1x100096x16xf32, #tpu.memory_space<hbm>> -> memref<100096x16xf32, #tpu.memory_space<hbm>>
      %dma_start3A_25 = arith.constant 0 : i32
      %dma_start3A_26 = tpu.memref_slice %dma_start3A_24[%mul3A_21, %dma_start3A_25] : memref<100096x16xf32, #tpu.memory_space<hbm>> -> memref<6256x16xf32, #tpu.memory_space<hbm>>
      %dma_start3A_27 = arith.constant 0 : i32
      %dma_start3A_28 = tpu.memref_slice %arg5[%mul3A_19, %dma_start3A_27] : memref<100096x16xf32, #tpu.memory_space<vmem_shared>> -> memref<6256x16xf32, #tpu.memory_space<vmem_shared>>
      tpu.enqueue_dma source(%dma_start3A_28 : memref<6256x16xf32, #tpu.memory_space<vmem_shared>>) target(%dma_start3A_26 : memref<6256x16xf32, #tpu.memory_space<hbm>>) target_semaphore(%run_scoped3A : memref<!tpu.dma_semaphore, #tpu.memory_space<semaphore_mem>>)
      %dma_wait3A = arith.constant 0 : i32
      %dma_wait3A_29 = arith.constant 0 : i32
      %dma_wait3A_30 = tpu.memref_slice %arg4[%arg0, %dma_wait3A, %dma_wait3A_29] : memref<2x100096x16xf32, #tpu.memory_space<hbm>> -> memref<1x100096x16xf32, #tpu.memory_space<hbm>>
      %dma_wait3A_31 = tpu.memref_squeeze %dma_wait3A_30 : memref<1x100096x16xf32, #tpu.memory_space<hbm>> -> memref<100096x16xf32, #tpu.memory_space<hbm>>
      %dma_wait3A_32 = arith.constant 0 : i32
      %dma_wait3A_33 = tpu.memref_slice %dma_wait3A_31[%mul3A_21, %dma_wait3A_32] : memref<100096x16xf32, #tpu.memory_space<hbm>> -> memref<6256x16xf32, #tpu.memory_space<hbm>>
      %dma_wait3A_34 = arith.constant 0 : i32
      %dma_wait3A_35 = tpu.memref_slice %arg5[%mul3A_19, %dma_wait3A_34] : memref<100096x16xf32, #tpu.memory_space<vmem_shared>> -> memref<6256x16xf32, #tpu.memory_space<vmem_shared>>
      tpu.wait_dma2 semaphore(%run_scoped3A : memref<!tpu.dma_semaphore, #tpu.memory_space<semaphore_mem>>) src(%dma_wait3A_35 : memref<6256x16xf32, #tpu.memory_space<vmem_shared>>) dst(%dma_wait3A_33 : memref<6256x16xf32, #tpu.memory_space<hbm>>)
      tpu.yield
    }) : () -> ()
    return
  }
}

module attributes {stable_mosaic.version = 14 : i64} {
  func.func @_encode_body(%arg0: i32, %arg1: memref<2000x128xf32, #tpu.memory_space<vmem>>, %arg2: memref<2000x128xf32, #tpu.memory_space<vmem>>, %arg3: memref<128x16xf32, #tpu.memory_space<vmem>>, %arg4: memref<1x16xf32, #tpu.memory_space<vmem>>, %arg5: memref<128x16xf32, #tpu.memory_space<vmem>>, %arg6: memref<1x16xf32, #tpu.memory_space<vmem>>, %arg7: memref<2x2000x16xf32, #tpu.memory_space<vmem>>) attributes {dimension_semantics = [#tpu.dimension_semantics<arbitrary>], iteration_bounds = array<i64: 50>, scalar_prefetch = 0 : i64, scratch_operands = 0 : i64, tpu.core_type = #tpu.core_type<tc>, window_params = [{transform_indices = @transform_0, window_bounds = array<i64: 2000, 128>}, {transform_indices = @transform_1, window_bounds = array<i64: 2000, 128>}, {pipeline_mode = #tpu.pipeline_mode<synchronous>, transform_indices = @transform_2, window_bounds = array<i64: 128, 16>}, {pipeline_mode = #tpu.pipeline_mode<synchronous>, transform_indices = @transform_3, window_bounds = array<i64: 1, 16>}, {pipeline_mode = #tpu.pipeline_mode<synchronous>, transform_indices = @transform_4, window_bounds = array<i64: 128, 16>}, {pipeline_mode = #tpu.pipeline_mode<synchronous>, transform_indices = @transform_5, window_bounds = array<i64: 1, 16>}, {transform_indices = @transform_6, window_bounds = array<i64: 2, 2000, 16>}]} {
    %get3A = arith.constant 0 : index
    %get3A_0 = arith.constant 0 : index
    %get3A_1 = vector.load %arg1[%get3A, %get3A_0] : memref<2000x128xf32, #tpu.memory_space<vmem>>, vector<2000x128xf32>
    %get3A_2 = arith.constant 0 : index
    %get3A_3 = arith.constant 0 : index
    %get3A_4 = vector.load %arg3[%get3A_2, %get3A_3] : memref<128x16xf32, #tpu.memory_space<vmem>>, vector<128x16xf32>
    %dot_general3A = arith.constant dense<0.000000e+00> : vector<2000x16xf32>
    %dot_general3A_5 = tpu.matmul %get3A_1, %get3A_4, %dot_general3A {dimension_numbers = #tpu.dot_dimension_numbers<[1], [0], [0], [1], [0, 0, 1, 1], [], []>, transpose_lhs_hint = false} : vector<2000x128xf32>, vector<128x16xf32>, vector<2000x16xf32> -> vector<2000x16xf32>
    %get3A_6 = arith.constant 0 : index
    %get3A_7 = arith.constant 0 : index
    %get3A_8 = vector.load %arg4[%get3A_6, %get3A_7] : memref<1x16xf32, #tpu.memory_space<vmem>>, vector<1x16xf32>
    %add3A = vector.broadcast %get3A_8 : vector<1x16xf32> to vector<2000x16xf32>
    %add3A_9 = arith.addf %dot_general3A_5, %add3A : vector<2000x16xf32>
    %swap3A = arith.constant 0 : index
    %swap3A_10 = arith.constant 0 : index
    %swap3A_11 = arith.constant 0 : index
    %swap3A_12 = vector.load %arg7[%swap3A, %swap3A_10, %swap3A_11] : memref<2x2000x16xf32, #tpu.memory_space<vmem>>, vector<1x2000x16xf32>
    %swap3A_13 = vector.shape_cast %swap3A_12 : vector<1x2000x16xf32> to vector<2000x16xf32>
    %swap3A_14 = vector.shape_cast %add3A_9 : vector<2000x16xf32> to vector<1x2000x16xf32>
    tpu.vector_store %arg7[%swap3A, %swap3A_10, %swap3A_11], %swap3A_14 {strides = array<i32>} : memref<2x2000x16xf32, #tpu.memory_space<vmem>>, vector<1x2000x16xf32>,
    %get3A_15 = arith.constant 0 : index
    %get3A_16 = arith.constant 0 : index
    %get3A_17 = vector.load %arg2[%get3A_15, %get3A_16] : memref<2000x128xf32, #tpu.memory_space<vmem>>, vector<2000x128xf32>
    %get3A_18 = arith.constant 0 : index
    %get3A_19 = arith.constant 0 : index
    %get3A_20 = vector.load %arg5[%get3A_18, %get3A_19] : memref<128x16xf32, #tpu.memory_space<vmem>>, vector<128x16xf32>
    %dot_general3A_21 = arith.constant dense<0.000000e+00> : vector<2000x16xf32>
    %dot_general3A_22 = tpu.matmul %get3A_17, %get3A_20, %dot_general3A_21 {dimension_numbers = #tpu.dot_dimension_numbers<[1], [0], [0], [1], [0, 0, 1, 1], [], []>, transpose_lhs_hint = false} : vector<2000x128xf32>, vector<128x16xf32>, vector<2000x16xf32> -> vector<2000x16xf32>
    %get3A_23 = arith.constant 0 : index
    %get3A_24 = arith.constant 0 : index
    %get3A_25 = vector.load %arg6[%get3A_23, %get3A_24] : memref<1x16xf32, #tpu.memory_space<vmem>>, vector<1x16xf32>
    %add3A_26 = vector.broadcast %get3A_25 : vector<1x16xf32> to vector<2000x16xf32>
    %add3A_27 = arith.addf %dot_general3A_22, %add3A_26 : vector<2000x16xf32>
    %swap3A_28 = arith.constant 1 : index
    %swap3A_29 = arith.constant 0 : index
    %swap3A_30 = arith.constant 0 : index
    %swap3A_31 = vector.load %arg7[%swap3A_28, %swap3A_29, %swap3A_30] : memref<2x2000x16xf32, #tpu.memory_space<vmem>>, vector<1x2000x16xf32>
    %swap3A_32 = vector.shape_cast %swap3A_31 : vector<1x2000x16xf32> to vector<2000x16xf32>
    %swap3A_33 = vector.shape_cast %add3A_27 : vector<2000x16xf32> to vector<1x2000x16xf32>
    tpu.vector_store %arg7[%swap3A_28, %swap3A_29, %swap3A_30], %swap3A_33 {strides = array<i32>} : memref<2x2000x16xf32, #tpu.memory_space<vmem>>, vector<1x2000x16xf32>,
    return
  }
  func.func @transform_0(%arg0: i32) -> (i32, i32) {
    %c0_i32 = arith.constant 0 : i32
    %c0_i32_0 = arith.constant 0 : i32
    return %arg0, %c0_i32 : i32, i32
  }
  func.func @transform_1(%arg0: i32) -> (i32, i32) {
    %c0_i32 = arith.constant 0 : i32
    %c0_i32_0 = arith.constant 0 : i32
    return %arg0, %c0_i32 : i32, i32
  }
  func.func @transform_2(%arg0: i32) -> (i32, i32) {
    %c0_i32 = arith.constant 0 : i32
    %c0_i32_0 = arith.constant 0 : i32
    %c0_i32_1 = arith.constant 0 : i32
    return %c0_i32, %c0_i32_0 : i32, i32
  }
  func.func @transform_3(%arg0: i32) -> (i32, i32) {
    %c0_i32 = arith.constant 0 : i32
    %c0_i32_0 = arith.constant 0 : i32
    %c0_i32_1 = arith.constant 0 : i32
    return %c0_i32, %c0_i32_0 : i32, i32
  }
  func.func @transform_4(%arg0: i32) -> (i32, i32) {
    %c0_i32 = arith.constant 0 : i32
    %c0_i32_0 = arith.constant 0 : i32
    %c0_i32_1 = arith.constant 0 : i32
    return %c0_i32, %c0_i32_0 : i32, i32
  }
  func.func @transform_5(%arg0: i32) -> (i32, i32) {
    %c0_i32 = arith.constant 0 : i32
    %c0_i32_0 = arith.constant 0 : i32
    %c0_i32_1 = arith.constant 0 : i32
    return %c0_i32, %c0_i32_0 : i32, i32
  }
  func.func @transform_6(%arg0: i32) -> (i32, i32, i32) {
    %c0_i32 = arith.constant 0 : i32
    %c0_i32_0 = arith.constant 0 : i32
    %c0_i32_1 = arith.constant 0 : i32
    return %c0_i32, %arg0, %c0_i32_0 : i32, i32, i32
  }
}

module attributes {stable_mosaic.version = 14 : i64} {
  func.func @_combine_body(%arg0: i32, %arg1: memref<2x736x128xf32, #tpu.memory_space<vmem>>, %arg2: memref<2x736x128xf32, #tpu.memory_space<vmem>>, %arg3: memref<2x736x128xf32, #tpu.memory_space<vmem>>, %arg4: memref<2x4x128x128xf32, #tpu.memory_space<vmem>>, %arg5: memref<2x128xf32, #tpu.memory_space<vmem>>, %arg6: memref<2x736x128xf32, #tpu.memory_space<vmem>>) attributes {dimension_semantics = [#tpu.dimension_semantics<arbitrary>], iteration_bounds = array<i64: 17>, scalar_prefetch = 0 : i64, scratch_operands = 0 : i64, tpu.core_type = #tpu.core_type<tc>, window_params = [{transform_indices = @transform_0, window_bounds = array<i64: 2, 736, 128>}, {transform_indices = @transform_1, window_bounds = array<i64: 2, 736, 128>}, {transform_indices = @transform_2, window_bounds = array<i64: 2, 736, 128>}, {pipeline_mode = #tpu.pipeline_mode<synchronous>, transform_indices = @transform_3, window_bounds = array<i64: 2, 4, 128, 128>}, {pipeline_mode = #tpu.pipeline_mode<synchronous>, transform_indices = @transform_4, window_bounds = array<i64: 2, 128>}, {transform_indices = @transform_5, window_bounds = array<i64: 2, 736, 128>}]} {
    %get3A = arith.constant 0 : index
    %get3A_0 = arith.constant 0 : index
    %get3A_1 = arith.constant 0 : index
    %get3A_2 = vector.load %arg3[%get3A, %get3A_0, %get3A_1] : memref<2x736x128xf32, #tpu.memory_space<vmem>>, vector<1x736x128xf32>
    %get3A_3 = vector.shape_cast %get3A_2 : vector<1x736x128xf32> to vector<736x128xf32>
    %get3A_4 = arith.constant 1 : index
    %get3A_5 = arith.constant 0 : index
    %get3A_6 = arith.constant 0 : index
    %get3A_7 = vector.load %arg3[%get3A_4, %get3A_5, %get3A_6] : memref<2x736x128xf32, #tpu.memory_space<vmem>>, vector<1x736x128xf32>
    %get3A_8 = vector.shape_cast %get3A_7 : vector<1x736x128xf32> to vector<736x128xf32>
    %add3A = arith.addf %get3A_3, %get3A_8 : vector<736x128xf32>
    %max3A = arith.constant 1.000000e+00 : f32
    %max3A_9 = vector.broadcast %max3A : f32 to vector<736x128xf32>
    %max3A_10 = arith.maximumf %add3A, %max3A_9 : vector<736x128xf32>
    %div3A = arith.constant 1.000000e+00 : f32
    %div3A_11 = vector.broadcast %div3A : f32 to vector<736x128xf32>
    %div3A_12 = arith.divf %div3A_11, %max3A_10 : vector<736x128xf32>
    %get3A_13 = arith.constant 0 : index
    %get3A_14 = arith.constant 0 : index
    %get3A_15 = arith.constant 0 : index
    %get3A_16 = vector.load %arg2[%get3A_13, %get3A_14, %get3A_15] : memref<2x736x128xf32, #tpu.memory_space<vmem>>, vector<1x736x128xf32>
    %get3A_17 = vector.shape_cast %get3A_16 : vector<1x736x128xf32> to vector<736x128xf32>
    %mul3A = arith.mulf %get3A_17, %div3A_12 : vector<736x128xf32>
    %get3A_18 = arith.constant 1 : index
    %get3A_19 = arith.constant 0 : index
    %get3A_20 = arith.constant 0 : index
    %get3A_21 = vector.load %arg2[%get3A_18, %get3A_19, %get3A_20] : memref<2x736x128xf32, #tpu.memory_space<vmem>>, vector<1x736x128xf32>
    %get3A_22 = vector.shape_cast %get3A_21 : vector<1x736x128xf32> to vector<736x128xf32>
    %mul3A_23 = arith.mulf %get3A_22, %div3A_12 : vector<736x128xf32>
    %get3A_24 = arith.constant 0 : index
    %get3A_25 = arith.constant 0 : index
    %get3A_26 = arith.constant 0 : index
    %get3A_27 = vector.load %arg1[%get3A_24, %get3A_25, %get3A_26] : memref<2x736x128xf32, #tpu.memory_space<vmem>>, vector<1x736x128xf32>
    %get3A_28 = vector.shape_cast %get3A_27 : vector<1x736x128xf32> to vector<736x128xf32>
    %get3A_29 = arith.constant 1 : index
    %get3A_30 = arith.constant 0 : index
    %get3A_31 = arith.constant 0 : index
    %get3A_32 = vector.load %arg1[%get3A_29, %get3A_30, %get3A_31] : memref<2x736x128xf32, #tpu.memory_space<vmem>>, vector<1x736x128xf32>
    %get3A_33 = vector.shape_cast %get3A_32 : vector<1x736x128xf32> to vector<736x128xf32>
    %get3A_34 = arith.constant 0 : index
    %get3A_35 = arith.constant 0 : index
    %get3A_36 = arith.constant 0 : index
    %get3A_37 = arith.constant 0 : index
    %get3A_38 = vector.load %arg4[%get3A_34, %get3A_35, %get3A_36, %get3A_37] : memref<2x4x128x128xf32, #tpu.memory_space<vmem>>, vector<1x1x128x128xf32>
    %get3A_39 = vector.shape_cast %get3A_38 : vector<1x1x128x128xf32> to vector<128x128xf32>
    %dot_general3A = arith.constant dense<0.000000e+00> : vector<736x128xf32>
    %dot_general3A_40 = tpu.matmul %mul3A, %get3A_39, %dot_general3A {dimension_numbers = #tpu.dot_dimension_numbers<[1], [0], [0], [1], [0, 0, 1, 1], [], []>, transpose_lhs_hint = false} : vector<736x128xf32>, vector<128x128xf32>, vector<736x128xf32> -> vector<736x128xf32>
    %get3A_41 = arith.constant 0 : index
    %get3A_42 = arith.constant 1 : index
    %get3A_43 = arith.constant 0 : index
    %get3A_44 = arith.constant 0 : index
    %get3A_45 = vector.load %arg4[%get3A_41, %get3A_42, %get3A_43, %get3A_44] : memref<2x4x128x128xf32, #tpu.memory_space<vmem>>, vector<1x1x128x128xf32>
    %get3A_46 = vector.shape_cast %get3A_45 : vector<1x1x128x128xf32> to vector<128x128xf32>
    %dot_general3A_47 = arith.constant dense<0.000000e+00> : vector<736x128xf32>
    %dot_general3A_48 = tpu.matmul %mul3A_23, %get3A_46, %dot_general3A_47 {dimension_numbers = #tpu.dot_dimension_numbers<[1], [0], [0], [1], [0, 0, 1, 1], [], []>, transpose_lhs_hint = false} : vector<736x128xf32>, vector<128x128xf32>, vector<736x128xf32> -> vector<736x128xf32>
    %add3A_49 = arith.addf %dot_general3A_40, %dot_general3A_48 : vector<736x128xf32>
    %get3A_50 = arith.constant 0 : index
    %get3A_51 = arith.constant 2 : index
    %get3A_52 = arith.constant 0 : index
    %get3A_53 = arith.constant 0 : index
    %get3A_54 = vector.load %arg4[%get3A_50, %get3A_51, %get3A_52, %get3A_53] : memref<2x4x128x128xf32, #tpu.memory_space<vmem>>, vector<1x1x128x128xf32>
    %get3A_55 = vector.shape_cast %get3A_54 : vector<1x1x128x128xf32> to vector<128x128xf32>
    %dot_general3A_56 = arith.constant dense<0.000000e+00> : vector<736x128xf32>
    %dot_general3A_57 = tpu.matmul %get3A_28, %get3A_55, %dot_general3A_56 {dimension_numbers = #tpu.dot_dimension_numbers<[1], [0], [0], [1], [0, 0, 1, 1], [], []>, transpose_lhs_hint = false} : vector<736x128xf32>, vector<128x128xf32>, vector<736x128xf32> -> vector<736x128xf32>
    %add3A_58 = arith.addf %add3A_49, %dot_general3A_57 : vector<736x128xf32>
    %get3A_59 = arith.constant 0 : index
    %get3A_60 = arith.constant 3 : index
    %get3A_61 = arith.constant 0 : index
    %get3A_62 = arith.constant 0 : index
    %get3A_63 = vector.load %arg4[%get3A_59, %get3A_60, %get3A_61, %get3A_62] : memref<2x4x128x128xf32, #tpu.memory_space<vmem>>, vector<1x1x128x128xf32>
    %get3A_64 = vector.shape_cast %get3A_63 : vector<1x1x128x128xf32> to vector<128x128xf32>
    %dot_general3A_65 = arith.constant dense<0.000000e+00> : vector<736x128xf32>
    %dot_general3A_66 = tpu.matmul %get3A_33, %get3A_64, %dot_general3A_65 {dimension_numbers = #tpu.dot_dimension_numbers<[1], [0], [0], [1], [0, 0, 1, 1], [], []>, transpose_lhs_hint = false} : vector<736x128xf32>, vector<128x128xf32>, vector<736x128xf32> -> vector<736x128xf32>
    %add3A_67 = arith.addf %add3A_58, %dot_general3A_66 : vector<736x128xf32>
    %get3A_68 = arith.constant 0 : index
    %get3A_69 = arith.constant 0 : index
    %get3A_70 = vector.load %arg5[%get3A_68, %get3A_69] : memref<2x128xf32, #tpu.memory_space<vmem>>, vector<1x128xf32>
    %get3A_71 = vector.shape_cast %get3A_70 : vector<1x128xf32> to vector<128xf32>
    %broadcast_in_dim3A = vector.shape_cast %get3A_71 : vector<128xf32> to vector<1x128xf32>
    %add3A_72 = vector.broadcast %broadcast_in_dim3A : vector<1x128xf32> to vector<736x128xf32>
    %add3A_73 = arith.addf %add3A_67, %add3A_72 : vector<736x128xf32>
    %max3A_74 = arith.constant 0.000000e+00 : f32
    %max3A_75 = vector.broadcast %max3A_74 : f32 to vector<736x128xf32>
    %max3A_76 = arith.maximumf %add3A_73, %max3A_75 : vector<736x128xf32>
    %swap3A = arith.constant 0 : index
    %swap3A_77 = arith.constant 0 : index
    %swap3A_78 = arith.constant 0 : index
    %swap3A_79 = vector.load %arg6[%swap3A, %swap3A_77, %swap3A_78] : memref<2x736x128xf32, #tpu.memory_space<vmem>>, vector<1x736x128xf32>
    %swap3A_80 = vector.shape_cast %swap3A_79 : vector<1x736x128xf32> to vector<736x128xf32>
    %swap3A_81 = vector.shape_cast %max3A_76 : vector<736x128xf32> to vector<1x736x128xf32>
    tpu.vector_store %arg6[%swap3A, %swap3A_77, %swap3A_78], %swap3A_81 {strides = array<i32>} : memref<2x736x128xf32, #tpu.memory_space<vmem>>, vector<1x736x128xf32>,
    %get3A_82 = arith.constant 1 : index
    %get3A_83 = arith.constant 0 : index
    %get3A_84 = arith.constant 0 : index
    %get3A_85 = arith.constant 0 : index
    %get3A_86 = vector.load %arg4[%get3A_82, %get3A_83, %get3A_84, %get3A_85] : memref<2x4x128x128xf32, #tpu.memory_space<vmem>>, vector<1x1x128x128xf32>
    %get3A_87 = vector.shape_cast %get3A_86 : vector<1x1x128x128xf32> to vector<128x128xf32>
    %dot_general3A_88 = arith.constant dense<0.000000e+00> : vector<736x128xf32>
    %dot_general3A_89 = tpu.matmul %mul3A, %get3A_87, %dot_general3A_88 {dimension_numbers = #tpu.dot_dimension_numbers<[1], [0], [0], [1], [0, 0, 1, 1], [], []>, transpose_lhs_hint = false} : vector<736x128xf32>, vector<128x128xf32>, vector<736x128xf32> -> vector<736x128xf32>
    %get3A_90 = arith.constant 1 : index
    %get3A_91 = arith.constant 1 : index
    %get3A_92 = arith.constant 0 : index
    %get3A_93 = arith.constant 0 : index
    %get3A_94 = vector.load %arg4[%get3A_90, %get3A_91, %get3A_92, %get3A_93] : memref<2x4x128x128xf32, #tpu.memory_space<vmem>>, vector<1x1x128x128xf32>
    %get3A_95 = vector.shape_cast %get3A_94 : vector<1x1x128x128xf32> to vector<128x128xf32>
    %dot_general3A_96 = arith.constant dense<0.000000e+00> : vector<736x128xf32>
    %dot_general3A_97 = tpu.matmul %mul3A_23, %get3A_95, %dot_general3A_96 {dimension_numbers = #tpu.dot_dimension_numbers<[1], [0], [0], [1], [0, 0, 1, 1], [], []>, transpose_lhs_hint = false} : vector<736x128xf32>, vector<128x128xf32>, vector<736x128xf32> -> vector<736x128xf32>
    %add3A_98 = arith.addf %dot_general3A_89, %dot_general3A_97 : vector<736x128xf32>
    %get3A_99 = arith.constant 1 : index
    %get3A_100 = arith.constant 2 : index
    %get3A_101 = arith.constant 0 : index
    %get3A_102 = arith.constant 0 : index
    %get3A_103 = vector.load %arg4[%get3A_99, %get3A_100, %get3A_101, %get3A_102] : memref<2x4x128x128xf32, #tpu.memory_space<vmem>>, vector<1x1x128x128xf32>
    %get3A_104 = vector.shape_cast %get3A_103 : vector<1x1x128x128xf32> to vector<128x128xf32>
    %dot_general3A_105 = arith.constant dense<0.000000e+00> : vector<736x128xf32>
    %dot_general3A_106 = tpu.matmul %get3A_28, %get3A_104, %dot_general3A_105 {dimension_numbers = #tpu.dot_dimension_numbers<[1], [0], [0], [1], [0, 0, 1, 1], [], []>, transpose_lhs_hint = false} : vector<736x128xf32>, vector<128x128xf32>, vector<736x128xf32> -> vector<736x128xf32>
    %add3A_107 = arith.addf %add3A_98, %dot_general3A_106 : vector<736x128xf32>
    %get3A_108 = arith.constant 1 : index
    %get3A_109 = arith.constant 3 : index
    %get3A_110 = arith.constant 0 : index
    %get3A_111 = arith.constant 0 : index
    %get3A_112 = vector.load %arg4[%get3A_108, %get3A_109, %get3A_110, %get3A_111] : memref<2x4x128x128xf32, #tpu.memory_space<vmem>>, vector<1x1x128x128xf32>
    %get3A_113 = vector.shape_cast %get3A_112 : vector<1x1x128x128xf32> to vector<128x128xf32>
    %dot_general3A_114 = arith.constant dense<0.000000e+00> : vector<736x128xf32>
    %dot_general3A_115 = tpu.matmul %get3A_33, %get3A_113, %dot_general3A_114 {dimension_numbers = #tpu.dot_dimension_numbers<[1], [0], [0], [1], [0, 0, 1, 1], [], []>, transpose_lhs_hint = false} : vector<736x128xf32>, vector<128x128xf32>, vector<736x128xf32> -> vector<736x128xf32>
    %add3A_116 = arith.addf %add3A_107, %dot_general3A_115 : vector<736x128xf32>
    %get3A_117 = arith.constant 1 : index
    %get3A_118 = arith.constant 0 : index
    %get3A_119 = vector.load %arg5[%get3A_117, %get3A_118] : memref<2x128xf32, #tpu.memory_space<vmem>>, vector<1x128xf32>
    %get3A_120 = vector.shape_cast %get3A_119 : vector<1x128xf32> to vector<128xf32>
    %broadcast_in_dim3A_121 = vector.shape_cast %get3A_120 : vector<128xf32> to vector<1x128xf32>
    %add3A_122 = vector.broadcast %broadcast_in_dim3A_121 : vector<1x128xf32> to vector<736x128xf32>
    %add3A_123 = arith.addf %add3A_116, %add3A_122 : vector<736x128xf32>
    %max3A_124 = arith.constant 0.000000e+00 : f32
    %max3A_125 = vector.broadcast %max3A_124 : f32 to vector<736x128xf32>
    %max3A_126 = arith.maximumf %add3A_123, %max3A_125 : vector<736x128xf32>
    %swap3A_127 = arith.constant 1 : index
    %swap3A_128 = arith.constant 0 : index
    %swap3A_129 = arith.constant 0 : index
    %swap3A_130 = vector.load %arg6[%swap3A_127, %swap3A_128, %swap3A_129] : memref<2x736x128xf32, #tpu.memory_space<vmem>>, vector<1x736x128xf32>
    %swap3A_131 = vector.shape_cast %swap3A_130 : vector<1x736x128xf32> to vector<736x128xf32>
    %swap3A_132 = vector.shape_cast %max3A_126 : vector<736x128xf32> to vector<1x736x128xf32>
    tpu.vector_store %arg6[%swap3A_127, %swap3A_128, %swap3A_129], %swap3A_132 {strides = array<i32>} : memref<2x736x128xf32, #tpu.memory_space<vmem>>, vector<1x736x128xf32>,
    return
  }
  func.func @transform_0(%arg0: i32) -> (i32, i32, i32) {
    %c0_i32 = arith.constant 0 : i32
    %c0_i32_0 = arith.constant 0 : i32
    %c0_i32_1 = arith.constant 0 : i32
    return %c0_i32, %arg0, %c0_i32_0 : i32, i32, i32
  }
  func.func @transform_1(%arg0: i32) -> (i32, i32, i32) {
    %c0_i32 = arith.constant 0 : i32
    %c0_i32_0 = arith.constant 0 : i32
    %c0_i32_1 = arith.constant 0 : i32
    return %c0_i32, %arg0, %c0_i32_0 : i32, i32, i32
  }
  func.func @transform_2(%arg0: i32) -> (i32, i32, i32) {
    %c0_i32 = arith.constant 0 : i32
    %c0_i32_0 = arith.constant 0 : i32
    %c0_i32_1 = arith.constant 0 : i32
    return %c0_i32, %arg0, %c0_i32_0 : i32, i32, i32
  }
  func.func @transform_3(%arg0: i32) -> (i32, i32, i32, i32) {
    %c0_i32 = arith.constant 0 : i32
    %c0_i32_0 = arith.constant 0 : i32
    %c0_i32_1 = arith.constant 0 : i32
    %c0_i32_2 = arith.constant 0 : i32
    %c0_i32_3 = arith.constant 0 : i32
    return %c0_i32, %c0_i32_0, %c0_i32_1, %c0_i32_2 : i32, i32, i32, i32
  }
  func.func @transform_4(%arg0: i32) -> (i32, i32) {
    %c0_i32 = arith.constant 0 : i32
    %c0_i32_0 = arith.constant 0 : i32
    %c0_i32_1 = arith.constant 0 : i32
    return %c0_i32, %c0_i32_0 : i32, i32
  }
  func.func @transform_5(%arg0: i32) -> (i32, i32, i32) {
    %c0_i32 = arith.constant 0 : i32
    %c0_i32_0 = arith.constant 0 : i32
    %c0_i32_1 = arith.constant 0 : i32
    return %c0_i32, %arg0, %c0_i32_0 : i32, i32, i32
  }
}

module attributes {stable_mosaic.version = 14 : i64} {
  func.func @_final_body(%arg0: i32, %arg1: memref<2x736x128xf32, #tpu.memory_space<vmem>>, %arg2: memref<2x736x128xf32, #tpu.memory_space<vmem>>, %arg3: memref<2x736x128xf32, #tpu.memory_space<vmem>>, %arg4: memref<2x4x128x128xf32, #tpu.memory_space<vmem>>, %arg5: memref<2x128xf32, #tpu.memory_space<vmem>>, %arg6: memref<2x128x128xf32, #tpu.memory_space<vmem>>, %arg7: memref<128xf32, #tpu.memory_space<vmem>>, %arg8: memref<736x128xf32, #tpu.memory_space<vmem>>) attributes {dimension_semantics = [#tpu.dimension_semantics<arbitrary>], iteration_bounds = array<i64: 17>, scalar_prefetch = 0 : i64, scratch_operands = 0 : i64, tpu.core_type = #tpu.core_type<tc>, window_params = [{transform_indices = @transform_0, window_bounds = array<i64: 2, 736, 128>}, {transform_indices = @transform_1, window_bounds = array<i64: 2, 736, 128>}, {transform_indices = @transform_2, window_bounds = array<i64: 2, 736, 128>}, {pipeline_mode = #tpu.pipeline_mode<synchronous>, transform_indices = @transform_3, window_bounds = array<i64: 2, 4, 128, 128>}, {pipeline_mode = #tpu.pipeline_mode<synchronous>, transform_indices = @transform_4, window_bounds = array<i64: 2, 128>}, {pipeline_mode = #tpu.pipeline_mode<synchronous>, transform_indices = @transform_5, window_bounds = array<i64: 2, 128, 128>}, {pipeline_mode = #tpu.pipeline_mode<synchronous>, transform_indices = @transform_6, window_bounds = array<i64: 128>}, {transform_indices = @transform_7, window_bounds = array<i64: 736, 128>}]} {
    %get3A = arith.constant 0 : index
    %get3A_0 = arith.constant 0 : index
    %get3A_1 = arith.constant 0 : index
    %get3A_2 = vector.load %arg3[%get3A, %get3A_0, %get3A_1] : memref<2x736x128xf32, #tpu.memory_space<vmem>>, vector<1x736x128xf32>
    %get3A_3 = vector.shape_cast %get3A_2 : vector<1x736x128xf32> to vector<736x128xf32>
    %get3A_4 = arith.constant 1 : index
    %get3A_5 = arith.constant 0 : index
    %get3A_6 = arith.constant 0 : index
    %get3A_7 = vector.load %arg3[%get3A_4, %get3A_5, %get3A_6] : memref<2x736x128xf32, #tpu.memory_space<vmem>>, vector<1x736x128xf32>
    %get3A_8 = vector.shape_cast %get3A_7 : vector<1x736x128xf32> to vector<736x128xf32>
    %add3A = arith.addf %get3A_3, %get3A_8 : vector<736x128xf32>
    %max3A = arith.constant 1.000000e+00 : f32
    %max3A_9 = vector.broadcast %max3A : f32 to vector<736x128xf32>
    %max3A_10 = arith.maximumf %add3A, %max3A_9 : vector<736x128xf32>
    %div3A = arith.constant 1.000000e+00 : f32
    %div3A_11 = vector.broadcast %div3A : f32 to vector<736x128xf32>
    %div3A_12 = arith.divf %div3A_11, %max3A_10 : vector<736x128xf32>
    %get3A_13 = arith.constant 0 : index
    %get3A_14 = arith.constant 0 : index
    %get3A_15 = arith.constant 0 : index
    %get3A_16 = vector.load %arg2[%get3A_13, %get3A_14, %get3A_15] : memref<2x736x128xf32, #tpu.memory_space<vmem>>, vector<1x736x128xf32>
    %get3A_17 = vector.shape_cast %get3A_16 : vector<1x736x128xf32> to vector<736x128xf32>
    %mul3A = arith.mulf %get3A_17, %div3A_12 : vector<736x128xf32>
    %get3A_18 = arith.constant 1 : index
    %get3A_19 = arith.constant 0 : index
    %get3A_20 = arith.constant 0 : index
    %get3A_21 = vector.load %arg2[%get3A_18, %get3A_19, %get3A_20] : memref<2x736x128xf32, #tpu.memory_space<vmem>>, vector<1x736x128xf32>
    %get3A_22 = vector.shape_cast %get3A_21 : vector<1x736x128xf32> to vector<736x128xf32>
    %mul3A_23 = arith.mulf %get3A_22, %div3A_12 : vector<736x128xf32>
    %get3A_24 = arith.constant 0 : index
    %get3A_25 = arith.constant 0 : index
    %get3A_26 = arith.constant 0 : index
    %get3A_27 = arith.constant 0 : index
    %get3A_28 = vector.load %arg4[%get3A_24, %get3A_25, %get3A_26, %get3A_27] : memref<2x4x128x128xf32, #tpu.memory_space<vmem>>, vector<1x1x128x128xf32>
    %get3A_29 = vector.shape_cast %get3A_28 : vector<1x1x128x128xf32> to vector<128x128xf32>
    %dot_general3A = arith.constant dense<0.000000e+00> : vector<736x128xf32>
    %dot_general3A_30 = tpu.matmul %mul3A, %get3A_29, %dot_general3A {dimension_numbers = #tpu.dot_dimension_numbers<[1], [0], [0], [1], [0, 0, 1, 1], [], []>, transpose_lhs_hint = false} : vector<736x128xf32>, vector<128x128xf32>, vector<736x128xf32> -> vector<736x128xf32>
    %get3A_31 = arith.constant 0 : index
    %get3A_32 = arith.constant 1 : index
    %get3A_33 = arith.constant 0 : index
    %get3A_34 = arith.constant 0 : index
    %get3A_35 = vector.load %arg4[%get3A_31, %get3A_32, %get3A_33, %get3A_34] : memref<2x4x128x128xf32, #tpu.memory_space<vmem>>, vector<1x1x128x128xf32>
    %get3A_36 = vector.shape_cast %get3A_35 : vector<1x1x128x128xf32> to vector<128x128xf32>
    %dot_general3A_37 = arith.constant dense<0.000000e+00> : vector<736x128xf32>
    %dot_general3A_38 = tpu.matmul %mul3A_23, %get3A_36, %dot_general3A_37 {dimension_numbers = #tpu.dot_dimension_numbers<[1], [0], [0], [1], [0, 0, 1, 1], [], []>, transpose_lhs_hint = false} : vector<736x128xf32>, vector<128x128xf32>, vector<736x128xf32> -> vector<736x128xf32>
    %add3A_39 = arith.addf %dot_general3A_30, %dot_general3A_38 : vector<736x128xf32>
    %get3A_40 = arith.constant 0 : index
    %get3A_41 = arith.constant 0 : index
    %get3A_42 = arith.constant 0 : index
    %get3A_43 = vector.load %arg1[%get3A_40, %get3A_41, %get3A_42] : memref<2x736x128xf32, #tpu.memory_space<vmem>>, vector<1x736x128xf32>
    %get3A_44 = vector.shape_cast %get3A_43 : vector<1x736x128xf32> to vector<736x128xf32>
    %get3A_45 = arith.constant 0 : index
    %get3A_46 = arith.constant 2 : index
    %get3A_47 = arith.constant 0 : index
    %get3A_48 = arith.constant 0 : index
    %get3A_49 = vector.load %arg4[%get3A_45, %get3A_46, %get3A_47, %get3A_48] : memref<2x4x128x128xf32, #tpu.memory_space<vmem>>, vector<1x1x128x128xf32>
    %get3A_50 = vector.shape_cast %get3A_49 : vector<1x1x128x128xf32> to vector<128x128xf32>
    %dot_general3A_51 = arith.constant dense<0.000000e+00> : vector<736x128xf32>
    %dot_general3A_52 = tpu.matmul %get3A_44, %get3A_50, %dot_general3A_51 {dimension_numbers = #tpu.dot_dimension_numbers<[1], [0], [0], [1], [0, 0, 1, 1], [], []>, transpose_lhs_hint = false} : vector<736x128xf32>, vector<128x128xf32>, vector<736x128xf32> -> vector<736x128xf32>
    %add3A_53 = arith.addf %add3A_39, %dot_general3A_52 : vector<736x128xf32>
    %get3A_54 = arith.constant 1 : index
    %get3A_55 = arith.constant 0 : index
    %get3A_56 = arith.constant 0 : index
    %get3A_57 = vector.load %arg1[%get3A_54, %get3A_55, %get3A_56] : memref<2x736x128xf32, #tpu.memory_space<vmem>>, vector<1x736x128xf32>
    %get3A_58 = vector.shape_cast %get3A_57 : vector<1x736x128xf32> to vector<736x128xf32>
    %get3A_59 = arith.constant 0 : index
    %get3A_60 = arith.constant 3 : index
    %get3A_61 = arith.constant 0 : index
    %get3A_62 = arith.constant 0 : index
    %get3A_63 = vector.load %arg4[%get3A_59, %get3A_60, %get3A_61, %get3A_62] : memref<2x4x128x128xf32, #tpu.memory_space<vmem>>, vector<1x1x128x128xf32>
    %get3A_64 = vector.shape_cast %get3A_63 : vector<1x1x128x128xf32> to vector<128x128xf32>
    %dot_general3A_65 = arith.constant dense<0.000000e+00> : vector<736x128xf32>
    %dot_general3A_66 = tpu.matmul %get3A_58, %get3A_64, %dot_general3A_65 {dimension_numbers = #tpu.dot_dimension_numbers<[1], [0], [0], [1], [0, 0, 1, 1], [], []>, transpose_lhs_hint = false} : vector<736x128xf32>, vector<128x128xf32>, vector<736x128xf32> -> vector<736x128xf32>
    %add3A_67 = arith.addf %add3A_53, %dot_general3A_66 : vector<736x128xf32>
    %get3A_68 = arith.constant 0 : index
    %get3A_69 = arith.constant 0 : index
    %get3A_70 = vector.load %arg5[%get3A_68, %get3A_69] : memref<2x128xf32, #tpu.memory_space<vmem>>, vector<1x128xf32>
    %get3A_71 = vector.shape_cast %get3A_70 : vector<1x128xf32> to vector<128xf32>
    %broadcast_in_dim3A = vector.shape_cast %get3A_71 : vector<128xf32> to vector<1x128xf32>
    %add3A_72 = vector.broadcast %broadcast_in_dim3A : vector<1x128xf32> to vector<736x128xf32>
    %add3A_73 = arith.addf %add3A_67, %add3A_72 : vector<736x128xf32>
    %max3A_74 = arith.constant 0.000000e+00 : f32
    %max3A_75 = vector.broadcast %max3A_74 : f32 to vector<736x128xf32>
    %max3A_76 = arith.maximumf %add3A_73, %max3A_75 : vector<736x128xf32>
    %get3A_77 = arith.constant 1 : index
    %get3A_78 = arith.constant 0 : index
    %get3A_79 = arith.constant 0 : index
    %get3A_80 = arith.constant 0 : index
    %get3A_81 = vector.load %arg4[%get3A_77, %get3A_78, %get3A_79, %get3A_80] : memref<2x4x128x128xf32, #tpu.memory_space<vmem>>, vector<1x1x128x128xf32>
    %get3A_82 = vector.shape_cast %get3A_81 : vector<1x1x128x128xf32> to vector<128x128xf32>
    %dot_general3A_83 = arith.constant dense<0.000000e+00> : vector<736x128xf32>
    %dot_general3A_84 = tpu.matmul %mul3A, %get3A_82, %dot_general3A_83 {dimension_numbers = #tpu.dot_dimension_numbers<[1], [0], [0], [1], [0, 0, 1, 1], [], []>, transpose_lhs_hint = false} : vector<736x128xf32>, vector<128x128xf32>, vector<736x128xf32> -> vector<736x128xf32>
    %get3A_85 = arith.constant 1 : index
    %get3A_86 = arith.constant 1 : index
    %get3A_87 = arith.constant 0 : index
    %get3A_88 = arith.constant 0 : index
    %get3A_89 = vector.load %arg4[%get3A_85, %get3A_86, %get3A_87, %get3A_88] : memref<2x4x128x128xf32, #tpu.memory_space<vmem>>, vector<1x1x128x128xf32>
    %get3A_90 = vector.shape_cast %get3A_89 : vector<1x1x128x128xf32> to vector<128x128xf32>
    %dot_general3A_91 = arith.constant dense<0.000000e+00> : vector<736x128xf32>
    %dot_general3A_92 = tpu.matmul %mul3A_23, %get3A_90, %dot_general3A_91 {dimension_numbers = #tpu.dot_dimension_numbers<[1], [0], [0], [1], [0, 0, 1, 1], [], []>, transpose_lhs_hint = false} : vector<736x128xf32>, vector<128x128xf32>, vector<736x128xf32> -> vector<736x128xf32>
    %add3A_93 = arith.addf %dot_general3A_84, %dot_general3A_92 : vector<736x128xf32>
    %get3A_94 = arith.constant 0 : index
    %get3A_95 = arith.constant 0 : index
    %get3A_96 = arith.constant 0 : index
    %get3A_97 = vector.load %arg1[%get3A_94, %get3A_95, %get3A_96] : memref<2x736x128xf32, #tpu.memory_space<vmem>>, vector<1x736x128xf32>
    %get3A_98 = vector.shape_cast %get3A_97 : vector<1x736x128xf32> to vector<736x128xf32>
    %get3A_99 = arith.constant 1 : index
    %get3A_100 = arith.constant 2 : index
    %get3A_101 = arith.constant 0 : index
    %get3A_102 = arith.constant 0 : index
    %get3A_103 = vector.load %arg4[%get3A_99, %get3A_100, %get3A_101, %get3A_102] : memref<2x4x128x128xf32, #tpu.memory_space<vmem>>, vector<1x1x128x128xf32>
    %get3A_104 = vector.shape_cast %get3A_103 : vector<1x1x128x128xf32> to vector<128x128xf32>
    %dot_general3A_105 = arith.constant dense<0.000000e+00> : vector<736x128xf32>
    %dot_general3A_106 = tpu.matmul %get3A_98, %get3A_104, %dot_general3A_105 {dimension_numbers = #tpu.dot_dimension_numbers<[1], [0], [0], [1], [0, 0, 1, 1], [], []>, transpose_lhs_hint = false} : vector<736x128xf32>, vector<128x128xf32>, vector<736x128xf32> -> vector<736x128xf32>
    %add3A_107 = arith.addf %add3A_93, %dot_general3A_106 : vector<736x128xf32>
    %get3A_108 = arith.constant 1 : index
    %get3A_109 = arith.constant 0 : index
    %get3A_110 = arith.constant 0 : index
    %get3A_111 = vector.load %arg1[%get3A_108, %get3A_109, %get3A_110] : memref<2x736x128xf32, #tpu.memory_space<vmem>>, vector<1x736x128xf32>
    %get3A_112 = vector.shape_cast %get3A_111 : vector<1x736x128xf32> to vector<736x128xf32>
    %get3A_113 = arith.constant 1 : index
    %get3A_114 = arith.constant 3 : index
    %get3A_115 = arith.constant 0 : index
    %get3A_116 = arith.constant 0 : index
    %get3A_117 = vector.load %arg4[%get3A_113, %get3A_114, %get3A_115, %get3A_116] : memref<2x4x128x128xf32, #tpu.memory_space<vmem>>, vector<1x1x128x128xf32>
    %get3A_118 = vector.shape_cast %get3A_117 : vector<1x1x128x128xf32> to vector<128x128xf32>
    %dot_general3A_119 = arith.constant dense<0.000000e+00> : vector<736x128xf32>
    %dot_general3A_120 = tpu.matmul %get3A_112, %get3A_118, %dot_general3A_119 {dimension_numbers = #tpu.dot_dimension_numbers<[1], [0], [0], [1], [0, 0, 1, 1], [], []>, transpose_lhs_hint = false} : vector<736x128xf32>, vector<128x128xf32>, vector<736x128xf32> -> vector<736x128xf32>
    %add3A_121 = arith.addf %add3A_107, %dot_general3A_120 : vector<736x128xf32>
    %get3A_122 = arith.constant 1 : index
    %get3A_123 = arith.constant 0 : index
    %get3A_124 = vector.load %arg5[%get3A_122, %get3A_123] : memref<2x128xf32, #tpu.memory_space<vmem>>, vector<1x128xf32>
    %get3A_125 = vector.shape_cast %get3A_124 : vector<1x128xf32> to vector<128xf32>
    %broadcast_in_dim3A_126 = vector.shape_cast %get3A_125 : vector<128xf32> to vector<1x128xf32>
    %add3A_127 = vector.broadcast %broadcast_in_dim3A_126 : vector<1x128xf32> to vector<736x128xf32>
    %add3A_128 = arith.addf %add3A_121, %add3A_127 : vector<736x128xf32>
    %max3A_129 = arith.constant 0.000000e+00 : f32
    %max3A_130 = vector.broadcast %max3A_129 : f32 to vector<736x128xf32>
    %max3A_131 = arith.maximumf %add3A_128, %max3A_130 : vector<736x128xf32>
    %get3A_132 = arith.constant 0 : index
    %get3A_133 = arith.constant 0 : index
    %get3A_134 = arith.constant 0 : index
    %get3A_135 = vector.load %arg6[%get3A_132, %get3A_133, %get3A_134] : memref<2x128x128xf32, #tpu.memory_space<vmem>>, vector<1x128x128xf32>
    %get3A_136 = vector.shape_cast %get3A_135 : vector<1x128x128xf32> to vector<128x128xf32>
    %dot_general3A_137 = arith.constant dense<0.000000e+00> : vector<736x128xf32>
    %dot_general3A_138 = tpu.matmul %max3A_76, %get3A_136, %dot_general3A_137 {dimension_numbers = #tpu.dot_dimension_numbers<[1], [0], [0], [1], [0, 0, 1, 1], [], []>, transpose_lhs_hint = false} : vector<736x128xf32>, vector<128x128xf32>, vector<736x128xf32> -> vector<736x128xf32>
    %get3A_139 = arith.constant 1 : index
    %get3A_140 = arith.constant 0 : index
    %get3A_141 = arith.constant 0 : index
    %get3A_142 = vector.load %arg6[%get3A_139, %get3A_140, %get3A_141] : memref<2x128x128xf32, #tpu.memory_space<vmem>>, vector<1x128x128xf32>
    %get3A_143 = vector.shape_cast %get3A_142 : vector<1x128x128xf32> to vector<128x128xf32>
    %dot_general3A_144 = arith.constant dense<0.000000e+00> : vector<736x128xf32>
    %dot_general3A_145 = tpu.matmul %max3A_131, %get3A_143, %dot_general3A_144 {dimension_numbers = #tpu.dot_dimension_numbers<[1], [0], [0], [1], [0, 0, 1, 1], [], []>, transpose_lhs_hint = false} : vector<736x128xf32>, vector<128x128xf32>, vector<736x128xf32> -> vector<736x128xf32>
    %add3A_146 = arith.addf %dot_general3A_138, %dot_general3A_145 : vector<736x128xf32>
    %get3A_147 = arith.constant 0 : index
    %get3A_148 = vector.load %arg7[%get3A_147] : memref<128xf32, #tpu.memory_space<vmem>>, vector<128xf32>
    %broadcast_in_dim3A_149 = vector.shape_cast %get3A_148 : vector<128xf32> to vector<1x128xf32>
    %add3A_150 = vector.broadcast %broadcast_in_dim3A_149 : vector<1x128xf32> to vector<736x128xf32>
    %add3A_151 = arith.addf %add3A_146, %add3A_150 : vector<736x128xf32>
    %swap3A = arith.constant 0 : index
    %swap3A_152 = arith.constant 0 : index
    %swap3A_153 = vector.load %arg8[%swap3A, %swap3A_152] : memref<736x128xf32, #tpu.memory_space<vmem>>, vector<736x128xf32>
    tpu.vector_store %arg8[%swap3A, %swap3A_152], %add3A_151 {strides = array<i32>} : memref<736x128xf32, #tpu.memory_space<vmem>>, vector<736x128xf32>,
    return
  }
  func.func @transform_0(%arg0: i32) -> (i32, i32, i32) {
    %c0_i32 = arith.constant 0 : i32
    %c0_i32_0 = arith.constant 0 : i32
    %c0_i32_1 = arith.constant 0 : i32
    return %c0_i32, %arg0, %c0_i32_0 : i32, i32, i32
  }
  func.func @transform_1(%arg0: i32) -> (i32, i32, i32) {
    %c0_i32 = arith.constant 0 : i32
    %c0_i32_0 = arith.constant 0 : i32
    %c0_i32_1 = arith.constant 0 : i32
    return %c0_i32, %arg0, %c0_i32_0 : i32, i32, i32
  }
  func.func @transform_2(%arg0: i32) -> (i32, i32, i32) {
    %c0_i32 = arith.constant 0 : i32
    %c0_i32_0 = arith.constant 0 : i32
    %c0_i32_1 = arith.constant 0 : i32
    return %c0_i32, %arg0, %c0_i32_0 : i32, i32, i32
  }
  func.func @transform_3(%arg0: i32) -> (i32, i32, i32, i32) {
    %c0_i32 = arith.constant 0 : i32
    %c0_i32_0 = arith.constant 0 : i32
    %c0_i32_1 = arith.constant 0 : i32
    %c0_i32_2 = arith.constant 0 : i32
    %c0_i32_3 = arith.constant 0 : i32
    return %c0_i32, %c0_i32_0, %c0_i32_1, %c0_i32_2 : i32, i32, i32, i32
  }
  func.func @transform_4(%arg0: i32) -> (i32, i32) {
    %c0_i32 = arith.constant 0 : i32
    %c0_i32_0 = arith.constant 0 : i32
    %c0_i32_1 = arith.constant 0 : i32
    return %c0_i32, %c0_i32_0 : i32, i32
  }
  func.func @transform_5(%arg0: i32) -> (i32, i32, i32) {
    %c0_i32 = arith.constant 0 : i32
    %c0_i32_0 = arith.constant 0 : i32
    %c0_i32_1 = arith.constant 0 : i32
    %c0_i32_2 = arith.constant 0 : i32
    return %c0_i32, %c0_i32_0, %c0_i32_1 : i32, i32, i32
  }
  func.func @transform_6(%arg0: i32) -> i32 {
    %c0_i32 = arith.constant 0 : i32
    %c0_i32_0 = arith.constant 0 : i32
    return %c0_i32 : i32
  }
  func.func @transform_7(%arg0: i32) -> (i32, i32) {
    %c0_i32 = arith.constant 0 : i32
    %c0_i32_0 = arith.constant 0 : i32
    return %arg0, %c0_i32 : i32, i32
  }
}

</mosaic_0001>

<sc_bundles>
// kernel: kernel.10.cloned.1.call-start
scs
__scs_entry_jumppad:
0x0: {  	(pc) =	sbr.rel $0x88, $3  }
0x1: {  	(tag) =	ssettag $0x0;
	lr =	simm.s32 $0x1  }
0x2: {  	[smem:$0x3F8F] =	sst lr;
	_ =	strace $0xD0000000  }
0x3: {  	_ = 	snop  }
0x4: {  	_ = 	snop  }
0x5: {  	_ = 	snop  }
0x6: {  	_ = 	snop  }
0x7: {  	_ = 	snop  }
__scs_overlays_trampoline_lowered:
0x8: {  	[smem:$0x3F9E] =	sst s0  }
0x9: {  	[smem:$0x3F9F] =	sst s1  }
0xa: {  	[smem:$0x3FA0] =	sst s2  }
0xb: {  	[smem:$0x3FA1] =	sst s3  }
0xc: {  	[smem:$0x3FA2] =	sst s4  }
0xd: {  	[smem:$0x3FA3] =	sst s5  }
0xe: {  	[smem:$0x3FA4] =	sst s6  }
0xf: {  	[smem:$0x3FA5] =	sst s7  }
0x10: {  	[smem:$0x3FA6] =	sst s8  }
0x11: {  	[smem:$0x3FA7] =	sst s9;
	s0 =	simm.s32 @!p0 $0x0  }
0x12: {  	s1 =	sld [smem:$0x3F8D];
	s0 =	simm.s32 @p0 $0x1  }
0x13: {  	[smem:$0x3FA8] =	sst s0;
	s0 =	simm.s32 @!p1 $0x0  }
0x14: {  	s2 =	sld [smem:$0x3F8C];
	s0 =	simm.s32 @p1 $0x1  }
0x15: {  	[smem:$0x3FA9] =	sst s0;
	s0 =	simm.s32 @!p2 $0x0  }
0x16: {  	s3 =	sld [smem:$0x3FDB];
	s0 =	simm.s32 @p2 $0x1  }
0x17: {  	s4 =	simm.s32 $0x1BF5;
	[smem:$0x3FAB] =	sst s0  }
0x18: {  	s0 =	sld [smem:$0x3F8E];
	_ =	swait.ge [sflag:s4], $0x0  }
0x19: {  	s7 =	sld [smem:$0x3F8F]  }
0x1a: {  	s8 =	sadd.s32 $0xFFFFE003, lr  }
0x1b: {  	s9 =	sadd.s32 $0xFFFFFEF7, lr;
	s5 =	simm.s32 $0xFFFFFFFF;
	p2 =	slt.u32 s8, $0xFFFFF086  }
0x1c: {  	p1 =	slt.u32 s9, $0xF7A;
	s5 =	simm.s32 @!p2 $0x0  }
0x1d: {  	s5 =	simm.s32 @p1 $0x1;
	p0 =	seq.s32 s7, s2  }
0x1e: {  	s7 =	smul.u32 @!p0 $0xF7A, s2;
	p2 =	seq.s32 @!p0 s5, $0x0  }
0x1f: {  	s9 =	smul.u32 $0xF7A, s1;
	s8 =	simm.s32 @!p0 $0x1BF5;
	p2 =	por !p2, p0  }
0x20: {  	[sflag:s8] =	ssyncset.s32 @!p0 $0xFFFFF086;
	s6 =	sadd.s32 @!p0 s3, s7;
	s7 =	simm.s32 @!p0 $0x108  }
0x21: {  	s3 =	sadd.s32 s3, s9;
	s6 =	sadd.s32 @!p0 $0x88, s6;
	s7 =	simm.s32 @p2 $0x1082  }
0x22: {  	[simem:s7], [sflag:s8] =	dma.local @!p0 [hbm:s6], $0xF7A  }
0x23: {  	s9 =	sor.u32 $0xD0000000, s2;
	s6 =	simm.s32 $0x108;
	_ =	swait.ge @!p0 [sflag:s8], $0x0  }
0x24: {  	s3 =	sadd.s32 $0x88, s3;
	s6 =	simm.s32 @!p1 $0x1082;
	[sflag:s4] =	ssyncset.s32 $0xFFFFF086  }
0x25: {  	[simem:s6], [sflag:s4] =	dma.local [hbm:s3], $0xF7A  }
0x26: {  	[smem:$0x3F8F] =	sst s1;
	(tag) =	ssettag s2;
	_ =	strace s9  }
0x27: {  	s1 =	sld [smem:$0x3F9F]  }
0x28: {  	s2 =	sld [smem:$0x3FA0]  }
0x29: {  	s4 =	sld [smem:$0x3FA2]  }
0x2a: {  	p0 =	seq.s32 s5, $0x0;
	s5 =	sld [smem:$0x3FA3]  }
0x2b: {  	s6 =	sld [smem:$0x3FA4]  }
0x2c: {  	s7 =	sld [smem:$0x3FA5]  }
0x2d: {  	s3 =	simm.s32 $0x108;
	s8 =	sld [smem:$0x3FA6]  }
0x2e: {  	s3 =	simm.s32 @!p0 $0x1082;
	s9 =	sld [smem:$0x3FA7]  }
0x2f: {  	lr =	sadd.s32 s0, s3;
	s0 =	sld [smem:$0x3F9E]  }
0x30: {  	s3 =	sld [smem:$0x3FA1]  }
0x31: {  	[smem:$0x3FAA] =	sst s10  }
0x32: {  	s10 =	sld [smem:$0x3FA8];
	_ =	sdelay $0x3  }
0x33: {  	p0 =	seq.s32 s10, $0x1;
	s10 =	sld [smem:$0x3FAA];
	_ =	sdelay $0x3  }
0x34: {  	[smem:$0x3FAA] =	sst s10  }
0x35: {  	s10 =	sld [smem:$0x3FA9];
	_ =	sdelay $0x3  }
0x36: {  	p1 =	seq.s32 s10, $0x1;
	s10 =	sld [smem:$0x3FAA];
	_ =	sdelay $0x3  }
0x37: {  	[smem:$0x3FAA] =	sst s10  }
0x38: {  	s10 =	sld [smem:$0x3FAB]  }
0x39: {  	_ = 	snop;
	(pc) =	sbr.ind lr, $3  }
0x3a: {  	_ = 	snop  }
0x3b: {  	_ = 	snop  }
0x3c: {  	p2 =	seq.s32 s10, $0x1;
	s10 =	sld [smem:$0x3FAA]  }
0x3d: {  	_ =	shalt  }
0x3e: {  	_ =	shalt  }
0x3f: {  	_ =	shalt  }
0x40: {  	_ =	shalt  }
0x41: {  	_ =	shalt  }
0x42: {  	_ =	shalt  }
0x43: {  	_ =	shalt  }
0x44: {  	_ =	shalt  }
0x45: {  	_ =	shalt  }
0x46: {  	_ =	shalt  }
0x47: {  	_ =	shalt  }
0x48: {  	_ =	shalt  }
0x49: {  	_ =	shalt  }
0x4a: {  	_ =	shalt  }
0x4b: {  	_ =	shalt  }
0x4c: {  	_ =	shalt  }
0x4d: {  	_ =	shalt  }
0x4e: {  	_ =	shalt  }
0x4f: {  	_ =	shalt  }
0x50: {  	_ =	shalt  }
0x51: {  	_ =	shalt  }
0x52: {  	_ =	shalt  }
0x53: {  	_ =	shalt  }
0x54: {  	_ =	shalt  }
0x55: {  	_ =	shalt  }
0x56: {  	_ =	shalt  }
0x57: {  	_ =	shalt  }
0x58: {  	_ =	shalt  }
0x59: {  	_ =	shalt  }
0x5a: {  	_ =	shalt  }
0x5b: {  	_ =	shalt  }
0x5c: {  	_ =	shalt  }
0x5d: {  	_ =	shalt  }
0x5e: {  	_ =	shalt  }
0x5f: {  	_ =	shalt  }
0x60: {  	_ =	shalt  }
0x61: {  	_ =	shalt  }
0x62: {  	_ =	shalt  }
0x63: {  	_ =	shalt  }
0x64: {  	_ =	shalt  }
0x65: {  	_ =	shalt  }
0x66: {  	_ =	shalt  }
0x67: {  	_ =	shalt  }
0x68: {  	_ =	shalt  }
0x69: {  	_ =	shalt  }
0x6a: {  	_ =	shalt  }
0x6b: {  	_ =	shalt  }
0x6c: {  	_ =	shalt  }
0x6d: {  	_ =	shalt  }
0x6e: {  	_ =	shalt  }
0x6f: {  	_ =	shalt  }
0x70: {  	_ =	shalt  }
0x71: {  	_ =	shalt  }
0x72: {  	_ =	shalt  }
0x73: {  	_ =	shalt  }
0x74: {  	_ =	shalt  }
0x75: {  	_ =	shalt  }
0x76: {  	_ =	shalt  }
0x77: {  	_ =	shalt  }
0x78: {  	_ =	shalt  }
0x79: {  	_ =	shalt  }
0x7a: {  	_ =	shalt  }
0x7b: {  	_ =	shalt  }
0x7c: {  	_ =	shalt  }
0x7d: {  	_ =	shalt  }
0x7e: {  	_ =	shalt  }
0x7f: {  	_ =	shalt  }
0x80: {  	_ =	shalt  }
0x81: {  	_ =	shalt  }
0x82: {  	_ =	shalt  }
0x83: {  	_ =	shalt  }
0x84: {  	_ =	shalt  }
0x85: {  	_ =	shalt  }
0x86: {  	_ =	shalt  }
0x87: {  	_ =	shalt  }
.Lfunc_end0:
.L_simem_size_0:
called_computation_lowered:
.L_overlay_start_0:
0x88: {  	s2 =	sld [smem:$0x3FD9]  }
0x89: {  	s3 =	sld [smem:$0x3FFE];
	_ =	sdelay $0x1  }
0x8a: {  	s1 =	srdreg.scid  }
0x8b: {  	s0 =	sand.u32 $0x1, s1  }
0x8c: {  	s17 =	sshll.u32 s0, $0xA;
	s2 =	sadd.s32 s3, s2  }
0x8d: {  	s2 =	sadd.s32 s2, s17  }
0x8e: {  	[smem:$0x3FB6] =	sst s2  }
0x8f: {  	_ = 	snop  }
0x90: {  	s18 =	sld [smem:$0x3FD0];
	(tm) =	ssettm $0x1  }
0x91: {  	s19 =	sld [smem:$0x3FFB];
	_ =	sdelay $0x3  }
0x92: {  	_ =	strace s19  }
0x93: {  	s2 =	sld [smem:$0x3FFC];
	_ =	sdelay $0x3  }
0x94: {  	_ =	strace s2  }
0x95: {  	s2 =	sld [smem:$0x3FFD];
	_ =	sdelay $0x3  }
0x96: {  	_ =	strace s2  }
0x97: {  	_ =	strace $0x8FFFFFFF  }
0x98: {  	s20 =	sld [smem:$0x3FDB];
	_ =	sdelay $0x1  }
0x99: {  	s4 =	simm.s32 $_scs_section_size  }
0x9a: {  	s5 =	simm.s32 $_size__tile_overlayer_lowered;
	s6 =	simm.s32 $_tile_overlayer_lowered  }
0x9b: {  	s7 =	simm.s32 $0x1BFF;
	s21 =	sshll.u32 s6, $0x1;
	s4 =	sadd.s32 s4, s20  }
0x9c: {  	s22 =	simm.s32 $0x0;
	s5 =	sshll.u32 s5, $0x1;
	s6 =	sadd.s32 s21, s4  }
0x9d: {  	[timem:s22], [sflag:s7] =	dma.local [hbm:s6], s5  }
0x9e: {  	_ =	swait.ge [sflag:s7], s5  }
0x9f: {  	s5 =	ssub.s32 $0x0, s5;
	[sflag:s7] =	ssyncset.done $0x0  }
0xa0: {  	[sflag:s7] =	ssyncadd.s32 s5;
	_ =	sdelay $0x1  }
0xa1: {  	s23 =	simm.s32 $0x1B8B  }
0xa2: {  	_ =	swait.ge [sflag:s23], $0x1  }
0xa3: {  	[sflag:s23] =	ssyncset.done $0x0  }
0xa4: {  	[sflag:s23] =	ssyncadd.s32 $0xFFFFFFFF  }
0xa5: {  	s5 =	sld [smem:$0x0]  }
0xa6: {  	s6 =	sand.u32 $0xFFFFFFFE, s1  }
0xa7: {  	p0 =	sne.s32 s1, s6  }
0xa8: {  	s6 =	sshll.u32 @p0 s6, $0xE  }
0xa9: {  	s6 =	sadd.s32 @p0 $0x11B8D, s6;
	s7 =	sshll.u32 @p0 s5, $0x11  }
0xaa: {  	s6 =	sor.u32 @p0 s7, s6  }
0xab: {  	[sflag:s6] =	ssyncadd.remote.s32 @p0 $0x1;
	_ =	sdelay $0x1  }
0xac: {  	s6 =	simm.s32 @p0 $0x1B8D  }
0xad: {  	_ =	swait.eq @p0 [sflag:s6], $0x1  }
0xae: {  	[sflag:s6] =	ssyncadd.s32 @p0 $0xFFFFFFFF  }
0xaf: {  	s7 =	sshll.u32 @!p0 s1, $0xE  }
0xb0: {  	s7 =	sor.u32 @!p0 $0x4000, s7;
	s6 =	simm.s32 @!p0 $0x1B8D  }
0xb1: {  	s5 =	sshll.u32 @!p0 s5, $0x11;
	s7 =	sadd.s32 @!p0 $0x11B8D, s7;
	_ =	swait.eq @!p0 [sflag:s6], $0x1  }
0xb2: {  	s5 =	sor.u32 @!p0 s5, s7;
	[sflag:s6] =	ssyncadd.s32 @!p0 $0xFFFFFFFF  }
0xb3: {  	s25 =	simm.s32 $0x1B8E;
	s24 =	sld [smem:$0x3FFE];
	[sflag:s5] =	ssyncadd.remote.s32 @!p0 $0x1  }
0xb4: {  	s26 =	simm.s32 $execute0_lowered;
	[smem:$0x3FD2] =	sst s25  }
0xb5: {  	s6 =	sshll.u32 s26, $0x1;
	_ =	strace $0x80000049;
	[dreg:$0x1] =	wrdreg $0xFFFFFFFF  }
0xb6: {  	s28 =	simm.s32 $_size_execute0_lowered;
	s4 =	sadd.s32 s4, s6;
	[dreg:$0x0] =	wrdreg $0x0  }
0xb7: {  	s6 =	sshll.u32 s28, $0x1;
	[dreg:$0x2] =	wrdreg s4  }
0xb8: {  	[dreg:$0x3] =	wrdreg s6  }
0xb9: {  	[dreg:$0x4] =	wrdreg $0xC0  }
0xba: {  	_ =	task [dreg:s22], $0x5FFFF  }
0xbb: {  	[dreg:$0x1] =	wrdreg $0xFFFFFFFF  }
0xbc: {  	[dreg:$0x0] =	wrdreg $0x60  }
0xbd: {  	[dreg:$0x2] =	wrdreg s24  }
0xbe: {  	[dreg:$0x3] =	wrdreg s18  }
0xbf: {  	[dreg:$0x4] =	wrdreg $0x0  }
0xc0: {  	[dreg:$0x5] =	wrdreg $0x9  }
0xc1: {  	_ =	task.clear_ibuf [dreg:s22], $0x6FFFF;
	_ =	strace $0x90000049  }
0xc2: {  	s29 =	simm.s32 $0x9;
	_ =	strace $0x8000004B  }
0xc3: {  	_ =	swait.ge [sflag:s29], $0x1  }
0xc4: {  	[sflag:s29] =	ssyncadd.s32 $0xFFFFFFFF  }
0xc5: {  	_ =	strace $0x9000004B  }
0xc6: {  	_ =	sfence  }
0xc7: {  	s30 =	sld [smem:$0x0];
	_ =	sdelay $0x2  }
0xc8: {  	s31 =	sshll.u32 s1, $0xD;
	s1 =	sshrl.u32 s1, $0x2  }
0xc9: {  	s4 =	sand.u32 $0x4000, s31;
	s1 =	sadd.s32 s1, s30  }
0xca: {  	s0 =	sor.u32 s4, s0;
	s1 =	sshll.u32 s1, $0x11  }
0xcb: {  	s0 =	sor.u32 s1, s0  }
0xcc: {  	s0 =	sadd.s32 $0x8F2B, s0  }
0xcd: {  	[sflag:s0] =	ssyncadd.remote.s32 $0x1  }
0xce: {  	_ =	sfence.sel $0xFFFF  }
0xcf: {  	[dreg:$0x0] =	wrdreg $0xFFFFFFFF;
	(pc) =	sbr.abs _section_cstart, $3  }
0xd0: {  	[dreg:$0x1] =	wrdreg $0xFFFFFFFF  }
0xd1: {  	_ =	task.clear_ibuf [dreg:s22], $0x2FFFF;
	_ =	strace $0x9FFFFFFF  }
0xd2: {  	(tm) =	ssettm $0x7FFFFFFF  }
0xd3: {  	_ =	shalt  }
tec
execute0_lowered:
.L_overlay_start_1:
0x0: {  	(tag) =	ssettag $0x1  }
0x1: {  	s6 =	rddreg [dreg:$0x0]  }
0x2: {  	s1 =	rddreg [dreg:$0x1];
	s4 =	srdreg.scid  }
0x3: {  	s2 =	rddreg [dreg:$0x2];
	s7 =	sand.u32 $0x1, s4  }
0x4: {  	s4 =	stileid.u32;
	s5 =	smul.u32 $0x30E00, s7  }
0x5: {  	s0 =	rddreg [dreg:$0x3];
	s3 =	simm.s32 $0x0;
	s10 =	smul.u32 $0x18700, s4  }
0x6: {  	[smem:$0x7FF] =	sst s3;
	s11 =	smul.u32 $0x61C00, s4  }
0x7: {  	_ =	strace $0x8000004A;
	s8 =	ssub.s32 $0x2, s7;
	s12 =	smul.u32 $0x18800, s7  }
0x8: {  	s26 =	sshll.u32 s4, $0x6;
	s29 =	smul.u32 $0x1880, s4;
	s25 =	sshrl.u32 s8, $0x1  }
0x9: {  	s9 =	sadd.s32 s5, s6;
	s8 =	ssub.s32 s8, s25;
	s5 =	sor.u32 $0x1C11, s26  }
0xa: {  	s6 =	sadd.s32 $0x37400, s6;
	s28 =	sshrl.u32 s11, $0x2;
	s14 =	sshrl.u32 s10, $0x3  }
0xb: {  	s15 =	sadd.s32 s10, s2;
	s10 =	simm.s32 $0x11;
	s13 =	sadd.s32 $0xCA000, s9  }
0xc: {  	s30 =	sadd.s32 s28, s2;
	s7 =	smax.u32 s8, $0x1;
	s8 =	sadd.s32 s29, s12  }
0xd: {  	s31 =	sadd.s32 $0xC380, s30;
	s9 =	sshrl.u32 s30, $0x3;
	s12 =	sadd.s32 s14, s13  }
0xe: {  	v0 =	vimm.f32 $1.000000000e+00;
	s13 =	sshrl.u32 s15, $0x3;
	s14 =	simm.s32 $0x0;
	s11 =	sshrl.u32 s31, $0x3  }
.LBB2_1:
0xf: {  	s15 =	simm.s32 $0x40;
	s16 =	simm.s32 $0x0  }
.LBB2_2:
0x10: {  	p0 =	sne.s32 s15, $0x1FC0;
	[tilespmem:s16+$0x18700] =	vst v0;
	s16 =	smov.u32 s15;
	s15 =	sadd.s32 $0x40, s15  }
.Ltmp0:
0x11: {  	(pc) =	sbr.rel @p0 .LBB2_2-.Ltmp0, $2  }
0x12: {  	_ =	sdelay $0x2  }
0x13: {  	s16 =	sshra.s32 s16, $0x2  }
0x14: {  	[tilespmem:s16+$0x18700] =	vst v0  }
0x15: {  	[spmem:s9], [sflag:s5] =	dma.local [hbm:s1], $0x1870  }
0x16: {  	_ =	swait.ge [sflag:s10], $0x1870  }
0x17: {  	[sflag:s10] =	ssyncset.done $0x0  }
0x18: {  	[sflag:s10] =	ssyncadd.s32 $0xFFFFE790  }
0x19: {  	[spmem:s11], [sflag:s5] =	dma.local [hbm:s1], $0x1870  }
0x1a: {  	_ =	swait.ge [sflag:s10], $0x1870  }
0x1b: {  	[sflag:s10] =	ssyncset.done $0x0  }
0x1c: {  	[sflag:s10] =	ssyncadd.s32 $0xFFFFE790  }
0x1d: {  	s15 =	simm.s32 $0x0;
	s16 =	smov.u32 s8;
	[bflag:$0x0] =	sbarrier.arrive $0xFFFF  }
.LBB2_4:
0x1e: {  	s17 =	sand.u32 $0x7, s15;
	p0 =	slt.u32 s15, $0x8  }
0x1f: {  	s18 =	sadd.s32 @!p0 $0x9, s17  }
0x20: {  	p1 =	sgt.u32 @!p0 s15, $0x187;
	_ =	swait.ge @!p0 [sflag:s18], $0x800  }
0x21: {  	p1 =	por p0, !p1;
	[sflag:s18] =	ssyncset.done @!p0 $0x0  }
0x22: {  	[sflag:s18] =	ssyncadd.s32 @!p0 $0xFFFFF800;
	s18 =	sshll.u32 @p1 s17, $0x7  }
0x23: {  	s19 =	sadd.s32 @p1 s16, s6;
	s17 =	sadd.s32 @p1 $0x1, s17;
	s18 =	sadd.s32 @p1 $0x18F00, s18  }
0x24: {  	[tilespmem:s18], [sflag:s17] =	stream.linear.gather @p1 [hbm4b:s19+s3], $0x80, $0x38;
	[tilespmem:$0x19300] =	vst v63  }
0x25: {  	s17 =	sadd.s32 $0xFFFFFFFC, s15  }
0x26: {  	p0 =	sgt.u32 s17, $0x187  }
0x27: {  	s17 =	sand.u32 @!p0 $0x7, s17  }
0x28: {  	s18 =	sadd.s32 @!p0 $0x1, s17  }
0x29: {  	s15 =	sadd.s32 $0x1, s15;
	s20 =	simm.s32 @!p0 $0x18700;
	_ =	swait.ge @!p0 [sflag:s18], $0x80  }
0x2a: {  	s19 =	sshll.u32 @!p0 s17, $0x7;
	s17 =	sadd.s32 @!p0 $0x9, s17;
	[sflag:s18] =	ssyncset.done @!p0 $0x0  }
0x2b: {  	s19 =	sadd.s32 @!p0 $0x18F00, s19;
	[sflag:s18] =	ssyncadd.s32 @!p0 $0xFFFFFF80;
	s18 =	simm.s32 @!p0 $0x80  }
0x2c: {  	[spmem:s2] =	stream.indirect.scatter.add.f32 @!p0 [tilespmem:s20], [sflag:s17], $0x10, s19, s18, $0xb8;
	[tilespmem:$0x19300] =	vst v63  }
0x2d: {  	p0 =	sne.s32 s15, $0x190  }
.Ltmp1:
0x2e: {  	_ = 	snop;
	(pc) =	sbr.rel @p0 .LBB2_4-.Ltmp1, $2  }
0x2f: {  	_ =	sdelay $0x2  }
0x30: {  	s16 =	sadd.s32 $0x10, s16  }
0x31: {  	s14 =	sadd.s32 $0x1, s14  }
0x32: {  	p0 =	sne.s32 s14, s7  }
.Ltmp2:
0x33: {  	[bflag:$0x0] =	sbarrier.arrive $0xFFFF;
	(pc) =	sbr.rel @p0 .LBB2_1-.Ltmp2, $4  }
0x34: {  	[hbm:s12], [sflag:s5] =	dma.local [spmem:s13], $0x30E0  }
0x35: {  	_ =	swait.ge [sflag:s10], $0x30E0  }
0x36: {  	[sflag:s10] =	ssyncset.done $0x0  }
0x37: {  	[sflag:s10] =	ssyncadd.s32 $0xFFFFCF20  }
0x38: {  	_ =	sfence.sel $0x180000  }
0x39: {  	[bflag:$0x0] =	sbarrier.arrive $0xFFFF  }
0x3a: {  	p0 =	sne.s32 s4, $0x0;
	_ =	strace $0x9000004A  }
0x3b: {  	s0 =	sadd.s32 @!p0 $0x100000, s0;
	[bflag:$0x2] =	sbarrier.arrive $0xFFFF  }
0x3c: {  	[sflag:s0] =	ssyncadd.tile.s32 @!p0 $0x1;
	_ =	shalt  }
.Lfunc_end2:
_tile_overlayer_lowered:
.L_overlay_start_2:
0x3d: {  	(tag) =	ssettag $0x2  }
0x3e: {  	s0 =	rddreg [dreg:$0x0];
	s2 =	stileid.u32  }
0x3f: {  	s1 =	rddreg [dreg:$0x1];
	p0 =	sne.s32 s2, $0x0  }
0x40: {  	s3 =	rddreg [dreg:$0x2];
	[bflag:$0x3] =	sbarrier.arrive $0xFFFF;
	s2 =	simm.s32 @!p0 $0x1C11  }
0x41: {  	[timem:s3], [sflag:s2] =	dma.local @!p0 [hbm:s0], s1  }
0x42: {  	s0 =	simm.s32 @!p0 $0x11  }
0x43: {  	_ =	swait.ge @!p0 [sflag:s0], s1  }
0x44: {  	s1 =	ssub.s32 @!p0 $0x0, s1;
	[sflag:s0] =	ssyncset.done @!p0 $0x0  }
0x45: {  	[sflag:s0] =	ssyncadd.s32 @!p0 s1  }
0x46: {  	[bflag:$0x3] =	sbarrier.arrive $0xFFFF  }
0x47: {  	_ =	shalt  }

// kernel: kernel.13.cloned.1.call-start
scs
__scs_entry_jumppad:
0x0: {  	(pc) =	sbr.rel $0x88, $3  }
0x1: {  	(tag) =	ssettag $0x0;
	lr =	simm.s32 $0x1  }
0x2: {  	[smem:$0x3F8F] =	sst lr;
	_ =	strace $0xD0000000  }
0x3: {  	_ = 	snop  }
0x4: {  	_ = 	snop  }
0x5: {  	_ = 	snop  }
0x6: {  	_ = 	snop  }
0x7: {  	_ = 	snop  }
__scs_overlays_trampoline_lowered:
0x8: {  	[smem:$0x3F9E] =	sst s0  }
0x9: {  	[smem:$0x3F9F] =	sst s1  }
0xa: {  	[smem:$0x3FA0] =	sst s2  }
0xb: {  	[smem:$0x3FA1] =	sst s3  }
0xc: {  	[smem:$0x3FA2] =	sst s4  }
0xd: {  	[smem:$0x3FA3] =	sst s5  }
0xe: {  	[smem:$0x3FA4] =	sst s6  }
0xf: {  	[smem:$0x3FA5] =	sst s7  }
0x10: {  	[smem:$0x3FA6] =	sst s8  }
0x11: {  	[smem:$0x3FA7] =	sst s9;
	s0 =	simm.s32 @!p0 $0x0  }
0x12: {  	s1 =	sld [smem:$0x3F8D];
	s0 =	simm.s32 @p0 $0x1  }
0x13: {  	[smem:$0x3FA8] =	sst s0;
	s0 =	simm.s32 @!p1 $0x0  }
0x14: {  	s2 =	sld [smem:$0x3F8C];
	s0 =	simm.s32 @p1 $0x1  }
0x15: {  	[smem:$0x3FA9] =	sst s0;
	s0 =	simm.s32 @!p2 $0x0  }
0x16: {  	s3 =	sld [smem:$0x3FDB];
	s0 =	simm.s32 @p2 $0x1  }
0x17: {  	s4 =	simm.s32 $0x1BF5;
	[smem:$0x3FAB] =	sst s0  }
0x18: {  	s0 =	sld [smem:$0x3F8E];
	_ =	swait.ge [sflag:s4], $0x0  }
0x19: {  	s7 =	sld [smem:$0x3F8F]  }
0x1a: {  	s8 =	sadd.s32 $0xFFFFE003, lr  }
0x1b: {  	s9 =	sadd.s32 $0xFFFFFEF7, lr;
	s5 =	simm.s32 $0xFFFFFFFF;
	p2 =	slt.u32 s8, $0xFFFFF086  }
0x1c: {  	p1 =	slt.u32 s9, $0xF7A;
	s5 =	simm.s32 @!p2 $0x0  }
0x1d: {  	s5 =	simm.s32 @p1 $0x1;
	p0 =	seq.s32 s7, s2  }
0x1e: {  	s7 =	smul.u32 @!p0 $0xF7A, s2;
	p2 =	seq.s32 @!p0 s5, $0x0  }
0x1f: {  	s9 =	smul.u32 $0xF7A, s1;
	s8 =	simm.s32 @!p0 $0x1BF5;
	p2 =	por !p2, p0  }
0x20: {  	[sflag:s8] =	ssyncset.s32 @!p0 $0xFFFFF086;
	s6 =	sadd.s32 @!p0 s3, s7;
	s7 =	simm.s32 @!p0 $0x108  }
0x21: {  	s3 =	sadd.s32 s3, s9;
	s6 =	sadd.s32 @!p0 $0x88, s6;
	s7 =	simm.s32 @p2 $0x1082  }
0x22: {  	[simem:s7], [sflag:s8] =	dma.local @!p0 [hbm:s6], $0xF7A  }
0x23: {  	s9 =	sor.u32 $0xD0000000, s2;
	s6 =	simm.s32 $0x108;
	_ =	swait.ge @!p0 [sflag:s8], $0x0  }
0x24: {  	s3 =	sadd.s32 $0x88, s3;
	s6 =	simm.s32 @!p1 $0x1082;
	[sflag:s4] =	ssyncset.s32 $0xFFFFF086  }
0x25: {  	[simem:s6], [sflag:s4] =	dma.local [hbm:s3], $0xF7A  }
0x26: {  	[smem:$0x3F8F] =	sst s1;
	(tag) =	ssettag s2;
	_ =	strace s9  }
0x27: {  	s1 =	sld [smem:$0x3F9F]  }
0x28: {  	s2 =	sld [smem:$0x3FA0]  }
0x29: {  	s4 =	sld [smem:$0x3FA2]  }
0x2a: {  	p0 =	seq.s32 s5, $0x0;
	s5 =	sld [smem:$0x3FA3]  }
0x2b: {  	s6 =	sld [smem:$0x3FA4]  }
0x2c: {  	s7 =	sld [smem:$0x3FA5]  }
0x2d: {  	s3 =	simm.s32 $0x108;
	s8 =	sld [smem:$0x3FA6]  }
0x2e: {  	s3 =	simm.s32 @!p0 $0x1082;
	s9 =	sld [smem:$0x3FA7]  }
0x2f: {  	lr =	sadd.s32 s0, s3;
	s0 =	sld [smem:$0x3F9E]  }
0x30: {  	s3 =	sld [smem:$0x3FA1]  }
0x31: {  	[smem:$0x3FAA] =	sst s10  }
0x32: {  	s10 =	sld [smem:$0x3FA8];
	_ =	sdelay $0x3  }
0x33: {  	p0 =	seq.s32 s10, $0x1;
	s10 =	sld [smem:$0x3FAA];
	_ =	sdelay $0x3  }
0x34: {  	[smem:$0x3FAA] =	sst s10  }
0x35: {  	s10 =	sld [smem:$0x3FA9];
	_ =	sdelay $0x3  }
0x36: {  	p1 =	seq.s32 s10, $0x1;
	s10 =	sld [smem:$0x3FAA];
	_ =	sdelay $0x3  }
0x37: {  	[smem:$0x3FAA] =	sst s10  }
0x38: {  	s10 =	sld [smem:$0x3FAB]  }
0x39: {  	_ = 	snop;
	(pc) =	sbr.ind lr, $3  }
0x3a: {  	_ = 	snop  }
0x3b: {  	_ = 	snop  }
0x3c: {  	p2 =	seq.s32 s10, $0x1;
	s10 =	sld [smem:$0x3FAA]  }
0x3d: {  	_ =	shalt  }
0x3e: {  	_ =	shalt  }
0x3f: {  	_ =	shalt  }
0x40: {  	_ =	shalt  }
0x41: {  	_ =	shalt  }
0x42: {  	_ =	shalt  }
0x43: {  	_ =	shalt  }
0x44: {  	_ =	shalt  }
0x45: {  	_ =	shalt  }
0x46: {  	_ =	shalt  }
0x47: {  	_ =	shalt  }
0x48: {  	_ =	shalt  }
0x49: {  	_ =	shalt  }
0x4a: {  	_ =	shalt  }
0x4b: {  	_ =	shalt  }
0x4c: {  	_ =	shalt  }
0x4d: {  	_ =	shalt  }
0x4e: {  	_ =	shalt  }
0x4f: {  	_ =	shalt  }
0x50: {  	_ =	shalt  }
0x51: {  	_ =	shalt  }
0x52: {  	_ =	shalt  }
0x53: {  	_ =	shalt  }
0x54: {  	_ =	shalt  }
0x55: {  	_ =	shalt  }
0x56: {  	_ =	shalt  }
0x57: {  	_ =	shalt  }
0x58: {  	_ =	shalt  }
0x59: {  	_ =	shalt  }
0x5a: {  	_ =	shalt  }
0x5b: {  	_ =	shalt  }
0x5c: {  	_ =	shalt  }
0x5d: {  	_ =	shalt  }
0x5e: {  	_ =	shalt  }
0x5f: {  	_ =	shalt  }
0x60: {  	_ =	shalt  }
0x61: {  	_ =	shalt  }
0x62: {  	_ =	shalt  }
0x63: {  	_ =	shalt  }
0x64: {  	_ =	shalt  }
0x65: {  	_ =	shalt  }
0x66: {  	_ =	shalt  }
0x67: {  	_ =	shalt  }
0x68: {  	_ =	shalt  }
0x69: {  	_ =	shalt  }
0x6a: {  	_ =	shalt  }
0x6b: {  	_ =	shalt  }
0x6c: {  	_ =	shalt  }
0x6d: {  	_ =	shalt  }
0x6e: {  	_ =	shalt  }
0x6f: {  	_ =	shalt  }
0x70: {  	_ =	shalt  }
0x71: {  	_ =	shalt  }
0x72: {  	_ =	shalt  }
0x73: {  	_ =	shalt  }
0x74: {  	_ =	shalt  }
0x75: {  	_ =	shalt  }
0x76: {  	_ =	shalt  }
0x77: {  	_ =	shalt  }
0x78: {  	_ =	shalt  }
0x79: {  	_ =	shalt  }
0x7a: {  	_ =	shalt  }
0x7b: {  	_ =	shalt  }
0x7c: {  	_ =	shalt  }
0x7d: {  	_ =	shalt  }
0x7e: {  	_ =	shalt  }
0x7f: {  	_ =	shalt  }
0x80: {  	_ =	shalt  }
0x81: {  	_ =	shalt  }
0x82: {  	_ =	shalt  }
0x83: {  	_ =	shalt  }
0x84: {  	_ =	shalt  }
0x85: {  	_ =	shalt  }
0x86: {  	_ =	shalt  }
0x87: {  	_ =	shalt  }
.Lfunc_end0:
.L_simem_size_0:
called_computation.1_lowered:
.L_overlay_start_0:
0x88: {  	s2 =	sld [smem:$0x3FD9]  }
0x89: {  	s3 =	sld [smem:$0x3FFE];
	_ =	sdelay $0x1  }
0x8a: {  	s1 =	srdreg.scid  }
0x8b: {  	s0 =	sand.u32 $0x1, s1  }
0x8c: {  	s17 =	sshll.u32 s0, $0xA;
	s2 =	sadd.s32 s3, s2  }
0x8d: {  	s2 =	sadd.s32 s2, s17  }
0x8e: {  	[smem:$0x3FB6] =	sst s2  }
0x8f: {  	_ = 	snop  }
0x90: {  	s2 =	sld [smem:$0x3FD0];
	(tm) =	ssettm $0x1  }
0x91: {  	s18 =	sld [smem:$0x3FFB];
	_ =	sdelay $0x3  }
0x92: {  	_ =	strace s18  }
0x93: {  	s3 =	sld [smem:$0x3FFC];
	_ =	sdelay $0x3  }
0x94: {  	_ =	strace s3  }
0x95: {  	s3 =	sld [smem:$0x3FFD];
	_ =	sdelay $0x3  }
0x96: {  	_ =	strace s3  }
0x97: {  	_ =	strace $0x8FFFFFFF  }
0x98: {  	s19 =	sld [smem:$0x3FDB];
	_ =	sdelay $0x1  }
0x99: {  	s4 =	simm.s32 $_scs_section_size  }
0x9a: {  	s5 =	simm.s32 $_size__tile_overlayer_lowered;
	s6 =	simm.s32 $_tile_overlayer_lowered  }
0x9b: {  	s22 =	simm.s32 $0x1BFF;
	s21 =	sshll.u32 s6, $0x1;
	s3 =	sadd.s32 s4, s19  }
0x9c: {  	s7 =	simm.s32 $0x0;
	s20 =	sshll.u32 s5, $0x1;
	s5 =	sadd.s32 s21, s3  }
0x9d: {  	[timem:s7], [sflag:s22] =	dma.local [hbm:s5], s20  }
0x9e: {  	_ =	swait.ge [sflag:s22], s20  }
0x9f: {  	s4 =	ssub.s32 $0x0, s20;
	[sflag:s22] =	ssyncset.done $0x0  }
0xa0: {  	[sflag:s22] =	ssyncadd.s32 s4;
	_ =	sdelay $0x1  }
0xa1: {  	s23 =	simm.s32 $0x1B8B  }
0xa2: {  	_ =	swait.ge [sflag:s23], $0x1  }
0xa3: {  	[sflag:s23] =	ssyncset.done $0x0  }
0xa4: {  	s25 =	simm.s32 $0x1B8E;
	s24 =	sld [smem:$0x3FFE];
	[sflag:s23] =	ssyncadd.s32 $0xFFFFFFFF  }
0xa5: {  	s26 =	simm.s32 $execute0_lowered;
	[smem:$0x3FD2] =	sst s25  }
0xa6: {  	s5 =	sshll.u32 s26, $0x1;
	_ =	strace $0x80000046;
	[dreg:$0x1] =	wrdreg $0xFFFFFFFF  }
0xa7: {  	s28 =	simm.s32 $_size_execute0_lowered;
	s3 =	sadd.s32 s3, s5;
	[dreg:$0x0] =	wrdreg $0x0  }
0xa8: {  	s5 =	sshll.u32 s28, $0x1;
	[dreg:$0x2] =	wrdreg s3  }
0xa9: {  	[dreg:$0x3] =	wrdreg s5  }
0xaa: {  	[dreg:$0x4] =	wrdreg $0xC0  }
0xab: {  	_ =	task [dreg:s7], $0x5FFFF  }
0xac: {  	[dreg:$0x1] =	wrdreg $0xFFFFFFFF  }
0xad: {  	[dreg:$0x0] =	wrdreg $0x60  }
0xae: {  	[dreg:$0x2] =	wrdreg s24  }
0xaf: {  	[dreg:$0x3] =	wrdreg s2  }
0xb0: {  	[dreg:$0x4] =	wrdreg $0x0  }
0xb1: {  	[dreg:$0x5] =	wrdreg $0xA  }
0xb2: {  	_ =	task.clear_ibuf [dreg:s7], $0x6FFFF;
	_ =	strace $0x90000046  }
0xb3: {  	s29 =	simm.s32 $0xA;
	_ =	strace $0x80000048  }
0xb4: {  	_ =	swait.ge [sflag:s29], $0x1  }
0xb5: {  	[sflag:s29] =	ssyncadd.s32 $0xFFFFFFFF  }
0xb6: {  	_ =	strace $0x90000048  }
0xb7: {  	_ =	sfence  }
0xb8: {  	s30 =	sld [smem:$0x0];
	_ =	sdelay $0x2  }
0xb9: {  	s31 =	sshll.u32 s1, $0xD;
	s1 =	sshrl.u32 s1, $0x2  }
0xba: {  	s3 =	sand.u32 $0x4000, s31;
	s1 =	sadd.s32 s1, s30  }
0xbb: {  	s0 =	sor.u32 s3, s0;
	s1 =	sshll.u32 s1, $0x11  }
0xbc: {  	s0 =	sor.u32 s1, s0  }
0xbd: {  	s0 =	sadd.s32 $0x8F2B, s0  }
0xbe: {  	[sflag:s0] =	ssyncadd.remote.s32 $0x1  }
0xbf: {  	_ =	sfence.sel $0xFFFF  }
0xc0: {  	[dreg:$0x0] =	wrdreg $0xFFFFFFFF;
	(pc) =	sbr.abs _section_cstart, $3  }
0xc1: {  	[dreg:$0x1] =	wrdreg $0xFFFFFFFF  }
0xc2: {  	_ =	task.clear_ibuf [dreg:s7], $0x2FFFF;
	_ =	strace $0x9FFFFFFF  }
0xc3: {  	(tm) =	ssettm $0x7FFFFFFF  }
tec
execute0_lowered:
.L_overlay_start_1:
0x0: {  	(tag) =	ssettag $0x1  }
0x1: {  	s7 =	rddreg [dreg:$0x0]  }
0x2: {  	s1 =	rddreg [dreg:$0x1]  }
0x3: {  	s2 =	rddreg [dreg:$0x2]  }
0x4: {  	s4 =	srdreg.scid;
	s0 =	rddreg [dreg:$0x3];
	s3 =	simm.s32 $0x0  }
0x5: {  	s4 =	sand.u32 $0x1, s4;
	[smem:$0x7FF] =	sst s3;
	s5 =	sadd.s32 $0x6400, s7  }
0x6: {  	s6 =	smul.u32 $0x30E00, s4;
	s8 =	ssub.s32 $0x2, s4;
	s4 =	stileid.u32  }
0x7: {  	_ =	strace $0x80000047;
	s29 =	sshrl.u32 s8, $0x1;
	s11 =	smul.u32 $0x61C00, s4  }
0x8: {  	s30 =	sshll.u32 s4, $0x6;
	s12 =	smul.u32 $0x18700, s4;
	s9 =	sadd.s32 s6, s7  }
0x9: {  	s10 =	ssub.s32 s8, s29;
	s6 =	sor.u32 $0x1C1F, s30;
	s7 =	sadd.s32 $0x37400, s7  }
0xa: {  	s8 =	sadd.s32 $0x314400, s9;
	s14 =	sadd.s32 $0x68400, s9;
	s31 =	sshrl.u32 s11, $0x2  }
0xb: {  	s15 =	sshrl.u32 s12, $0x3;
	s16 =	sadd.s32 s12, s2;
	s9 =	smax.u32 s10, $0x1  }
0xc: {  	s10 =	smul.u32 $0x3100, s4;
	s12 =	simm.s32 $0x1F;
	s11 =	sadd.s32 s31, s2  }
0xd: {  	s14 =	sadd.s32 s15, s14;
	s15 =	sshrl.u32 s16, $0x3;
	s13 =	sadd.s32 $0xC380, s11  }
0xe: {  	s16 =	simm.s32 $0x0;
	s11 =	sshrl.u32 s11, $0x3;
	s13 =	sshrl.u32 s13, $0x3  }
.LBB2_1:
0xf: {  	[spmem:s11], [sflag:s6] =	dma.local [hbm:s1], $0x1870  }
0x10: {  	_ =	swait.ge [sflag:s12], $0x1870  }
0x11: {  	[sflag:s12] =	ssyncset.done $0x0  }
0x12: {  	[sflag:s12] =	ssyncadd.s32 $0xFFFFE790  }
0x13: {  	[spmem:s13], [sflag:s6] =	dma.local [hbm:s1], $0x1870  }
0x14: {  	_ =	swait.ge [sflag:s12], $0x1870  }
0x15: {  	[sflag:s12] =	ssyncset.done $0x0  }
0x16: {  	[sflag:s12] =	ssyncadd.s32 $0xFFFFE790  }
0x17: {  	s17 =	smov.u32 s10;
	s18 =	simm.s32 $0x0;
	[bflag:$0x0] =	sbarrier.arrive $0xFFFF  }
.LBB2_2:
0x18: {  	s19 =	smul.u32 $0xCCCD, s18;
	_ =	sdelay $0x1  }
0x19: {  	s19 =	sshrl.u32 s19, $0x13  }
0x1a: {  	s19 =	smul.u32 $0xA, s19;
	_ =	sdelay $0x1  }
0x1b: {  	s19 =	ssub.s32 s18, s19  }
0x1c: {  	p0 =	slt.u32 s18, $0xA;
	s19 =	sand.u32 $0xFFFF, s19  }
0x1d: {  	s20 =	sadd.s32 @!p0 $0x15, s19  }
0x1e: {  	p1 =	sgt.u32 @!p0 s18, $0x30F;
	_ =	swait.ge @!p0 [sflag:s20], $0x800  }
0x1f: {  	p1 =	por p0, !p1;
	[sflag:s20] =	ssyncset.done @!p0 $0x0  }
0x20: {  	[sflag:s20] =	ssyncadd.s32 @!p0 $0xFFFFF800;
	s20 =	sshll.u32 @p1 s19, $0x7  }
0x21: {  	s22 =	sadd.s32 @p1 s17, s5;
	s19 =	sadd.s32 @p1 $0x1, s19;
	s21 =	sadd.s32 @p1 $0x1D700, s20  }
0x22: {  	[tilespmem:s21], [sflag:s19] =	stream.linear.gather @p1 [hbm4b:s22+s3], $0x80, $0x38;
	[tilespmem:$0x1E100] =	vst v63  }
0x23: {  	s20 =	sadd.s32 @p1 $0x1DC00, s20;
	s21 =	sadd.s32 @p1 s17, s7  }
0x24: {  	[tilespmem:s20], [sflag:s19] =	stream.linear.gather @p1 [hbm4b:s21+s3], $0x80, $0x38;
	[tilespmem:$0x1E100] =	vst v63  }
0x25: {  	s19 =	sadd.s32 $0xFFFFFFFD, s18  }
0x26: {  	p1 =	sgt.u32 s19, $0x30F  }
0x27: {  	s20 =	smul.u32 @!p1 $0xCCCD, s19;
	_ =	sdelay $0x1  }
0x28: {  	s20 =	sshrl.u32 @!p1 s20, $0x13  }
0x29: {  	s20 =	smul.u32 @!p1 $0xA, s20;
	_ =	sdelay $0x1  }
0x2a: {  	s19 =	ssub.s32 @!p1 s19, s20  }
0x2b: {  	s19 =	sand.u32 @!p1 $0xFFFF, s19  }
0x2c: {  	s21 =	sadd.s32 $0xFFFFFFFA, s18;
	s20 =	sadd.s32 @!p1 $0x1, s19  }
0x2d: {  	p0 =	sgt.u32 s21, $0x30F;
	_ =	swait.ge @!p1 [sflag:s20], $0x80  }
0x2e: {  	s22 =	smul.u32 @!p0 $0xCCCD, s21;
	[sflag:s20] =	ssyncset.done @!p1 $0x0  }
0x2f: {  	[sflag:s20] =	ssyncadd.s32 @!p1 $0xFFFFFF80  }
0x30: {  	s22 =	sshrl.u32 @!p0 s22, $0x13;
	_ =	swait.ge @!p1 [sflag:s20], $0x80  }
0x31: {  	s24 =	simm.s32 @!p1 $0x80;
	s22 =	smul.u32 @!p0 $0xA, s22;
	[sflag:s20] =	ssyncset.done @!p1 $0x0  }
0x32: {  	s23 =	sshll.u32 @!p1 s19, $0x7;
	[sflag:s20] =	ssyncadd.s32 @!p1 $0xFFFFFF80;
	s20 =	sshll.u32 @!p1 s19, $0xB  }
0x33: {  	s23 =	sadd.s32 @!p1 $0x1D700, s23;
	s19 =	sadd.s32 @!p1 $0xB, s19;
	s20 =	sor.u32 @!p1 $0x18700, s20  }
0x34: {  	[tilespmem:s20], [sflag:s19] =	stream.indirect.gather @!p1 [hbm4b:s8+s24], $0x10, s23, s24, $0xb8;
	[tilespmem:$0x1E100] =	vst v63  }
0x35: {  	s19 =	ssub.s32 @!p0 s21, s22  }
0x36: {  	s19 =	sand.u32 @!p0 $0xFFFF, s19  }
0x37: {  	s20 =	sadd.s32 @!p0 $0xB, s19  }
0x38: {  	_ =	swait.ge @!p0 [sflag:s20], $0x800  }
0x39: {  	s18 =	sadd.s32 $0x1, s18;
	s22 =	simm.s32 @!p0 $0x80;
	[sflag:s20] =	ssyncset.done @!p0 $0x0  }
0x3a: {  	s21 =	sshll.u32 @!p0 s19, $0xB;
	[sflag:s20] =	ssyncadd.s32 @!p0 $0xFFFFF800;
	s20 =	sshll.u32 @!p0 s19, $0x7  }
0x3b: {  	s21 =	sor.u32 @!p0 $0x18700, s21;
	s19 =	sadd.s32 @!p0 $0x15, s19;
	s20 =	sadd.s32 @!p0 $0x1DC00, s20  }
0x3c: {  	[spmem:s2] =	stream.indirect.scatter.add.f32 @!p0 [tilespmem:s21], [sflag:s19], $0x10, s20, s22, $0xb8;
	[tilespmem:$0x1E100] =	vst v63  }
0x3d: {  	p0 =	sne.s32 s18, $0x31A  }
.Ltmp0:
0x3e: {  	_ = 	snop;
	(pc) =	sbr.rel @p0 .LBB2_2-.Ltmp0, $2  }
0x3f: {  	_ =	sdelay $0x2  }
0x40: {  	s17 =	sadd.s32 $0x10, s17  }
0x41: {  	s16 =	sadd.s32 $0x1, s16  }
0x42: {  	p0 =	sne.s32 s16, s9  }
.Ltmp1:
0x43: {  	[bflag:$0x0] =	sbarrier.arrive $0xFFFF;
	(pc) =	sbr.rel @p0 .LBB2_1-.Ltmp1, $4  }
0x44: {  	[hbm:s14], [sflag:s6] =	dma.local [spmem:s15], $0x30E0  }
0x45: {  	_ =	swait.ge [sflag:s12], $0x30E0  }
0x46: {  	[sflag:s12] =	ssyncset.done $0x0  }
0x47: {  	[sflag:s12] =	ssyncadd.s32 $0xFFFFCF20  }
0x48: {  	_ =	sfence.sel $0x180000  }
0x49: {  	[bflag:$0x0] =	sbarrier.arrive $0xFFFF  }
0x4a: {  	p0 =	sne.s32 s4, $0x0;
	_ =	strace $0x90000047  }
0x4b: {  	s0 =	sadd.s32 @!p0 $0x100000, s0;
	[bflag:$0x2] =	sbarrier.arrive $0xFFFF  }
0x4c: {  	[sflag:s0] =	ssyncadd.tile.s32 @!p0 $0x1;
	_ =	shalt  }
.Lfunc_end2:
_tile_overlayer_lowered:
.L_overlay_start_2:
0x4d: {  	(tag) =	ssettag $0x2  }
0x4e: {  	s0 =	rddreg [dreg:$0x0];
	s2 =	stileid.u32  }
0x4f: {  	s1 =	rddreg [dreg:$0x1];
	p0 =	sne.s32 s2, $0x0  }
0x50: {  	s3 =	rddreg [dreg:$0x2];
	[bflag:$0x3] =	sbarrier.arrive $0xFFFF;
	s2 =	simm.s32 @!p0 $0x1C1F  }
0x51: {  	[timem:s3], [sflag:s2] =	dma.local @!p0 [hbm:s0], s1  }
0x52: {  	s0 =	simm.s32 @!p0 $0x1F  }
0x53: {  	_ =	swait.ge @!p0 [sflag:s0], s1  }
0x54: {  	s1 =	ssub.s32 @!p0 $0x0, s1;
	[sflag:s0] =	ssyncset.done @!p0 $0x0  }
0x55: {  	[sflag:s0] =	ssyncadd.s32 @!p0 s1  }
0x56: {  	[bflag:$0x3] =	sbarrier.arrive $0xFFFF  }
0x57: {  	_ =	shalt  }

// kernel: kernel.16.cloned.1.call-start
scs
__scs_entry_jumppad:
0x0: {  	(pc) =	sbr.rel $0x88, $3  }
0x1: {  	(tag) =	ssettag $0x0;
	lr =	simm.s32 $0x1  }
0x2: {  	[smem:$0x3F8F] =	sst lr;
	_ =	strace $0xD0000000  }
0x3: {  	_ = 	snop  }
0x4: {  	_ = 	snop  }
0x5: {  	_ = 	snop  }
0x6: {  	_ = 	snop  }
0x7: {  	_ = 	snop  }
__scs_overlays_trampoline_lowered:
0x8: {  	[smem:$0x3F9E] =	sst s0  }
0x9: {  	[smem:$0x3F9F] =	sst s1  }
0xa: {  	[smem:$0x3FA0] =	sst s2  }
0xb: {  	[smem:$0x3FA1] =	sst s3  }
0xc: {  	[smem:$0x3FA2] =	sst s4  }
0xd: {  	[smem:$0x3FA3] =	sst s5  }
0xe: {  	[smem:$0x3FA4] =	sst s6  }
0xf: {  	[smem:$0x3FA5] =	sst s7  }
0x10: {  	[smem:$0x3FA6] =	sst s8  }
0x11: {  	[smem:$0x3FA7] =	sst s9;
	s0 =	simm.s32 @!p0 $0x0  }
0x12: {  	s1 =	sld [smem:$0x3F8D];
	s0 =	simm.s32 @p0 $0x1  }
0x13: {  	[smem:$0x3FA8] =	sst s0;
	s0 =	simm.s32 @!p1 $0x0  }
0x14: {  	s2 =	sld [smem:$0x3F8C];
	s0 =	simm.s32 @p1 $0x1  }
0x15: {  	[smem:$0x3FA9] =	sst s0;
	s0 =	simm.s32 @!p2 $0x0  }
0x16: {  	s3 =	sld [smem:$0x3FDB];
	s0 =	simm.s32 @p2 $0x1  }
0x17: {  	s4 =	simm.s32 $0x1BF5;
	[smem:$0x3FAB] =	sst s0  }
0x18: {  	s0 =	sld [smem:$0x3F8E];
	_ =	swait.ge [sflag:s4], $0x0  }
0x19: {  	s7 =	sld [smem:$0x3F8F]  }
0x1a: {  	s8 =	sadd.s32 $0xFFFFE003, lr  }
0x1b: {  	s9 =	sadd.s32 $0xFFFFFEF7, lr;
	s5 =	simm.s32 $0xFFFFFFFF;
	p2 =	slt.u32 s8, $0xFFFFF086  }
0x1c: {  	p1 =	slt.u32 s9, $0xF7A;
	s5 =	simm.s32 @!p2 $0x0  }
0x1d: {  	s5 =	simm.s32 @p1 $0x1;
	p0 =	seq.s32 s7, s2  }
0x1e: {  	s7 =	smul.u32 @!p0 $0xF7A, s2;
	p2 =	seq.s32 @!p0 s5, $0x0  }
0x1f: {  	s9 =	smul.u32 $0xF7A, s1;
	s8 =	simm.s32 @!p0 $0x1BF5;
	p2 =	por !p2, p0  }
0x20: {  	[sflag:s8] =	ssyncset.s32 @!p0 $0xFFFFF086;
	s6 =	sadd.s32 @!p0 s3, s7;
	s7 =	simm.s32 @!p0 $0x108  }
0x21: {  	s3 =	sadd.s32 s3, s9;
	s6 =	sadd.s32 @!p0 $0x88, s6;
	s7 =	simm.s32 @p2 $0x1082  }
0x22: {  	[simem:s7], [sflag:s8] =	dma.local @!p0 [hbm:s6], $0xF7A  }
0x23: {  	s9 =	sor.u32 $0xD0000000, s2;
	s6 =	simm.s32 $0x108;
	_ =	swait.ge @!p0 [sflag:s8], $0x0  }
0x24: {  	s3 =	sadd.s32 $0x88, s3;
	s6 =	simm.s32 @!p1 $0x1082;
	[sflag:s4] =	ssyncset.s32 $0xFFFFF086  }
0x25: {  	[simem:s6], [sflag:s4] =	dma.local [hbm:s3], $0xF7A  }
0x26: {  	[smem:$0x3F8F] =	sst s1;
	(tag) =	ssettag s2;
	_ =	strace s9  }
0x27: {  	s1 =	sld [smem:$0x3F9F]  }
0x28: {  	s2 =	sld [smem:$0x3FA0]  }
0x29: {  	s4 =	sld [smem:$0x3FA2]  }
0x2a: {  	p0 =	seq.s32 s5, $0x0;
	s5 =	sld [smem:$0x3FA3]  }
0x2b: {  	s6 =	sld [smem:$0x3FA4]  }
0x2c: {  	s7 =	sld [smem:$0x3FA5]  }
0x2d: {  	s3 =	simm.s32 $0x108;
	s8 =	sld [smem:$0x3FA6]  }
0x2e: {  	s3 =	simm.s32 @!p0 $0x1082;
	s9 =	sld [smem:$0x3FA7]  }
0x2f: {  	lr =	sadd.s32 s0, s3;
	s0 =	sld [smem:$0x3F9E]  }
0x30: {  	s3 =	sld [smem:$0x3FA1]  }
0x31: {  	[smem:$0x3FAA] =	sst s10  }
0x32: {  	s10 =	sld [smem:$0x3FA8];
	_ =	sdelay $0x3  }
0x33: {  	p0 =	seq.s32 s10, $0x1;
	s10 =	sld [smem:$0x3FAA];
	_ =	sdelay $0x3  }
0x34: {  	[smem:$0x3FAA] =	sst s10  }
0x35: {  	s10 =	sld [smem:$0x3FA9];
	_ =	sdelay $0x3  }
0x36: {  	p1 =	seq.s32 s10, $0x1;
	s10 =	sld [smem:$0x3FAA];
	_ =	sdelay $0x3  }
0x37: {  	[smem:$0x3FAA] =	sst s10  }
0x38: {  	s10 =	sld [smem:$0x3FAB]  }
0x39: {  	_ = 	snop;
	(pc) =	sbr.ind lr, $3  }
0x3a: {  	_ = 	snop  }
0x3b: {  	_ = 	snop  }
0x3c: {  	p2 =	seq.s32 s10, $0x1;
	s10 =	sld [smem:$0x3FAA]  }
0x3d: {  	_ =	shalt  }
0x3e: {  	_ =	shalt  }
0x3f: {  	_ =	shalt  }
0x40: {  	_ =	shalt  }
0x41: {  	_ =	shalt  }
0x42: {  	_ =	shalt  }
0x43: {  	_ =	shalt  }
0x44: {  	_ =	shalt  }
0x45: {  	_ =	shalt  }
0x46: {  	_ =	shalt  }
0x47: {  	_ =	shalt  }
0x48: {  	_ =	shalt  }
0x49: {  	_ =	shalt  }
0x4a: {  	_ =	shalt  }
0x4b: {  	_ =	shalt  }
0x4c: {  	_ =	shalt  }
0x4d: {  	_ =	shalt  }
0x4e: {  	_ =	shalt  }
0x4f: {  	_ =	shalt  }
0x50: {  	_ =	shalt  }
0x51: {  	_ =	shalt  }
0x52: {  	_ =	shalt  }
0x53: {  	_ =	shalt  }
0x54: {  	_ =	shalt  }
0x55: {  	_ =	shalt  }
0x56: {  	_ =	shalt  }
0x57: {  	_ =	shalt  }
0x58: {  	_ =	shalt  }
0x59: {  	_ =	shalt  }
0x5a: {  	_ =	shalt  }
0x5b: {  	_ =	shalt  }
0x5c: {  	_ =	shalt  }
0x5d: {  	_ =	shalt  }
0x5e: {  	_ =	shalt  }
0x5f: {  	_ =	shalt  }
0x60: {  	_ =	shalt  }
0x61: {  	_ =	shalt  }
0x62: {  	_ =	shalt  }
0x63: {  	_ =	shalt  }
0x64: {  	_ =	shalt  }
0x65: {  	_ =	shalt  }
0x66: {  	_ =	shalt  }
0x67: {  	_ =	shalt  }
0x68: {  	_ =	shalt  }
0x69: {  	_ =	shalt  }
0x6a: {  	_ =	shalt  }
0x6b: {  	_ =	shalt  }
0x6c: {  	_ =	shalt  }
0x6d: {  	_ =	shalt  }
0x6e: {  	_ =	shalt  }
0x6f: {  	_ =	shalt  }
0x70: {  	_ =	shalt  }
0x71: {  	_ =	shalt  }
0x72: {  	_ =	shalt  }
0x73: {  	_ =	shalt  }
0x74: {  	_ =	shalt  }
0x75: {  	_ =	shalt  }
0x76: {  	_ =	shalt  }
0x77: {  	_ =	shalt  }
0x78: {  	_ =	shalt  }
0x79: {  	_ =	shalt  }
0x7a: {  	_ =	shalt  }
0x7b: {  	_ =	shalt  }
0x7c: {  	_ =	shalt  }
0x7d: {  	_ =	shalt  }
0x7e: {  	_ =	shalt  }
0x7f: {  	_ =	shalt  }
0x80: {  	_ =	shalt  }
0x81: {  	_ =	shalt  }
0x82: {  	_ =	shalt  }
0x83: {  	_ =	shalt  }
0x84: {  	_ =	shalt  }
0x85: {  	_ =	shalt  }
0x86: {  	_ =	shalt  }
0x87: {  	_ =	shalt  }
.Lfunc_end0:
.L_simem_size_0:
called_computation.2_lowered:
.L_overlay_start_0:
0x88: {  	s2 =	sld [smem:$0x3FD9]  }
0x89: {  	s3 =	sld [smem:$0x3FFE];
	_ =	sdelay $0x1  }
0x8a: {  	s1 =	srdreg.scid  }
0x8b: {  	s0 =	sand.u32 $0x1, s1  }
0x8c: {  	s17 =	sshll.u32 s0, $0xA;
	s2 =	sadd.s32 s3, s2  }
0x8d: {  	s2 =	sadd.s32 s2, s17  }
0x8e: {  	[smem:$0x3FB6] =	sst s2  }
0x8f: {  	_ = 	snop  }
0x90: {  	s2 =	sld [smem:$0x3FD0];
	(tm) =	ssettm $0x1  }
0x91: {  	s18 =	sld [smem:$0x3FFB];
	_ =	sdelay $0x3  }
0x92: {  	_ =	strace s18  }
0x93: {  	s3 =	sld [smem:$0x3FFC];
	_ =	sdelay $0x3  }
0x94: {  	_ =	strace s3  }
0x95: {  	s3 =	sld [smem:$0x3FFD];
	_ =	sdelay $0x3  }
0x96: {  	_ =	strace s3  }
0x97: {  	_ =	strace $0x8FFFFFFF  }
0x98: {  	s19 =	sld [smem:$0x3FDB];
	_ =	sdelay $0x1  }
0x99: {  	s4 =	simm.s32 $_scs_section_size  }
0x9a: {  	s5 =	simm.s32 $_size__tile_overlayer_lowered;
	s6 =	simm.s32 $_tile_overlayer_lowered  }
0x9b: {  	s22 =	simm.s32 $0x1BFF;
	s21 =	sshll.u32 s6, $0x1;
	s3 =	sadd.s32 s4, s19  }
0x9c: {  	s7 =	simm.s32 $0x0;
	s20 =	sshll.u32 s5, $0x1;
	s5 =	sadd.s32 s21, s3  }
0x9d: {  	[timem:s7], [sflag:s22] =	dma.local [hbm:s5], s20  }
0x9e: {  	_ =	swait.ge [sflag:s22], s20  }
0x9f: {  	s4 =	ssub.s32 $0x0, s20;
	[sflag:s22] =	ssyncset.done $0x0  }
0xa0: {  	[sflag:s22] =	ssyncadd.s32 s4;
	_ =	sdelay $0x1  }
0xa1: {  	s23 =	simm.s32 $0x1B8B  }
0xa2: {  	_ =	swait.ge [sflag:s23], $0x1  }
0xa3: {  	[sflag:s23] =	ssyncset.done $0x0  }
0xa4: {  	s25 =	simm.s32 $0x1B8E;
	s24 =	sld [smem:$0x3FFE];
	[sflag:s23] =	ssyncadd.s32 $0xFFFFFFFF  }
0xa5: {  	s26 =	simm.s32 $execute0_lowered;
	[smem:$0x3FD2] =	sst s25  }
0xa6: {  	s5 =	sshll.u32 s26, $0x1;
	_ =	strace $0x8000004C;
	[dreg:$0x1] =	wrdreg $0xFFFFFFFF  }
0xa7: {  	s28 =	simm.s32 $_size_execute0_lowered;
	s3 =	sadd.s32 s3, s5;
	[dreg:$0x0] =	wrdreg $0x0  }
0xa8: {  	s5 =	sshll.u32 s28, $0x1;
	[dreg:$0x2] =	wrdreg s3  }
0xa9: {  	[dreg:$0x3] =	wrdreg s5  }
0xaa: {  	[dreg:$0x4] =	wrdreg $0xC0  }
0xab: {  	_ =	task [dreg:s7], $0x5FFFF  }
0xac: {  	[dreg:$0x1] =	wrdreg $0xFFFFFFFF  }
0xad: {  	[dreg:$0x0] =	wrdreg $0x60  }
0xae: {  	[dreg:$0x2] =	wrdreg s24  }
0xaf: {  	[dreg:$0x3] =	wrdreg s2  }
0xb0: {  	[dreg:$0x4] =	wrdreg $0x0  }
0xb1: {  	[dreg:$0x5] =	wrdreg $0x9  }
0xb2: {  	_ =	task.clear_ibuf [dreg:s7], $0x6FFFF;
	_ =	strace $0x9000004C  }
0xb3: {  	s29 =	simm.s32 $0x9;
	_ =	strace $0x8000004E  }
0xb4: {  	_ =	swait.ge [sflag:s29], $0x1  }
0xb5: {  	[sflag:s29] =	ssyncadd.s32 $0xFFFFFFFF  }
0xb6: {  	_ =	strace $0x9000004E  }
0xb7: {  	_ =	sfence  }
0xb8: {  	s30 =	sld [smem:$0x0];
	_ =	sdelay $0x2  }
0xb9: {  	s31 =	sshll.u32 s1, $0xD;
	s1 =	sshrl.u32 s1, $0x2  }
0xba: {  	s3 =	sand.u32 $0x4000, s31;
	s1 =	sadd.s32 s1, s30  }
0xbb: {  	s0 =	sor.u32 s3, s0;
	s1 =	sshll.u32 s1, $0x11  }
0xbc: {  	s0 =	sor.u32 s1, s0  }
0xbd: {  	s0 =	sadd.s32 $0x8F2B, s0  }
0xbe: {  	[sflag:s0] =	ssyncadd.remote.s32 $0x1  }
0xbf: {  	_ =	sfence.sel $0xFFFF  }
0xc0: {  	[dreg:$0x0] =	wrdreg $0xFFFFFFFF;
	(pc) =	sbr.abs _section_cstart, $3  }
0xc1: {  	[dreg:$0x1] =	wrdreg $0xFFFFFFFF  }
0xc2: {  	_ =	task.clear_ibuf [dreg:s7], $0x2FFFF;
	_ =	strace $0x9FFFFFFF  }
0xc3: {  	(tm) =	ssettm $0x7FFFFFFF  }
tec
execute0_lowered:
.L_overlay_start_1:
0x0: {  	(tag) =	ssettag $0x1  }
0x1: {  	s7 =	rddreg [dreg:$0x0]  }
0x2: {  	s1 =	rddreg [dreg:$0x1]  }
0x3: {  	s2 =	rddreg [dreg:$0x2]  }
0x4: {  	s4 =	srdreg.scid;
	s0 =	rddreg [dreg:$0x3];
	s3 =	simm.s32 $0x0  }
0x5: {  	s4 =	sand.u32 $0x1, s4;
	[smem:$0x7FF] =	sst s3;
	s5 =	sadd.s32 $0x6400, s7  }
0x6: {  	s6 =	smul.u32 $0x30E00, s4;
	s8 =	ssub.s32 $0x2, s4;
	s4 =	stileid.u32  }
0x7: {  	_ =	strace $0x8000004D;
	s29 =	sshrl.u32 s8, $0x1;
	s11 =	smul.u32 $0x61C00, s4  }
0x8: {  	s30 =	sshll.u32 s4, $0x6;
	s12 =	smul.u32 $0x18700, s4;
	s9 =	sadd.s32 s6, s7  }
0x9: {  	s10 =	ssub.s32 s8, s29;
	s6 =	sor.u32 $0x1C1F, s30;
	s7 =	sadd.s32 $0x37400, s7  }
0xa: {  	s8 =	sadd.s32 $0x68400, s9;
	s14 =	sadd.s32 $0x12BC00, s9;
	s31 =	sshrl.u32 s11, $0x2  }
0xb: {  	s15 =	sshrl.u32 s12, $0x3;
	s16 =	sadd.s32 s12, s2;
	s9 =	smax.u32 s10, $0x1  }
0xc: {  	s10 =	smul.u32 $0x3100, s4;
	s12 =	simm.s32 $0x1F;
	s11 =	sadd.s32 s31, s2  }
0xd: {  	s14 =	sadd.s32 s15, s14;
	s15 =	sshrl.u32 s16, $0x3;
	s13 =	sadd.s32 $0xC380, s11  }
0xe: {  	s16 =	simm.s32 $0x0;
	s11 =	sshrl.u32 s11, $0x3;
	s13 =	sshrl.u32 s13, $0x3  }
.LBB2_1:
0xf: {  	[spmem:s11], [sflag:s6] =	dma.local [hbm:s1], $0x1870  }
0x10: {  	_ =	swait.ge [sflag:s12], $0x1870  }
0x11: {  	[sflag:s12] =	ssyncset.done $0x0  }
0x12: {  	[sflag:s12] =	ssyncadd.s32 $0xFFFFE790  }
0x13: {  	[spmem:s13], [sflag:s6] =	dma.local [hbm:s1], $0x1870  }
0x14: {  	_ =	swait.ge [sflag:s12], $0x1870  }
0x15: {  	[sflag:s12] =	ssyncset.done $0x0  }
0x16: {  	[sflag:s12] =	ssyncadd.s32 $0xFFFFE790  }
0x17: {  	s17 =	smov.u32 s10;
	s18 =	simm.s32 $0x0;
	[bflag:$0x0] =	sbarrier.arrive $0xFFFF  }
.LBB2_2:
0x18: {  	s19 =	smul.u32 $0xCCCD, s18;
	_ =	sdelay $0x1  }
0x19: {  	s19 =	sshrl.u32 s19, $0x13  }
0x1a: {  	s19 =	smul.u32 $0xA, s19;
	_ =	sdelay $0x1  }
0x1b: {  	s19 =	ssub.s32 s18, s19  }
0x1c: {  	p0 =	slt.u32 s18, $0xA;
	s19 =	sand.u32 $0xFFFF, s19  }
0x1d: {  	s20 =	sadd.s32 @!p0 $0x15, s19  }
0x1e: {  	p1 =	sgt.u32 @!p0 s18, $0x30F;
	_ =	swait.ge @!p0 [sflag:s20], $0x800  }
0x1f: {  	p1 =	por p0, !p1;
	[sflag:s20] =	ssyncset.done @!p0 $0x0  }
0x20: {  	[sflag:s20] =	ssyncadd.s32 @!p0 $0xFFFFF800;
	s20 =	sshll.u32 @p1 s19, $0x7  }
0x21: {  	s22 =	sadd.s32 @p1 s17, s5;
	s19 =	sadd.s32 @p1 $0x1, s19;
	s21 =	sadd.s32 @p1 $0x1D700, s20  }
0x22: {  	[tilespmem:s21], [sflag:s19] =	stream.linear.gather @p1 [hbm4b:s22+s3], $0x80, $0x38;
	[tilespmem:$0x1E100] =	vst v63  }
0x23: {  	s20 =	sadd.s32 @p1 $0x1DC00, s20;
	s21 =	sadd.s32 @p1 s17, s7  }
0x24: {  	[tilespmem:s20], [sflag:s19] =	stream.linear.gather @p1 [hbm4b:s21+s3], $0x80, $0x38;
	[tilespmem:$0x1E100] =	vst v63  }
0x25: {  	s19 =	sadd.s32 $0xFFFFFFFD, s18  }
0x26: {  	p1 =	sgt.u32 s19, $0x30F  }
0x27: {  	s20 =	smul.u32 @!p1 $0xCCCD, s19;
	_ =	sdelay $0x1  }
0x28: {  	s20 =	sshrl.u32 @!p1 s20, $0x13  }
0x29: {  	s20 =	smul.u32 @!p1 $0xA, s20;
	_ =	sdelay $0x1  }
0x2a: {  	s19 =	ssub.s32 @!p1 s19, s20  }
0x2b: {  	s19 =	sand.u32 @!p1 $0xFFFF, s19  }
0x2c: {  	s21 =	sadd.s32 $0xFFFFFFFA, s18;
	s20 =	sadd.s32 @!p1 $0x1, s19  }
0x2d: {  	p0 =	sgt.u32 s21, $0x30F;
	_ =	swait.ge @!p1 [sflag:s20], $0x80  }
0x2e: {  	s22 =	smul.u32 @!p0 $0xCCCD, s21;
	[sflag:s20] =	ssyncset.done @!p1 $0x0  }
0x2f: {  	[sflag:s20] =	ssyncadd.s32 @!p1 $0xFFFFFF80  }
0x30: {  	s22 =	sshrl.u32 @!p0 s22, $0x13;
	_ =	swait.ge @!p1 [sflag:s20], $0x80  }
0x31: {  	s24 =	simm.s32 @!p1 $0x80;
	s22 =	smul.u32 @!p0 $0xA, s22;
	[sflag:s20] =	ssyncset.done @!p1 $0x0  }
0x32: {  	s23 =	sshll.u32 @!p1 s19, $0x7;
	[sflag:s20] =	ssyncadd.s32 @!p1 $0xFFFFFF80;
	s20 =	sshll.u32 @!p1 s19, $0xB  }
0x33: {  	s23 =	sadd.s32 @!p1 $0x1D700, s23;
	s19 =	sadd.s32 @!p1 $0xB, s19;
	s20 =	sor.u32 @!p1 $0x18700, s20  }
0x34: {  	[tilespmem:s20], [sflag:s19] =	stream.indirect.gather @!p1 [hbm4b:s8+s24], $0x10, s23, s24, $0xb8;
	[tilespmem:$0x1E100] =	vst v63  }
0x35: {  	s19 =	ssub.s32 @!p0 s21, s22  }
0x36: {  	s19 =	sand.u32 @!p0 $0xFFFF, s19  }
0x37: {  	s20 =	sadd.s32 @!p0 $0xB, s19  }
0x38: {  	_ =	swait.ge @!p0 [sflag:s20], $0x800  }
0x39: {  	s18 =	sadd.s32 $0x1, s18;
	s22 =	simm.s32 @!p0 $0x80;
	[sflag:s20] =	ssyncset.done @!p0 $0x0  }
0x3a: {  	s21 =	sshll.u32 @!p0 s19, $0xB;
	[sflag:s20] =	ssyncadd.s32 @!p0 $0xFFFFF800;
	s20 =	sshll.u32 @!p0 s19, $0x7  }
0x3b: {  	s21 =	sor.u32 @!p0 $0x18700, s21;
	s19 =	sadd.s32 @!p0 $0x15, s19;
	s20 =	sadd.s32 @!p0 $0x1DC00, s20  }
0x3c: {  	[spmem:s2] =	stream.indirect.scatter.add.f32 @!p0 [tilespmem:s21], [sflag:s19], $0x10, s20, s22, $0xb8;
	[tilespmem:$0x1E100] =	vst v63  }
0x3d: {  	p0 =	sne.s32 s18, $0x31A  }
.Ltmp0:
0x3e: {  	_ = 	snop;
	(pc) =	sbr.rel @p0 .LBB2_2-.Ltmp0, $2  }
0x3f: {  	_ =	sdelay $0x2  }
0x40: {  	s17 =	sadd.s32 $0x10, s17  }
0x41: {  	s16 =	sadd.s32 $0x1, s16  }
0x42: {  	p0 =	sne.s32 s16, s9  }
.Ltmp1:
0x43: {  	[bflag:$0x0] =	sbarrier.arrive $0xFFFF;
	(pc) =	sbr.rel @p0 .LBB2_1-.Ltmp1, $4  }
0x44: {  	[hbm:s14], [sflag:s6] =	dma.local [spmem:s15], $0x30E0  }
0x45: {  	_ =	swait.ge [sflag:s12], $0x30E0  }
0x46: {  	[sflag:s12] =	ssyncset.done $0x0  }
0x47: {  	[sflag:s12] =	ssyncadd.s32 $0xFFFFCF20  }
0x48: {  	_ =	sfence.sel $0x180000  }
0x49: {  	[bflag:$0x0] =	sbarrier.arrive $0xFFFF  }
0x4a: {  	p0 =	sne.s32 s4, $0x0;
	_ =	strace $0x9000004D  }
0x4b: {  	s0 =	sadd.s32 @!p0 $0x100000, s0;
	[bflag:$0x2] =	sbarrier.arrive $0xFFFF  }
0x4c: {  	[sflag:s0] =	ssyncadd.tile.s32 @!p0 $0x1;
	_ =	shalt  }
.Lfunc_end2:
_tile_overlayer_lowered:
.L_overlay_start_2:
0x4d: {  	(tag) =	ssettag $0x2  }
0x4e: {  	s0 =	rddreg [dreg:$0x0];
	s2 =	stileid.u32  }
0x4f: {  	s1 =	rddreg [dreg:$0x1];
	p0 =	sne.s32 s2, $0x0  }
0x50: {  	s3 =	rddreg [dreg:$0x2];
	[bflag:$0x3] =	sbarrier.arrive $0xFFFF;
	s2 =	simm.s32 @!p0 $0x1C1F  }
0x51: {  	[timem:s3], [sflag:s2] =	dma.local @!p0 [hbm:s0], s1  }
0x52: {  	s0 =	simm.s32 @!p0 $0x1F  }
0x53: {  	_ =	swait.ge @!p0 [sflag:s0], s1  }
0x54: {  	s1 =	ssub.s32 @!p0 $0x0, s1;
	[sflag:s0] =	ssyncset.done @!p0 $0x0  }
0x55: {  	[sflag:s0] =	ssyncadd.s32 @!p0 s1  }
0x56: {  	[bflag:$0x3] =	sbarrier.arrive $0xFFFF  }
0x57: {  	_ =	shalt  }

// kernel: kernel.19.cloned.1.call-start
scs
__scs_entry_jumppad:
0x0: {  	(pc) =	sbr.rel $0x88, $3  }
0x1: {  	(tag) =	ssettag $0x0;
	lr =	simm.s32 $0x1  }
0x2: {  	[smem:$0x3F8F] =	sst lr;
	_ =	strace $0xD0000000  }
0x3: {  	_ = 	snop  }
0x4: {  	_ = 	snop  }
0x5: {  	_ = 	snop  }
0x6: {  	_ = 	snop  }
0x7: {  	_ = 	snop  }
__scs_overlays_trampoline_lowered:
0x8: {  	[smem:$0x3F9E] =	sst s0  }
0x9: {  	[smem:$0x3F9F] =	sst s1  }
0xa: {  	[smem:$0x3FA0] =	sst s2  }
0xb: {  	[smem:$0x3FA1] =	sst s3  }
0xc: {  	[smem:$0x3FA2] =	sst s4  }
0xd: {  	[smem:$0x3FA3] =	sst s5  }
0xe: {  	[smem:$0x3FA4] =	sst s6  }
0xf: {  	[smem:$0x3FA5] =	sst s7  }
0x10: {  	[smem:$0x3FA6] =	sst s8  }
0x11: {  	[smem:$0x3FA7] =	sst s9;
	s0 =	simm.s32 @!p0 $0x0  }
0x12: {  	s1 =	sld [smem:$0x3F8D];
	s0 =	simm.s32 @p0 $0x1  }
0x13: {  	[smem:$0x3FA8] =	sst s0;
	s0 =	simm.s32 @!p1 $0x0  }
0x14: {  	s2 =	sld [smem:$0x3F8C];
	s0 =	simm.s32 @p1 $0x1  }
0x15: {  	[smem:$0x3FA9] =	sst s0;
	s0 =	simm.s32 @!p2 $0x0  }
0x16: {  	s3 =	sld [smem:$0x3FDB];
	s0 =	simm.s32 @p2 $0x1  }
0x17: {  	s4 =	simm.s32 $0x1BF5;
	[smem:$0x3FAB] =	sst s0  }
0x18: {  	s0 =	sld [smem:$0x3F8E];
	_ =	swait.ge [sflag:s4], $0x0  }
0x19: {  	s7 =	sld [smem:$0x3F8F]  }
0x1a: {  	s8 =	sadd.s32 $0xFFFFE003, lr  }
0x1b: {  	s9 =	sadd.s32 $0xFFFFFEF7, lr;
	s5 =	simm.s32 $0xFFFFFFFF;
	p2 =	slt.u32 s8, $0xFFFFF086  }
0x1c: {  	p1 =	slt.u32 s9, $0xF7A;
	s5 =	simm.s32 @!p2 $0x0  }
0x1d: {  	s5 =	simm.s32 @p1 $0x1;
	p0 =	seq.s32 s7, s2  }
0x1e: {  	s7 =	smul.u32 @!p0 $0xF7A, s2;
	p2 =	seq.s32 @!p0 s5, $0x0  }
0x1f: {  	s9 =	smul.u32 $0xF7A, s1;
	s8 =	simm.s32 @!p0 $0x1BF5;
	p2 =	por !p2, p0  }
0x20: {  	[sflag:s8] =	ssyncset.s32 @!p0 $0xFFFFF086;
	s6 =	sadd.s32 @!p0 s3, s7;
	s7 =	simm.s32 @!p0 $0x108  }
0x21: {  	s3 =	sadd.s32 s3, s9;
	s6 =	sadd.s32 @!p0 $0x88, s6;
	s7 =	simm.s32 @p2 $0x1082  }
0x22: {  	[simem:s7], [sflag:s8] =	dma.local @!p0 [hbm:s6], $0xF7A  }
0x23: {  	s9 =	sor.u32 $0xD0000000, s2;
	s6 =	simm.s32 $0x108;
	_ =	swait.ge @!p0 [sflag:s8], $0x0  }
0x24: {  	s3 =	sadd.s32 $0x88, s3;
	s6 =	simm.s32 @!p1 $0x1082;
	[sflag:s4] =	ssyncset.s32 $0xFFFFF086  }
0x25: {  	[simem:s6], [sflag:s4] =	dma.local [hbm:s3], $0xF7A  }
0x26: {  	[smem:$0x3F8F] =	sst s1;
	(tag) =	ssettag s2;
	_ =	strace s9  }
0x27: {  	s1 =	sld [smem:$0x3F9F]  }
0x28: {  	s2 =	sld [smem:$0x3FA0]  }
0x29: {  	s4 =	sld [smem:$0x3FA2]  }
0x2a: {  	p0 =	seq.s32 s5, $0x0;
	s5 =	sld [smem:$0x3FA3]  }
0x2b: {  	s6 =	sld [smem:$0x3FA4]  }
0x2c: {  	s7 =	sld [smem:$0x3FA5]  }
0x2d: {  	s3 =	simm.s32 $0x108;
	s8 =	sld [smem:$0x3FA6]  }
0x2e: {  	s3 =	simm.s32 @!p0 $0x1082;
	s9 =	sld [smem:$0x3FA7]  }
0x2f: {  	lr =	sadd.s32 s0, s3;
	s0 =	sld [smem:$0x3F9E]  }
0x30: {  	s3 =	sld [smem:$0x3FA1]  }
0x31: {  	[smem:$0x3FAA] =	sst s10  }
0x32: {  	s10 =	sld [smem:$0x3FA8];
	_ =	sdelay $0x3  }
0x33: {  	p0 =	seq.s32 s10, $0x1;
	s10 =	sld [smem:$0x3FAA];
	_ =	sdelay $0x3  }
0x34: {  	[smem:$0x3FAA] =	sst s10  }
0x35: {  	s10 =	sld [smem:$0x3FA9];
	_ =	sdelay $0x3  }
0x36: {  	p1 =	seq.s32 s10, $0x1;
	s10 =	sld [smem:$0x3FAA];
	_ =	sdelay $0x3  }
0x37: {  	[smem:$0x3FAA] =	sst s10  }
0x38: {  	s10 =	sld [smem:$0x3FAB]  }
0x39: {  	_ = 	snop;
	(pc) =	sbr.ind lr, $3  }
0x3a: {  	_ = 	snop  }
0x3b: {  	_ = 	snop  }
0x3c: {  	p2 =	seq.s32 s10, $0x1;
	s10 =	sld [smem:$0x3FAA]  }
0x3d: {  	_ =	shalt  }
0x3e: {  	_ =	shalt  }
0x3f: {  	_ =	shalt  }
0x40: {  	_ =	shalt  }
0x41: {  	_ =	shalt  }
0x42: {  	_ =	shalt  }
0x43: {  	_ =	shalt  }
0x44: {  	_ =	shalt  }
0x45: {  	_ =	shalt  }
0x46: {  	_ =	shalt  }
0x47: {  	_ =	shalt  }
0x48: {  	_ =	shalt  }
0x49: {  	_ =	shalt  }
0x4a: {  	_ =	shalt  }
0x4b: {  	_ =	shalt  }
0x4c: {  	_ =	shalt  }
0x4d: {  	_ =	shalt  }
0x4e: {  	_ =	shalt  }
0x4f: {  	_ =	shalt  }
0x50: {  	_ =	shalt  }
0x51: {  	_ =	shalt  }
0x52: {  	_ =	shalt  }
0x53: {  	_ =	shalt  }
0x54: {  	_ =	shalt  }
0x55: {  	_ =	shalt  }
0x56: {  	_ =	shalt  }
0x57: {  	_ =	shalt  }
0x58: {  	_ =	shalt  }
0x59: {  	_ =	shalt  }
0x5a: {  	_ =	shalt  }
0x5b: {  	_ =	shalt  }
0x5c: {  	_ =	shalt  }
0x5d: {  	_ =	shalt  }
0x5e: {  	_ =	shalt  }
0x5f: {  	_ =	shalt  }
0x60: {  	_ =	shalt  }
0x61: {  	_ =	shalt  }
0x62: {  	_ =	shalt  }
0x63: {  	_ =	shalt  }
0x64: {  	_ =	shalt  }
0x65: {  	_ =	shalt  }
0x66: {  	_ =	shalt  }
0x67: {  	_ =	shalt  }
0x68: {  	_ =	shalt  }
0x69: {  	_ =	shalt  }
0x6a: {  	_ =	shalt  }
0x6b: {  	_ =	shalt  }
0x6c: {  	_ =	shalt  }
0x6d: {  	_ =	shalt  }
0x6e: {  	_ =	shalt  }
0x6f: {  	_ =	shalt  }
0x70: {  	_ =	shalt  }
0x71: {  	_ =	shalt  }
0x72: {  	_ =	shalt  }
0x73: {  	_ =	shalt  }
0x74: {  	_ =	shalt  }
0x75: {  	_ =	shalt  }
0x76: {  	_ =	shalt  }
0x77: {  	_ =	shalt  }
0x78: {  	_ =	shalt  }
0x79: {  	_ =	shalt  }
0x7a: {  	_ =	shalt  }
0x7b: {  	_ =	shalt  }
0x7c: {  	_ =	shalt  }
0x7d: {  	_ =	shalt  }
0x7e: {  	_ =	shalt  }
0x7f: {  	_ =	shalt  }
0x80: {  	_ =	shalt  }
0x81: {  	_ =	shalt  }
0x82: {  	_ =	shalt  }
0x83: {  	_ =	shalt  }
0x84: {  	_ =	shalt  }
0x85: {  	_ =	shalt  }
0x86: {  	_ =	shalt  }
0x87: {  	_ =	shalt  }
.Lfunc_end0:
.L_simem_size_0:
called_computation.3_lowered:
.L_overlay_start_0:
0x88: {  	s2 =	sld [smem:$0x3FD9]  }
0x89: {  	s3 =	sld [smem:$0x3FFE];
	_ =	sdelay $0x1  }
0x8a: {  	s1 =	srdreg.scid  }
0x8b: {  	s0 =	sand.u32 $0x1, s1  }
0x8c: {  	s17 =	sshll.u32 s0, $0xA;
	s2 =	sadd.s32 s3, s2  }
0x8d: {  	s2 =	sadd.s32 s2, s17  }
0x8e: {  	[smem:$0x3FB6] =	sst s2  }
0x8f: {  	_ = 	snop  }
0x90: {  	s2 =	sld [smem:$0x3FD0];
	(tm) =	ssettm $0x1  }
0x91: {  	s18 =	sld [smem:$0x3FFB];
	_ =	sdelay $0x3  }
0x92: {  	_ =	strace s18  }
0x93: {  	s3 =	sld [smem:$0x3FFC];
	_ =	sdelay $0x3  }
0x94: {  	_ =	strace s3  }
0x95: {  	s3 =	sld [smem:$0x3FFD];
	_ =	sdelay $0x3  }
0x96: {  	_ =	strace s3  }
0x97: {  	_ =	strace $0x8FFFFFFF  }
0x98: {  	s19 =	sld [smem:$0x3FDB];
	_ =	sdelay $0x1  }
0x99: {  	s4 =	simm.s32 $_scs_section_size  }
0x9a: {  	s5 =	simm.s32 $_size__tile_overlayer_lowered;
	s6 =	simm.s32 $_tile_overlayer_lowered  }
0x9b: {  	s22 =	simm.s32 $0x1BFF;
	s21 =	sshll.u32 s6, $0x1;
	s3 =	sadd.s32 s4, s19  }
0x9c: {  	s7 =	simm.s32 $0x0;
	s20 =	sshll.u32 s5, $0x1;
	s5 =	sadd.s32 s21, s3  }
0x9d: {  	[timem:s7], [sflag:s22] =	dma.local [hbm:s5], s20  }
0x9e: {  	_ =	swait.ge [sflag:s22], s20  }
0x9f: {  	s4 =	ssub.s32 $0x0, s20;
	[sflag:s22] =	ssyncset.done $0x0  }
0xa0: {  	[sflag:s22] =	ssyncadd.s32 s4;
	_ =	sdelay $0x1  }
0xa1: {  	s23 =	simm.s32 $0x1B8B  }
0xa2: {  	_ =	swait.ge [sflag:s23], $0x1  }
0xa3: {  	[sflag:s23] =	ssyncset.done $0x0  }
0xa4: {  	s25 =	simm.s32 $0x1B8E;
	s24 =	sld [smem:$0x3FFE];
	[sflag:s23] =	ssyncadd.s32 $0xFFFFFFFF  }
0xa5: {  	s26 =	simm.s32 $execute0_lowered;
	[smem:$0x3FD2] =	sst s25  }
0xa6: {  	s5 =	sshll.u32 s26, $0x1;
	_ =	strace $0x8000004F;
	[dreg:$0x1] =	wrdreg $0xFFFFFFFF  }
0xa7: {  	s28 =	simm.s32 $_size_execute0_lowered;
	s3 =	sadd.s32 s3, s5;
	[dreg:$0x0] =	wrdreg $0x0  }
0xa8: {  	s5 =	sshll.u32 s28, $0x1;
	[dreg:$0x2] =	wrdreg s3  }
0xa9: {  	[dreg:$0x3] =	wrdreg s5  }
0xaa: {  	[dreg:$0x4] =	wrdreg $0xC0  }
0xab: {  	_ =	task [dreg:s7], $0x5FFFF  }
0xac: {  	[dreg:$0x1] =	wrdreg $0xFFFFFFFF  }
0xad: {  	[dreg:$0x0] =	wrdreg $0x60  }
0xae: {  	[dreg:$0x2] =	wrdreg s24  }
0xaf: {  	[dreg:$0x3] =	wrdreg s2  }
0xb0: {  	[dreg:$0x4] =	wrdreg $0x0  }
0xb1: {  	[dreg:$0x5] =	wrdreg $0x9  }
0xb2: {  	_ =	task.clear_ibuf [dreg:s7], $0x6FFFF;
	_ =	strace $0x9000004F  }
0xb3: {  	s29 =	simm.s32 $0x9;
	_ =	strace $0x80000051  }
0xb4: {  	_ =	swait.ge [sflag:s29], $0x1  }
0xb5: {  	[sflag:s29] =	ssyncadd.s32 $0xFFFFFFFF  }
0xb6: {  	_ =	strace $0x90000051  }
0xb7: {  	_ =	sfence  }
0xb8: {  	s30 =	sld [smem:$0x0];
	_ =	sdelay $0x2  }
0xb9: {  	s31 =	sshll.u32 s1, $0xD;
	s1 =	sshrl.u32 s1, $0x2  }
0xba: {  	s3 =	sand.u32 $0x4000, s31;
	s1 =	sadd.s32 s1, s30  }
0xbb: {  	s0 =	sor.u32 s3, s0;
	s1 =	sshll.u32 s1, $0x11  }
0xbc: {  	s0 =	sor.u32 s1, s0  }
0xbd: {  	s0 =	sadd.s32 $0x8F2B, s0  }
0xbe: {  	[sflag:s0] =	ssyncadd.remote.s32 $0x1  }
0xbf: {  	_ =	sfence.sel $0xFFFF  }
0xc0: {  	[dreg:$0x0] =	wrdreg $0xFFFFFFFF;
	(pc) =	sbr.abs _section_cstart, $3  }
0xc1: {  	[dreg:$0x1] =	wrdreg $0xFFFFFFFF  }
0xc2: {  	_ =	task.clear_ibuf [dreg:s7], $0x2FFFF;
	_ =	strace $0x9FFFFFFF  }
0xc3: {  	(tm) =	ssettm $0x7FFFFFFF  }
tec
execute0_lowered:
.L_overlay_start_1:
0x0: {  	(tag) =	ssettag $0x1  }
0x1: {  	s7 =	rddreg [dreg:$0x0]  }
0x2: {  	s1 =	rddreg [dreg:$0x1]  }
0x3: {  	s2 =	rddreg [dreg:$0x2]  }
0x4: {  	s4 =	srdreg.scid;
	s0 =	rddreg [dreg:$0x3];
	s3 =	simm.s32 $0x0  }
0x5: {  	s4 =	sand.u32 $0x1, s4;
	[smem:$0x7FF] =	sst s3;
	s5 =	sadd.s32 $0x6400, s7  }
0x6: {  	s6 =	smul.u32 $0x30E00, s4;
	s8 =	ssub.s32 $0x2, s4;
	s4 =	stileid.u32  }
0x7: {  	_ =	strace $0x80000050;
	s29 =	sshrl.u32 s8, $0x1;
	s11 =	smul.u32 $0x61C00, s4  }
0x8: {  	s30 =	sshll.u32 s4, $0x6;
	s12 =	smul.u32 $0x18700, s4;
	s9 =	sadd.s32 s6, s7  }
0x9: {  	s10 =	ssub.s32 s8, s29;
	s6 =	sor.u32 $0x1C1F, s30;
	s7 =	sadd.s32 $0x37400, s7  }
0xa: {  	s8 =	sadd.s32 $0x68400, s9;
	s14 =	sadd.s32 $0x12BC00, s9;
	s31 =	sshrl.u32 s11, $0x2  }
0xb: {  	s15 =	sshrl.u32 s12, $0x3;
	s16 =	sadd.s32 s12, s2;
	s9 =	smax.u32 s10, $0x1  }
0xc: {  	s10 =	smul.u32 $0x3100, s4;
	s12 =	simm.s32 $0x1F;
	s11 =	sadd.s32 s31, s2  }
0xd: {  	s14 =	sadd.s32 s15, s14;
	s15 =	sshrl.u32 s16, $0x3;
	s13 =	sadd.s32 $0xC380, s11  }
0xe: {  	s16 =	simm.s32 $0x0;
	s11 =	sshrl.u32 s11, $0x3;
	s13 =	sshrl.u32 s13, $0x3  }
.LBB2_1:
0xf: {  	[spmem:s11], [sflag:s6] =	dma.local [hbm:s1], $0x1870  }
0x10: {  	_ =	swait.ge [sflag:s12], $0x1870  }
0x11: {  	[sflag:s12] =	ssyncset.done $0x0  }
0x12: {  	[sflag:s12] =	ssyncadd.s32 $0xFFFFE790  }
0x13: {  	[spmem:s13], [sflag:s6] =	dma.local [hbm:s1], $0x1870  }
0x14: {  	_ =	swait.ge [sflag:s12], $0x1870  }
0x15: {  	[sflag:s12] =	ssyncset.done $0x0  }
0x16: {  	[sflag:s12] =	ssyncadd.s32 $0xFFFFE790  }
0x17: {  	s17 =	smov.u32 s10;
	s18 =	simm.s32 $0x0;
	[bflag:$0x0] =	sbarrier.arrive $0xFFFF  }
.LBB2_2:
0x18: {  	s19 =	smul.u32 $0xCCCD, s18;
	_ =	sdelay $0x1  }
0x19: {  	s19 =	sshrl.u32 s19, $0x13  }
0x1a: {  	s19 =	smul.u32 $0xA, s19;
	_ =	sdelay $0x1  }
0x1b: {  	s19 =	ssub.s32 s18, s19  }
0x1c: {  	p0 =	slt.u32 s18, $0xA;
	s19 =	sand.u32 $0xFFFF, s19  }
0x1d: {  	s20 =	sadd.s32 @!p0 $0x15, s19  }
0x1e: {  	p1 =	sgt.u32 @!p0 s18, $0x30F;
	_ =	swait.ge @!p0 [sflag:s20], $0x800  }
0x1f: {  	p1 =	por p0, !p1;
	[sflag:s20] =	ssyncset.done @!p0 $0x0  }
0x20: {  	[sflag:s20] =	ssyncadd.s32 @!p0 $0xFFFFF800;
	s20 =	sshll.u32 @p1 s19, $0x7  }
0x21: {  	s22 =	sadd.s32 @p1 s17, s5;
	s19 =	sadd.s32 @p1 $0x1, s19;
	s21 =	sadd.s32 @p1 $0x1D700, s20  }
0x22: {  	[tilespmem:s21], [sflag:s19] =	stream.linear.gather @p1 [hbm4b:s22+s3], $0x80, $0x38;
	[tilespmem:$0x1E100] =	vst v63  }
0x23: {  	s20 =	sadd.s32 @p1 $0x1DC00, s20;
	s21 =	sadd.s32 @p1 s17, s7  }
0x24: {  	[tilespmem:s20], [sflag:s19] =	stream.linear.gather @p1 [hbm4b:s21+s3], $0x80, $0x38;
	[tilespmem:$0x1E100] =	vst v63  }
0x25: {  	s19 =	sadd.s32 $0xFFFFFFFD, s18  }
0x26: {  	p1 =	sgt.u32 s19, $0x30F  }
0x27: {  	s20 =	smul.u32 @!p1 $0xCCCD, s19;
	_ =	sdelay $0x1  }
0x28: {  	s20 =	sshrl.u32 @!p1 s20, $0x13  }
0x29: {  	s20 =	smul.u32 @!p1 $0xA, s20;
	_ =	sdelay $0x1  }
0x2a: {  	s19 =	ssub.s32 @!p1 s19, s20  }
0x2b: {  	s19 =	sand.u32 @!p1 $0xFFFF, s19  }
0x2c: {  	s21 =	sadd.s32 $0xFFFFFFFA, s18;
	s20 =	sadd.s32 @!p1 $0x1, s19  }
0x2d: {  	p0 =	sgt.u32 s21, $0x30F;
	_ =	swait.ge @!p1 [sflag:s20], $0x80  }
0x2e: {  	s22 =	smul.u32 @!p0 $0xCCCD, s21;
	[sflag:s20] =	ssyncset.done @!p1 $0x0  }
0x2f: {  	[sflag:s20] =	ssyncadd.s32 @!p1 $0xFFFFFF80  }
0x30: {  	s22 =	sshrl.u32 @!p0 s22, $0x13;
	_ =	swait.ge @!p1 [sflag:s20], $0x80  }
0x31: {  	s24 =	simm.s32 @!p1 $0x80;
	s22 =	smul.u32 @!p0 $0xA, s22;
	[sflag:s20] =	ssyncset.done @!p1 $0x0  }
0x32: {  	s23 =	sshll.u32 @!p1 s19, $0x7;
	[sflag:s20] =	ssyncadd.s32 @!p1 $0xFFFFFF80;
	s20 =	sshll.u32 @!p1 s19, $0xB  }
0x33: {  	s23 =	sadd.s32 @!p1 $0x1D700, s23;
	s19 =	sadd.s32 @!p1 $0xB, s19;
	s20 =	sor.u32 @!p1 $0x18700, s20  }
0x34: {  	[tilespmem:s20], [sflag:s19] =	stream.indirect.gather @!p1 [hbm4b:s8+s24], $0x10, s23, s24, $0xb8;
	[tilespmem:$0x1E100] =	vst v63  }
0x35: {  	s19 =	ssub.s32 @!p0 s21, s22  }
0x36: {  	s19 =	sand.u32 @!p0 $0xFFFF, s19  }
0x37: {  	s20 =	sadd.s32 @!p0 $0xB, s19  }
0x38: {  	_ =	swait.ge @!p0 [sflag:s20], $0x800  }
0x39: {  	s18 =	sadd.s32 $0x1, s18;
	s22 =	simm.s32 @!p0 $0x80;
	[sflag:s20] =	ssyncset.done @!p0 $0x0  }
0x3a: {  	s21 =	sshll.u32 @!p0 s19, $0xB;
	[sflag:s20] =	ssyncadd.s32 @!p0 $0xFFFFF800;
	s20 =	sshll.u32 @!p0 s19, $0x7  }
0x3b: {  	s21 =	sor.u32 @!p0 $0x18700, s21;
	s19 =	sadd.s32 @!p0 $0x15, s19;
	s20 =	sadd.s32 @!p0 $0x1DC00, s20  }
0x3c: {  	[spmem:s2] =	stream.indirect.scatter.add.f32 @!p0 [tilespmem:s21], [sflag:s19], $0x10, s20, s22, $0xb8;
	[tilespmem:$0x1E100] =	vst v63  }
0x3d: {  	p0 =	sne.s32 s18, $0x31A  }
.Ltmp0:
0x3e: {  	_ = 	snop;
	(pc) =	sbr.rel @p0 .LBB2_2-.Ltmp0, $2  }
0x3f: {  	_ =	sdelay $0x2  }
0x40: {  	s17 =	sadd.s32 $0x10, s17  }
0x41: {  	s16 =	sadd.s32 $0x1, s16  }
0x42: {  	p0 =	sne.s32 s16, s9  }
.Ltmp1:
0x43: {  	[bflag:$0x0] =	sbarrier.arrive $0xFFFF;
	(pc) =	sbr.rel @p0 .LBB2_1-.Ltmp1, $4  }
0x44: {  	[hbm:s14], [sflag:s6] =	dma.local [spmem:s15], $0x30E0  }
0x45: {  	_ =	swait.ge [sflag:s12], $0x30E0  }
0x46: {  	[sflag:s12] =	ssyncset.done $0x0  }
0x47: {  	[sflag:s12] =	ssyncadd.s32 $0xFFFFCF20  }
0x48: {  	_ =	sfence.sel $0x180000  }
0x49: {  	[bflag:$0x0] =	sbarrier.arrive $0xFFFF  }
0x4a: {  	p0 =	sne.s32 s4, $0x0;
	_ =	strace $0x90000050  }
0x4b: {  	s0 =	sadd.s32 @!p0 $0x100000, s0;
	[bflag:$0x2] =	sbarrier.arrive $0xFFFF  }
0x4c: {  	[sflag:s0] =	ssyncadd.tile.s32 @!p0 $0x1;
	_ =	shalt  }
.Lfunc_end2:
_tile_overlayer_lowered:
.L_overlay_start_2:
0x4d: {  	(tag) =	ssettag $0x2  }
0x4e: {  	s0 =	rddreg [dreg:$0x0];
	s2 =	stileid.u32  }
0x4f: {  	s1 =	rddreg [dreg:$0x1];
	p0 =	sne.s32 s2, $0x0  }
0x50: {  	s3 =	rddreg [dreg:$0x2];
	[bflag:$0x3] =	sbarrier.arrive $0xFFFF;
	s2 =	simm.s32 @!p0 $0x1C1F  }
0x51: {  	[timem:s3], [sflag:s2] =	dma.local @!p0 [hbm:s0], s1  }
0x52: {  	s0 =	simm.s32 @!p0 $0x1F  }
0x53: {  	_ =	swait.ge @!p0 [sflag:s0], s1  }
0x54: {  	s1 =	ssub.s32 @!p0 $0x0, s1;
	[sflag:s0] =	ssyncset.done @!p0 $0x0  }
0x55: {  	[sflag:s0] =	ssyncadd.s32 @!p0 s1  }
0x56: {  	[bflag:$0x3] =	sbarrier.arrive $0xFFFF  }
0x57: {  	_ =	shalt  }

</sc_bundles>
